<compile_context>
chip_gen: v7x
topology: tpu7x:2x2x1
jax: 0.10.2.dev20260603
libtpu: 0.0.44.dev20260713+nightly
codegen_flags: <defaults>
</compile_context>

<pallas_src>
import functools

import jax
import jax.numpy as jnp
from jax import lax
from jax.experimental import pallas as pl
from jax.experimental.pallas import tpu as pltpu
from jax.experimental.pallas import tpu_sc as plsc

N_NODES = 10000
N_EDGES = 320000
D_FEAT = 128
HIDDEN = 128
N_CLASSES = 64

NC = 2
NS = 16
NW = NC * NS
EPT = N_EDGES // NW
CHUNK = 80
NCH = EPT // CHUNK
NBUF = 5
N_PAD = 10240
RPT = N_PAD // NS
ZROWS = 128

BLK = 1000
GRID = N_NODES // BLK

_mesh = lambda: plsc.VectorSubcoreMesh(core_axis_name="c", subcore_axis_name="s")
_SC_PARAMS = pltpu.CompilerParams(needs_layout_passes=False,
                                  use_tc_tiling_on_sc=False)


@functools.partial(
    pl.kernel,
    out_type=jax.ShapeDtypeStruct((NW, 1, N_NODES), jnp.float32),
    mesh=_mesh(),
    compiler_params=_SC_PARAMS,
    scratch_types=[
        pltpu.VMEM((NCH, CHUNK), jnp.int32),
        pltpu.VMEM((N_NODES,), jnp.float32),
    ],
)
def _degree_kernel(dst_hbm, out_hbm, idx_v, hist_v):
    c = lax.axis_index("c")
    s = lax.axis_index("s")
    wid = s * NC + c
    pltpu.sync_copy(dst_hbm.at[wid], idx_v)
    zeros = jnp.zeros((16,), jnp.float32)

    def zbody(i, carry):
        hist_v[pl.ds(i * 16, 16)] = zeros
        return carry

    lax.fori_loop(0, N_NODES // 16, zbody, 0)
    ones = jnp.ones((16,), jnp.float32)

    def body(j, carry):
        for l in range(CHUNK // 16):
            idx16 = idx_v[j, pl.ds(l * 16, 16)]
            plsc.addupdate_scatter(hist_v, [idx16], ones)
        return carry

    lax.fori_loop(0, NCH, body, 0)
    pltpu.sync_copy(hist_v, out_hbm.at[wid, 0])


def _make_propagate(mode, nbuf=NBUF):
    nch = N_EDGES // NS // CHUNK if mode == "cols" else NCH

    ngroups = nch // nbuf

    @functools.partial(
        pl.kernel,
        out_type=jax.ShapeDtypeStruct((NC, N_PAD, 64), jnp.float32),
        mesh=_mesh(),
        compiler_params=_SC_PARAMS,
        scratch_types=[
            pltpu.VMEM((nch, CHUNK), jnp.int32),
            pltpu.VMEM((nch, CHUNK), jnp.int32),
            [pltpu.VMEM((CHUNK, 64), jnp.float32) for _ in range(nbuf)],
            pltpu.VMEM((ZROWS, 64), jnp.float32),
            pltpu.VMEM_SHARED((N_PAD, 64), jnp.float32),
            [pltpu.SemaphoreType.DMA for _ in range(nbuf)],
            [pltpu.SemaphoreType.DMA for _ in range(nbuf)],
        ],
    )
    def prop(y_hbm, src_hbm, dst_hbm, out_hbm, src_v, dst_v, rows, zbuf, acc,
             gsem, ssem):
        c = lax.axis_index("c")
        s = lax.axis_index("s")
        if mode == "cols":
            widx = s
            ysrc = y_hbm.at[c]
        else:
            widx = s * NC + c
            ysrc = y_hbm
        pltpu.sync_copy(src_hbm.at[widx], src_v)
        pltpu.sync_copy(dst_hbm.at[widx], dst_v)

        zeros = jnp.zeros((16,), jnp.float32)

        def zbody(i, carry):
            for l in range(4):
                zbuf[i, pl.ds(l * 16, 16)] = zeros
            return carry

        lax.fori_loop(0, ZROWS, zbody, 0)
        for k in range(RPT // ZROWS):
            pltpu.sync_copy(zbuf, acc.at[pl.ds(s * RPT + k * ZROWS, ZROWS)])
        plsc.subcore_barrier()

        for b in range(nbuf):
            pltpu.async_copy(ysrc.at[src_v.at[b]], rows[b], gsem[b])

        def body(g, carry):
            for b in range(nbuf):
                j = g * nbuf + b
                pltpu.make_async_copy(ysrc.at[src_v.at[j]], rows[b],
                                      gsem[b]).wait()
                pltpu.async_copy(rows[b], acc.at[dst_v.at[j]], ssem[b],
                                 add=True)
            for b in range(nbuf):
                j = g * nbuf + b
                pltpu.make_async_copy(rows[b], acc.at[dst_v.at[j]],
                                      ssem[b]).wait()

                @pl.when(g + 1 < ngroups)
                def _():
                    pltpu.async_copy(ysrc.at[src_v.at[j + nbuf]], rows[b],
                                     gsem[b])

            return carry

        lax.fori_loop(0, ngroups, body, 0)
        plsc.subcore_barrier()
        pltpu.sync_copy(acc.at[pl.ds(s * RPT, RPT)],
                        out_hbm.at[c].at[pl.ds(s * RPT, RPT)])

    return prop


_prop_cols = _make_propagate("cols")
_prop_edges = _make_propagate("edges")


def _mm1_body(x_ref, w_ref, o_ref):
    o_ref[...] = jnp.dot(x_ref[...], w_ref[...],
                         preferred_element_type=jnp.float32)


def _mm1(x, w):
    return pl.pallas_call(
        _mm1_body,
        grid=(GRID,),
        in_specs=[
            pl.BlockSpec((BLK, D_FEAT), lambda i: (i, 0)),
            pl.BlockSpec((D_FEAT, HIDDEN), lambda i: (0, 0)),
        ],
        out_specs=pl.BlockSpec((BLK, HIDDEN), lambda i: (i, 0)),
        out_shape=jax.ShapeDtypeStruct((N_NODES, HIDDEN), jnp.float32),
    )(x, w)


def _front_body(hist_ref, xw_ref, y_ref, dinv_ref):
    ones = jnp.ones((NW, 1), jnp.float32)
    deg = lax.dot_general(hist_ref[...], ones, (((0,), (0,)), ((), ())),
                          preferred_element_type=jnp.float32) + 1.0
    dinv = lax.rsqrt(deg)
    dinv_ref[...] = dinv
    y = xw_ref[...] * dinv
    y_ref[0, ...] = y[:, :64]
    y_ref[1, ...] = y[:, 64:]


def _front(hist, xw):
    return pl.pallas_call(
        _front_body,
        out_shape=[
            jax.ShapeDtypeStruct((NC, N_NODES, 64), jnp.float32),
            jax.ShapeDtypeStruct((N_NODES, 1), jnp.float32),
        ],
    )(hist, xw)


def _mid_body(acc_ref, y1_ref, dinv_ref, b1_ref, w2_ref, y2_ref):
    dinv = dinv_ref[...]
    prop1 = jnp.concatenate([acc_ref[0] + y1_ref[0], acc_ref[1] + y1_ref[1]],
                            axis=1)
    h = jnp.maximum(dinv * prop1 + b1_ref[...], 0.0)
    y2_ref[...] = jnp.dot(h, w2_ref[...],
                          preferred_element_type=jnp.float32) * dinv


def _mid(acc1, y1, dinv, b1, w2):
    return pl.pallas_call(
        _mid_body,
        grid=(GRID,),
        in_specs=[
            pl.BlockSpec((NC, BLK, 64), lambda i: (0, i, 0)),
            pl.BlockSpec((NC, BLK, 64), lambda i: (0, i, 0)),
            pl.BlockSpec((BLK, 1), lambda i: (i, 0)),
            pl.BlockSpec((1, HIDDEN), lambda i: (0, 0)),
            pl.BlockSpec((HIDDEN, N_CLASSES), lambda i: (0, 0)),
        ],
        out_specs=pl.BlockSpec((BLK, N_CLASSES), lambda i: (i, 0)),
        out_shape=jax.ShapeDtypeStruct((N_NODES, N_CLASSES), jnp.float32),
    )(acc1, y1, dinv, b1, w2)


def _final_body(acc_ref, y2_ref, dinv_ref, b2_ref, o_ref):
    logits = (dinv_ref[...] * (acc_ref[0] + acc_ref[1] + y2_ref[...])
              + b2_ref[...])
    m = jnp.max(logits, axis=1, keepdims=True)
    z = logits - m
    lse = jnp.log(jnp.sum(jnp.exp(z), axis=1, keepdims=True))
    o_ref[...] = z - lse


def _final(acc2, y2, dinv, b2):
    return pl.pallas_call(
        _final_body,
        grid=(GRID,),
        in_specs=[
            pl.BlockSpec((NC, BLK, N_CLASSES), lambda i: (0, i, 0)),
            pl.BlockSpec((BLK, N_CLASSES), lambda i: (i, 0)),
            pl.BlockSpec((BLK, 1), lambda i: (i, 0)),
            pl.BlockSpec((1, N_CLASSES), lambda i: (0, 0)),
        ],
        out_specs=pl.BlockSpec((BLK, N_CLASSES), lambda i: (i, 0)),
        out_shape=jax.ShapeDtypeStruct((N_NODES, N_CLASSES), jnp.float32),
    )(acc2, y2, dinv, b2)


def kernel(x, edge_index, W1, b1, W2, b2):
    ei = edge_index.astype(jnp.int32)
    src32 = ei[0].reshape(NW, NCH, CHUNK)
    dst32 = ei[1].reshape(NW, NCH, CHUNK)
    src16 = ei[0].reshape(NS, N_EDGES // NS // CHUNK, CHUNK)
    dst16 = ei[1].reshape(NS, N_EDGES // NS // CHUNK, CHUNK)

    hist = _degree_kernel(dst32).reshape(NW, N_NODES)
    xw1 = _mm1(x, W1)
    y1, dinv = _front(hist, xw1)
    acc1 = _prop_cols(y1, src16, dst16)
    y2 = _mid(acc1, y1, dinv, b1.reshape(1, HIDDEN), W2)
    acc2 = _prop_edges(y2, src32, dst32)
    return _final(acc2, y2, dinv, b2.reshape(1, N_CLASSES))

# --- scband reference (transcript-rebuilt; emitter-appended) ---
"""Pipeline reference for scband-net-25855703122402 (READ-ONLY COPY).

The authoritative reference and input builder live on the scoring server;
editing this copy changes nothing except your own understanding.
"""

import jax, jax.numpy as jnp
import numpy as np

N_NODES = 10000
N_EDGES = 320000
D_FEAT = 128
HIDDEN = 128
N_CLASSES = 64


def gcn_conv(x, edge_index, W, b, n_nodes):
    # GCNConv: out = D^{-1/2} (A + I) D^{-1/2} X W + b
    xw = x @ W
    src = edge_index[0]
    dst = edge_index[1]
    loop = jnp.arange(n_nodes, dtype=edge_index.dtype)
    src = jnp.concatenate([src, loop])
    dst = jnp.concatenate([dst, loop])
    ones = jnp.ones(src.shape[0], dtype=xw.dtype)
    deg = jnp.zeros(n_nodes, dtype=xw.dtype).at[dst].add(ones)
    deg_inv_sqrt = jnp.where(deg > 0, 1.0 / jnp.sqrt(deg), 0.0)
    norm = deg_inv_sqrt[src] * deg_inv_sqrt[dst]
    msg = xw[src] * norm[:, None]
    out = jax.ops.segment_sum(msg, dst, num_segments=n_nodes)
    return out + b


def setup_inputs(seed: int = 0) -> dict:
    key = jax.random.key(seed)
    k1, k2, k3, k4, k5, k6 = jax.random.split(key, 6)
    x = jax.random.normal(k1, (N_NODES, D_FEAT), dtype=jnp.float32)
    edge_index = jax.random.randint(k2, (2, N_EDGES), 0, N_NODES, dtype=jnp.int64)
    # Glorot-style init for GCN weights
    s1 = 1.0 / np.sqrt(D_FEAT)
    s2 = 1.0 / np.sqrt(HIDDEN)
    W1 = jax.random.uniform(k3, (D_FEAT, HIDDEN), dtype=jnp.float32, minval=-s1, maxval=s1)
    b1 = jnp.zeros((HIDDEN,), dtype=jnp.float32)
    W2 = jax.random.uniform(k4, (HIDDEN, N_CLASSES), dtype=jnp.float32, minval=-s2, maxval=s2)
    b2 = jnp.zeros((N_CLASSES,), dtype=jnp.float32)
    return {"x": x, "edge_index": edge_index, "W1": W1, "b1": b1, "W2": W2, "b2": b2}


def reference(x, edge_index, W1, b1, W2, b2):
    # kind == 'ReLU' branch; dropout is a no-op in eval mode (training=False)
    h = jax.nn.relu(gcn_conv(x, edge_index, W1, b1, N_NODES))
    out = gcn_conv(h, edge_index, W2, b2, N_NODES)
    return jax.nn.log_softmax(out, axis=1)

if __name__ == "__main__":
    import jax
    _d = setup_inputs()
    print(jax.jit(kernel)(*tuple(_d.values())))

</pallas_src>

<mosaic_0001>
#map = affine_map<(d0, d1) -> (0, 0)>
#map1 = affine_map<(d0, d1) -> (0, 0, 0)>
module attributes {stable_mosaic.version = 14 : i64} {
  func.func @prop(%arg0: i32, %arg1: i32, %arg2: memref<10000x64xf32, #tpu.memory_space<hbm>>, %arg3: memref<32x125x80xi32, #tpu.memory_space<hbm>>, %arg4: memref<32x125x80xi32, #tpu.memory_space<hbm>>, %arg5: memref<2x10240x64xf32, #tpu.memory_space<hbm>>, %arg6: memref<125x80xi32, #tpu.memory_space<vmem>>, %arg7: memref<125x80xi32, #tpu.memory_space<vmem>>, %arg8: memref<80x64xf32, #tpu.memory_space<vmem>>, %arg9: memref<80x64xf32, #tpu.memory_space<vmem>>, %arg10: memref<80x64xf32, #tpu.memory_space<vmem>>, %arg11: memref<80x64xf32, #tpu.memory_space<vmem>>, %arg12: memref<80x64xf32, #tpu.memory_space<vmem>>, %arg13: memref<128x64xf32, #tpu.memory_space<vmem>>, %arg14: memref<10240x64xf32, #tpu.memory_space<vmem_shared>>, %arg15: memref<!tpu.dma_semaphore, #tpu.memory_space<semaphore_mem>>, %arg16: memref<!tpu.dma_semaphore, #tpu.memory_space<semaphore_mem>>, %arg17: memref<!tpu.dma_semaphore, #tpu.memory_space<semaphore_mem>>, %arg18: memref<!tpu.dma_semaphore, #tpu.memory_space<semaphore_mem>>, %arg19: memref<!tpu.dma_semaphore, #tpu.memory_space<semaphore_mem>>, %arg20: memref<!tpu.dma_semaphore, #tpu.memory_space<semaphore_mem>>, %arg21: memref<!tpu.dma_semaphore, #tpu.memory_space<semaphore_mem>>, %arg22: memref<!tpu.dma_semaphore, #tpu.memory_space<semaphore_mem>>, %arg23: memref<!tpu.dma_semaphore, #tpu.memory_space<semaphore_mem>>, %arg24: memref<!tpu.dma_semaphore, #tpu.memory_space<semaphore_mem>>) attributes {dimension_semantics = [#tpu.dimension_semantics<core_parallel>, #tpu.dimension_semantics<subcore_parallel>], iteration_bounds = array<i64: 2, 16>, scalar_prefetch = 0 : i64, scratch_operands = 19 : i64, tpu.core_type = #tpu.core_type<sc_vector_subcore>, window_params = [{transform_indices = #map}, {transform_indices = #map1}, {transform_indices = #map1}, {transform_indices = #map1}]} {
    %mul3A = arith.constant 2 : i32
    %mul3A_0 = arith.muli %arg1, %mul3A : i32
    %add3A = arith.addi %mul3A_0, %arg0 : i32
    "tpu.region"() ({
      %run_scoped3A = tpu.sem_alloc : memref<!tpu.dma_semaphore, #tpu.memory_space<semaphore_mem>>
      %dma_start3A_72 = arith.constant 0 : i32
      %dma_start3A_73 = arith.constant 0 : i32
      %dma_start3A_74 = tpu.memref_slice %arg3[%add3A, %dma_start3A_72, %dma_start3A_73] : memref<32x125x80xi32, #tpu.memory_space<hbm>> -> memref<1x125x80xi32, #tpu.memory_space<hbm>>
      %dma_start3A_75 = tpu.memref_squeeze %dma_start3A_74 : memref<1x125x80xi32, #tpu.memory_space<hbm>> -> memref<125x80xi32, #tpu.memory_space<hbm>>
      %dma_start3A_76 = arith.constant 0 : i32
      %dma_start3A_77 = arith.constant 0 : i32
      %dma_start3A_78 = tpu.memref_slice %arg3[%add3A, %dma_start3A_76, %dma_start3A_77] : memref<32x125x80xi32, #tpu.memory_space<hbm>> -> memref<1x125x80xi32, #tpu.memory_space<hbm>>
      %dma_start3A_79 = tpu.memref_squeeze %dma_start3A_78 : memref<1x125x80xi32, #tpu.memory_space<hbm>> -> memref<125x80xi32, #tpu.memory_space<hbm>>
      tpu.enqueue_dma source(%dma_start3A_79 : memref<125x80xi32, #tpu.memory_space<hbm>>) target(%arg6 : memref<125x80xi32, #tpu.memory_space<vmem>>) target_semaphore(%run_scoped3A : memref<!tpu.dma_semaphore, #tpu.memory_space<semaphore_mem>>)
      %dma_wait3A = arith.constant 0 : i32
      %dma_wait3A_80 = arith.constant 0 : i32
      %dma_wait3A_81 = tpu.memref_slice %arg3[%add3A, %dma_wait3A, %dma_wait3A_80] : memref<32x125x80xi32, #tpu.memory_space<hbm>> -> memref<1x125x80xi32, #tpu.memory_space<hbm>>
      %dma_wait3A_82 = tpu.memref_squeeze %dma_wait3A_81 : memref<1x125x80xi32, #tpu.memory_space<hbm>> -> memref<125x80xi32, #tpu.memory_space<hbm>>
      %dma_wait3A_83 = arith.constant 0 : i32
      %dma_wait3A_84 = arith.constant 0 : i32
      %dma_wait3A_85 = tpu.memref_slice %arg3[%add3A, %dma_wait3A_83, %dma_wait3A_84] : memref<32x125x80xi32, #tpu.memory_space<hbm>> -> memref<1x125x80xi32, #tpu.memory_space<hbm>>
      %dma_wait3A_86 = tpu.memref_squeeze %dma_wait3A_85 : memref<1x125x80xi32, #tpu.memory_space<hbm>> -> memref<125x80xi32, #tpu.memory_space<hbm>>
      tpu.wait_dma2 semaphore(%run_scoped3A : memref<!tpu.dma_semaphore, #tpu.memory_space<semaphore_mem>>) src(%dma_wait3A_86 : memref<125x80xi32, #tpu.memory_space<hbm>>) dst(%arg6 : memref<125x80xi32, #tpu.memory_space<vmem>>)
      tpu.yield
    }) : () -> ()
    "tpu.region"() ({
      %run_scoped3A = tpu.sem_alloc : memref<!tpu.dma_semaphore, #tpu.memory_space<semaphore_mem>>
      %dma_start3A_72 = arith.constant 0 : i32
      %dma_start3A_73 = arith.constant 0 : i32
      %dma_start3A_74 = tpu.memref_slice %arg4[%add3A, %dma_start3A_72, %dma_start3A_73] : memref<32x125x80xi32, #tpu.memory_space<hbm>> -> memref<1x125x80xi32, #tpu.memory_space<hbm>>
      %dma_start3A_75 = tpu.memref_squeeze %dma_start3A_74 : memref<1x125x80xi32, #tpu.memory_space<hbm>> -> memref<125x80xi32, #tpu.memory_space<hbm>>
      %dma_start3A_76 = arith.constant 0 : i32
      %dma_start3A_77 = arith.constant 0 : i32
      %dma_start3A_78 = tpu.memref_slice %arg4[%add3A, %dma_start3A_76, %dma_start3A_77] : memref<32x125x80xi32, #tpu.memory_space<hbm>> -> memref<1x125x80xi32, #tpu.memory_space<hbm>>
      %dma_start3A_79 = tpu.memref_squeeze %dma_start3A_78 : memref<1x125x80xi32, #tpu.memory_space<hbm>> -> memref<125x80xi32, #tpu.memory_space<hbm>>
      tpu.enqueue_dma source(%dma_start3A_79 : memref<125x80xi32, #tpu.memory_space<hbm>>) target(%arg7 : memref<125x80xi32, #tpu.memory_space<vmem>>) target_semaphore(%run_scoped3A : memref<!tpu.dma_semaphore, #tpu.memory_space<semaphore_mem>>)
      %dma_wait3A = arith.constant 0 : i32
      %dma_wait3A_80 = arith.constant 0 : i32
      %dma_wait3A_81 = tpu.memref_slice %arg4[%add3A, %dma_wait3A, %dma_wait3A_80] : memref<32x125x80xi32, #tpu.memory_space<hbm>> -> memref<1x125x80xi32, #tpu.memory_space<hbm>>
      %dma_wait3A_82 = tpu.memref_squeeze %dma_wait3A_81 : memref<1x125x80xi32, #tpu.memory_space<hbm>> -> memref<125x80xi32, #tpu.memory_space<hbm>>
      %dma_wait3A_83 = arith.constant 0 : i32
      %dma_wait3A_84 = arith.constant 0 : i32
      %dma_wait3A_85 = tpu.memref_slice %arg4[%add3A, %dma_wait3A_83, %dma_wait3A_84] : memref<32x125x80xi32, #tpu.memory_space<hbm>> -> memref<1x125x80xi32, #tpu.memory_space<hbm>>
      %dma_wait3A_86 = tpu.memref_squeeze %dma_wait3A_85 : memref<1x125x80xi32, #tpu.memory_space<hbm>> -> memref<125x80xi32, #tpu.memory_space<hbm>>
      tpu.wait_dma2 semaphore(%run_scoped3A : memref<!tpu.dma_semaphore, #tpu.memory_space<semaphore_mem>>) src(%dma_wait3A_86 : memref<125x80xi32, #tpu.memory_space<hbm>>) dst(%arg7 : memref<125x80xi32, #tpu.memory_space<vmem>>)
      tpu.yield
    }) : () -> ()
    %broadcast_in_dim3A = arith.constant 0.000000e+00 : f32
    %broadcast_in_dim3A_1 = vector.broadcast %broadcast_in_dim3A : f32 to vector<16xf32>
    %scan3A = arith.constant 0 : i32
    %scan3A_2 = arith.constant 0 : i32
    %scan3A_3 = arith.constant 128 : i32
    %scan3A_4 = arith.addi %scan3A_2, %scan3A_3 : i32
    %scan3A_5 = arith.constant 1 : i32
    scf.for %scan3A_72 = %scan3A_2 to %scan3A_4 step %scan3A_5  : i32 {
      %swap3A = arith.index_cast %scan3A_72 : i32 to index
      %swap3A_73 = arith.constant 0 : index
      %swap3A_74 = tpu.vector_load %arg13[%swap3A, %swap3A_73] {strides = array<i32>} : memref<128x64xf32, #tpu.memory_space<vmem>>, vector<16xf32>,
      tpu.vector_store %arg13[%swap3A, %swap3A_73], %broadcast_in_dim3A_1 {strides = array<i32>} : memref<128x64xf32, #tpu.memory_space<vmem>>, vector<16xf32>,
      %swap3A_75 = arith.index_cast %scan3A_72 : i32 to index
      %swap3A_76 = arith.constant 16 : index
      %swap3A_77 = tpu.vector_load %arg13[%swap3A_75, %swap3A_76] {strides = array<i32>} : memref<128x64xf32, #tpu.memory_space<vmem>>, vector<16xf32>,
      tpu.vector_store %arg13[%swap3A_75, %swap3A_76], %broadcast_in_dim3A_1 {strides = array<i32>} : memref<128x64xf32, #tpu.memory_space<vmem>>, vector<16xf32>,
      %swap3A_78 = arith.index_cast %scan3A_72 : i32 to index
      %swap3A_79 = arith.constant 32 : index
      %swap3A_80 = tpu.vector_load %arg13[%swap3A_78, %swap3A_79] {strides = array<i32>} : memref<128x64xf32, #tpu.memory_space<vmem>>, vector<16xf32>,
      tpu.vector_store %arg13[%swap3A_78, %swap3A_79], %broadcast_in_dim3A_1 {strides = array<i32>} : memref<128x64xf32, #tpu.memory_space<vmem>>, vector<16xf32>,
      %swap3A_81 = arith.index_cast %scan3A_72 : i32 to index
      %swap3A_82 = arith.constant 48 : index
      %swap3A_83 = tpu.vector_load %arg13[%swap3A_81, %swap3A_82] {strides = array<i32>} : memref<128x64xf32, #tpu.memory_space<vmem>>, vector<16xf32>,
      tpu.vector_store %arg13[%swap3A_81, %swap3A_82], %broadcast_in_dim3A_1 {strides = array<i32>} : memref<128x64xf32, #tpu.memory_space<vmem>>, vector<16xf32>,
    }
    %scan3A_6 = arith.constant 128 : i32
    %mul3A_7 = arith.constant 640 : i32
    %mul3A_8 = arith.muli %arg1, %mul3A_7 : i32
    %add3A_9 = arith.constant 0 : i32
    %add3A_10 = arith.addi %mul3A_8, %add3A_9 : i32
    "tpu.region"() ({
      %run_scoped3A = tpu.sem_alloc : memref<!tpu.dma_semaphore, #tpu.memory_space<semaphore_mem>>
      %dma_start3A_72 = arith.constant 0 : i32
      %dma_start3A_73 = tpu.memref_slice %arg14[%add3A_10, %dma_start3A_72] : memref<10240x64xf32, #tpu.memory_space<vmem_shared>> -> memref<128x64xf32, #tpu.memory_space<vmem_shared>>
      %dma_start3A_74 = arith.constant 0 : i32
      %dma_start3A_75 = tpu.memref_slice %arg14[%add3A_10, %dma_start3A_74] : memref<10240x64xf32, #tpu.memory_space<vmem_shared>> -> memref<128x64xf32, #tpu.memory_space<vmem_shared>>
      tpu.enqueue_dma source(%arg13 : memref<128x64xf32, #tpu.memory_space<vmem>>) target(%dma_start3A_75 : memref<128x64xf32, #tpu.memory_space<vmem_shared>>) target_semaphore(%run_scoped3A : memref<!tpu.dma_semaphore, #tpu.memory_space<semaphore_mem>>)
      %dma_wait3A = arith.constant 0 : i32
      %dma_wait3A_76 = tpu.memref_slice %arg14[%add3A_10, %dma_wait3A] : memref<10240x64xf32, #tpu.memory_space<vmem_shared>> -> memref<128x64xf32, #tpu.memory_space<vmem_shared>>
      %dma_wait3A_77 = arith.constant 0 : i32
      %dma_wait3A_78 = tpu.memref_slice %arg14[%add3A_10, %dma_wait3A_77] : memref<10240x64xf32, #tpu.memory_space<vmem_shared>> -> memref<128x64xf32, #tpu.memory_space<vmem_shared>>
      tpu.wait_dma2 semaphore(%run_scoped3A : memref<!tpu.dma_semaphore, #tpu.memory_space<semaphore_mem>>) src(%arg13 : memref<128x64xf32, #tpu.memory_space<vmem>>) dst(%dma_wait3A_78 : memref<128x64xf32, #tpu.memory_space<vmem_shared>>)
      tpu.yield
    }) : () -> ()
    %mul3A_11 = arith.constant 640 : i32
    %mul3A_12 = arith.muli %arg1, %mul3A_11 : i32
    %add3A_13 = arith.constant 128 : i32
    %add3A_14 = arith.addi %mul3A_12, %add3A_13 : i32
    "tpu.region"() ({
      %run_scoped3A = tpu.sem_alloc : memref<!tpu.dma_semaphore, #tpu.memory_space<semaphore_mem>>
      %dma_start3A_72 = arith.constant 0 : i32
      %dma_start3A_73 = tpu.memref_slice %arg14[%add3A_14, %dma_start3A_72] : memref<10240x64xf32, #tpu.memory_space<vmem_shared>> -> memref<128x64xf32, #tpu.memory_space<vmem_shared>>
      %dma_start3A_74 = arith.constant 0 : i32
      %dma_start3A_75 = tpu.memref_slice %arg14[%add3A_14, %dma_start3A_74] : memref<10240x64xf32, #tpu.memory_space<vmem_shared>> -> memref<128x64xf32, #tpu.memory_space<vmem_shared>>
      tpu.enqueue_dma source(%arg13 : memref<128x64xf32, #tpu.memory_space<vmem>>) target(%dma_start3A_75 : memref<128x64xf32, #tpu.memory_space<vmem_shared>>) target_semaphore(%run_scoped3A : memref<!tpu.dma_semaphore, #tpu.memory_space<semaphore_mem>>)
      %dma_wait3A = arith.constant 0 : i32
      %dma_wait3A_76 = tpu.memref_slice %arg14[%add3A_14, %dma_wait3A] : memref<10240x64xf32, #tpu.memory_space<vmem_shared>> -> memref<128x64xf32, #tpu.memory_space<vmem_shared>>
      %dma_wait3A_77 = arith.constant 0 : i32
      %dma_wait3A_78 = tpu.memref_slice %arg14[%add3A_14, %dma_wait3A_77] : memref<10240x64xf32, #tpu.memory_space<vmem_shared>> -> memref<128x64xf32, #tpu.memory_space<vmem_shared>>
      tpu.wait_dma2 semaphore(%run_scoped3A : memref<!tpu.dma_semaphore, #tpu.memory_space<semaphore_mem>>) src(%arg13 : memref<128x64xf32, #tpu.memory_space<vmem>>) dst(%dma_wait3A_78 : memref<128x64xf32, #tpu.memory_space<vmem_shared>>)
      tpu.yield
    }) : () -> ()
    %mul3A_15 = arith.constant 640 : i32
    %mul3A_16 = arith.muli %arg1, %mul3A_15 : i32
    %add3A_17 = arith.constant 256 : i32
    %add3A_18 = arith.addi %mul3A_16, %add3A_17 : i32
    "tpu.region"() ({
      %run_scoped3A = tpu.sem_alloc : memref<!tpu.dma_semaphore, #tpu.memory_space<semaphore_mem>>
      %dma_start3A_72 = arith.constant 0 : i32
      %dma_start3A_73 = tpu.memref_slice %arg14[%add3A_18, %dma_start3A_72] : memref<10240x64xf32, #tpu.memory_space<vmem_shared>> -> memref<128x64xf32, #tpu.memory_space<vmem_shared>>
      %dma_start3A_74 = arith.constant 0 : i32
      %dma_start3A_75 = tpu.memref_slice %arg14[%add3A_18, %dma_start3A_74] : memref<10240x64xf32, #tpu.memory_space<vmem_shared>> -> memref<128x64xf32, #tpu.memory_space<vmem_shared>>
      tpu.enqueue_dma source(%arg13 : memref<128x64xf32, #tpu.memory_space<vmem>>) target(%dma_start3A_75 : memref<128x64xf32, #tpu.memory_space<vmem_shared>>) target_semaphore(%run_scoped3A : memref<!tpu.dma_semaphore, #tpu.memory_space<semaphore_mem>>)
      %dma_wait3A = arith.constant 0 : i32
      %dma_wait3A_76 = tpu.memref_slice %arg14[%add3A_18, %dma_wait3A] : memref<10240x64xf32, #tpu.memory_space<vmem_shared>> -> memref<128x64xf32, #tpu.memory_space<vmem_shared>>
      %dma_wait3A_77 = arith.constant 0 : i32
      %dma_wait3A_78 = tpu.memref_slice %arg14[%add3A_18, %dma_wait3A_77] : memref<10240x64xf32, #tpu.memory_space<vmem_shared>> -> memref<128x64xf32, #tpu.memory_space<vmem_shared>>
      tpu.wait_dma2 semaphore(%run_scoped3A : memref<!tpu.dma_semaphore, #tpu.memory_space<semaphore_mem>>) src(%arg13 : memref<128x64xf32, #tpu.memory_space<vmem>>) dst(%dma_wait3A_78 : memref<128x64xf32, #tpu.memory_space<vmem_shared>>)
      tpu.yield
    }) : () -> ()
    %mul3A_19 = arith.constant 640 : i32
    %mul3A_20 = arith.muli %arg1, %mul3A_19 : i32
    %add3A_21 = arith.constant 384 : i32
    %add3A_22 = arith.addi %mul3A_20, %add3A_21 : i32
    "tpu.region"() ({
      %run_scoped3A = tpu.sem_alloc : memref<!tpu.dma_semaphore, #tpu.memory_space<semaphore_mem>>
      %dma_start3A_72 = arith.constant 0 : i32
      %dma_start3A_73 = tpu.memref_slice %arg14[%add3A_22, %dma_start3A_72] : memref<10240x64xf32, #tpu.memory_space<vmem_shared>> -> memref<128x64xf32, #tpu.memory_space<vmem_shared>>
      %dma_start3A_74 = arith.constant 0 : i32
      %dma_start3A_75 = tpu.memref_slice %arg14[%add3A_22, %dma_start3A_74] : memref<10240x64xf32, #tpu.memory_space<vmem_shared>> -> memref<128x64xf32, #tpu.memory_space<vmem_shared>>
      tpu.enqueue_dma source(%arg13 : memref<128x64xf32, #tpu.memory_space<vmem>>) target(%dma_start3A_75 : memref<128x64xf32, #tpu.memory_space<vmem_shared>>) target_semaphore(%run_scoped3A : memref<!tpu.dma_semaphore, #tpu.memory_space<semaphore_mem>>)
      %dma_wait3A = arith.constant 0 : i32
      %dma_wait3A_76 = tpu.memref_slice %arg14[%add3A_22, %dma_wait3A] : memref<10240x64xf32, #tpu.memory_space<vmem_shared>> -> memref<128x64xf32, #tpu.memory_space<vmem_shared>>
      %dma_wait3A_77 = arith.constant 0 : i32
      %dma_wait3A_78 = tpu.memref_slice %arg14[%add3A_22, %dma_wait3A_77] : memref<10240x64xf32, #tpu.memory_space<vmem_shared>> -> memref<128x64xf32, #tpu.memory_space<vmem_shared>>
      tpu.wait_dma2 semaphore(%run_scoped3A : memref<!tpu.dma_semaphore, #tpu.memory_space<semaphore_mem>>) src(%arg13 : memref<128x64xf32, #tpu.memory_space<vmem>>) dst(%dma_wait3A_78 : memref<128x64xf32, #tpu.memory_space<vmem_shared>>)
      tpu.yield
    }) : () -> ()
    %mul3A_23 = arith.constant 640 : i32
    %mul3A_24 = arith.muli %arg1, %mul3A_23 : i32
    %add3A_25 = arith.constant 512 : i32
    %add3A_26 = arith.addi %mul3A_24, %add3A_25 : i32
    "tpu.region"() ({
      %run_scoped3A = tpu.sem_alloc : memref<!tpu.dma_semaphore, #tpu.memory_space<semaphore_mem>>
      %dma_start3A_72 = arith.constant 0 : i32
      %dma_start3A_73 = tpu.memref_slice %arg14[%add3A_26, %dma_start3A_72] : memref<10240x64xf32, #tpu.memory_space<vmem_shared>> -> memref<128x64xf32, #tpu.memory_space<vmem_shared>>
      %dma_start3A_74 = arith.constant 0 : i32
      %dma_start3A_75 = tpu.memref_slice %arg14[%add3A_26, %dma_start3A_74] : memref<10240x64xf32, #tpu.memory_space<vmem_shared>> -> memref<128x64xf32, #tpu.memory_space<vmem_shared>>
      tpu.enqueue_dma source(%arg13 : memref<128x64xf32, #tpu.memory_space<vmem>>) target(%dma_start3A_75 : memref<128x64xf32, #tpu.memory_space<vmem_shared>>) target_semaphore(%run_scoped3A : memref<!tpu.dma_semaphore, #tpu.memory_space<semaphore_mem>>)
      %dma_wait3A = arith.constant 0 : i32
      %dma_wait3A_76 = tpu.memref_slice %arg14[%add3A_26, %dma_wait3A] : memref<10240x64xf32, #tpu.memory_space<vmem_shared>> -> memref<128x64xf32, #tpu.memory_space<vmem_shared>>
      %dma_wait3A_77 = arith.constant 0 : i32
      %dma_wait3A_78 = tpu.memref_slice %arg14[%add3A_26, %dma_wait3A_77] : memref<10240x64xf32, #tpu.memory_space<vmem_shared>> -> memref<128x64xf32, #tpu.memory_space<vmem_shared>>
      tpu.wait_dma2 semaphore(%run_scoped3A : memref<!tpu.dma_semaphore, #tpu.memory_space<semaphore_mem>>) src(%arg13 : memref<128x64xf32, #tpu.memory_space<vmem>>) dst(%dma_wait3A_78 : memref<128x64xf32, #tpu.memory_space<vmem_shared>>)
      tpu.yield
    }) : () -> ()
    %barrier3A = arith.constant 0 : index
    tpu.barrier barrier_id(%barrier3A)
    %dma_start3A = arith.constant 0 : i32
    %dma_start3A_27 = arith.constant 0 : i32
    %dma_start3A_28 = tpu.memref_slice %arg6[%dma_start3A, %dma_start3A_27] : memref<125x80xi32, #tpu.memory_space<vmem>> -> memref<1x80xi32, #tpu.memory_space<vmem>>
    %dma_start3A_29 = tpu.memref_squeeze %dma_start3A_28 : memref<1x80xi32, #tpu.memory_space<vmem>> -> memref<80xi32, #tpu.memory_space<vmem>>
    %dma_start3A_30 = arith.constant 0 : i32
    %dma_start3A_31 = arith.constant 0 : i32
    %dma_start3A_32 = tpu.memref_slice %arg2[%dma_start3A_30, %dma_start3A_31] : memref<10000x64xf32, #tpu.memory_space<hbm>> -> memref<10000x64xf32, #tpu.memory_space<hbm>>
    tpu.enqueue_indirect_dma source(%dma_start3A_32 : memref<10000x64xf32, #tpu.memory_space<hbm>>) target(%arg8 : memref<80x64xf32, #tpu.memory_space<vmem>>) offsets(%dma_start3A_29 : memref<80xi32, #tpu.memory_space<vmem>>) semaphore(%arg15 : memref<!tpu.dma_semaphore, #tpu.memory_space<semaphore_mem>>)
    %dma_start3A_33 = arith.constant 1 : i32
    %dma_start3A_34 = arith.constant 0 : i32
    %dma_start3A_35 = tpu.memref_slice %arg6[%dma_start3A_33, %dma_start3A_34] : memref<125x80xi32, #tpu.memory_space<vmem>> -> memref<1x80xi32, #tpu.memory_space<vmem>>
    %dma_start3A_36 = tpu.memref_squeeze %dma_start3A_35 : memref<1x80xi32, #tpu.memory_space<vmem>> -> memref<80xi32, #tpu.memory_space<vmem>>
    %dma_start3A_37 = arith.constant 0 : i32
    %dma_start3A_38 = arith.constant 0 : i32
    %dma_start3A_39 = tpu.memref_slice %arg2[%dma_start3A_37, %dma_start3A_38] : memref<10000x64xf32, #tpu.memory_space<hbm>> -> memref<10000x64xf32, #tpu.memory_space<hbm>>
    tpu.enqueue_indirect_dma source(%dma_start3A_39 : memref<10000x64xf32, #tpu.memory_space<hbm>>) target(%arg9 : memref<80x64xf32, #tpu.memory_space<vmem>>) offsets(%dma_start3A_36 : memref<80xi32, #tpu.memory_space<vmem>>) semaphore(%arg16 : memref<!tpu.dma_semaphore, #tpu.memory_space<semaphore_mem>>)
    %dma_start3A_40 = arith.constant 2 : i32
    %dma_start3A_41 = arith.constant 0 : i32
    %dma_start3A_42 = tpu.memref_slice %arg6[%dma_start3A_40, %dma_start3A_41] : memref<125x80xi32, #tpu.memory_space<vmem>> -> memref<1x80xi32, #tpu.memory_space<vmem>>
    %dma_start3A_43 = tpu.memref_squeeze %dma_start3A_42 : memref<1x80xi32, #tpu.memory_space<vmem>> -> memref<80xi32, #tpu.memory_space<vmem>>
    %dma_start3A_44 = arith.constant 0 : i32
    %dma_start3A_45 = arith.constant 0 : i32
    %dma_start3A_46 = tpu.memref_slice %arg2[%dma_start3A_44, %dma_start3A_45] : memref<10000x64xf32, #tpu.memory_space<hbm>> -> memref<10000x64xf32, #tpu.memory_space<hbm>>
    tpu.enqueue_indirect_dma source(%dma_start3A_46 : memref<10000x64xf32, #tpu.memory_space<hbm>>) target(%arg10 : memref<80x64xf32, #tpu.memory_space<vmem>>) offsets(%dma_start3A_43 : memref<80xi32, #tpu.memory_space<vmem>>) semaphore(%arg17 : memref<!tpu.dma_semaphore, #tpu.memory_space<semaphore_mem>>)
    %dma_start3A_47 = arith.constant 3 : i32
    %dma_start3A_48 = arith.constant 0 : i32
    %dma_start3A_49 = tpu.memref_slice %arg6[%dma_start3A_47, %dma_start3A_48] : memref<125x80xi32, #tpu.memory_space<vmem>> -> memref<1x80xi32, #tpu.memory_space<vmem>>
    %dma_start3A_50 = tpu.memref_squeeze %dma_start3A_49 : memref<1x80xi32, #tpu.memory_space<vmem>> -> memref<80xi32, #tpu.memory_space<vmem>>
    %dma_start3A_51 = arith.constant 0 : i32
    %dma_start3A_52 = arith.constant 0 : i32
    %dma_start3A_53 = tpu.memref_slice %arg2[%dma_start3A_51, %dma_start3A_52] : memref<10000x64xf32, #tpu.memory_space<hbm>> -> memref<10000x64xf32, #tpu.memory_space<hbm>>
    tpu.enqueue_indirect_dma source(%dma_start3A_53 : memref<10000x64xf32, #tpu.memory_space<hbm>>) target(%arg11 : memref<80x64xf32, #tpu.memory_space<vmem>>) offsets(%dma_start3A_50 : memref<80xi32, #tpu.memory_space<vmem>>) semaphore(%arg18 : memref<!tpu.dma_semaphore, #tpu.memory_space<semaphore_mem>>)
    %dma_start3A_54 = arith.constant 4 : i32
    %dma_start3A_55 = arith.constant 0 : i32
    %dma_start3A_56 = tpu.memref_slice %arg6[%dma_start3A_54, %dma_start3A_55] : memref<125x80xi32, #tpu.memory_space<vmem>> -> memref<1x80xi32, #tpu.memory_space<vmem>>
    %dma_start3A_57 = tpu.memref_squeeze %dma_start3A_56 : memref<1x80xi32, #tpu.memory_space<vmem>> -> memref<80xi32, #tpu.memory_space<vmem>>
    %dma_start3A_58 = arith.constant 0 : i32
    %dma_start3A_59 = arith.constant 0 : i32
    %dma_start3A_60 = tpu.memref_slice %arg2[%dma_start3A_58, %dma_start3A_59] : memref<10000x64xf32, #tpu.memory_space<hbm>> -> memref<10000x64xf32, #tpu.memory_space<hbm>>
    tpu.enqueue_indirect_dma source(%dma_start3A_60 : memref<10000x64xf32, #tpu.memory_space<hbm>>) target(%arg12 : memref<80x64xf32, #tpu.memory_space<vmem>>) offsets(%dma_start3A_57 : memref<80xi32, #tpu.memory_space<vmem>>) semaphore(%arg19 : memref<!tpu.dma_semaphore, #tpu.memory_space<semaphore_mem>>)
    %scan3A_61 = arith.constant 0 : i32
    %scan3A_62 = arith.constant 0 : i32
    %scan3A_63 = arith.constant 25 : i32
    %scan3A_64 = arith.addi %scan3A_62, %scan3A_63 : i32
    %scan3A_65 = arith.constant 1 : i32
    scf.for %scan3A_72 = %scan3A_62 to %scan3A_64 step %scan3A_65  : i32 {
      %mul3A_73 = arith.constant 5 : i32
      %mul3A_74 = arith.muli %scan3A_72, %mul3A_73 : i32
      %add3A_75 = arith.constant 0 : i32
      %add3A_76 = arith.addi %mul3A_74, %add3A_75 : i32
      %dma_wait3A = arith.constant 0 : i32
      %dma_wait3A_77 = tpu.memref_slice %arg6[%add3A_76, %dma_wait3A] : memref<125x80xi32, #tpu.memory_space<vmem>> -> memref<1x80xi32, #tpu.memory_space<vmem>>
      %dma_wait3A_78 = tpu.memref_squeeze %dma_wait3A_77 : memref<1x80xi32, #tpu.memory_space<vmem>> -> memref<80xi32, #tpu.memory_space<vmem>>
      %dma_wait3A_79 = arith.constant 0 : i32
      %dma_wait3A_80 = arith.constant 0 : i32
      %dma_wait3A_81 = tpu.memref_slice %arg2[%dma_wait3A_79, %dma_wait3A_80] : memref<10000x64xf32, #tpu.memory_space<hbm>> -> memref<10000x64xf32, #tpu.memory_space<hbm>>
      tpu.wait_indirect_dma semaphore(%arg15 : memref<!tpu.dma_semaphore, #tpu.memory_space<semaphore_mem>>) src(%dma_wait3A_81 : memref<10000x64xf32, #tpu.memory_space<hbm>>) dst(%arg8 : memref<80x64xf32, #tpu.memory_space<vmem>>)
      %dma_start3A_82 = arith.constant 0 : i32
      %dma_start3A_83 = tpu.memref_slice %arg7[%add3A_76, %dma_start3A_82] : memref<125x80xi32, #tpu.memory_space<vmem>> -> memref<1x80xi32, #tpu.memory_space<vmem>>
      %dma_start3A_84 = tpu.memref_squeeze %dma_start3A_83 : memref<1x80xi32, #tpu.memory_space<vmem>> -> memref<80xi32, #tpu.memory_space<vmem>>
      %dma_start3A_85 = arith.constant 0 : i32
      %dma_start3A_86 = arith.constant 0 : i32
      %dma_start3A_87 = tpu.memref_slice %arg14[%dma_start3A_85, %dma_start3A_86] : memref<10240x64xf32, #tpu.memory_space<vmem_shared>> -> memref<10240x64xf32, #tpu.memory_space<vmem_shared>>
      tpu.enqueue_indirect_dma source(%arg8 : memref<80x64xf32, #tpu.memory_space<vmem>>) target(%dma_start3A_87 : memref<10240x64xf32, #tpu.memory_space<vmem_shared>>) offsets(%dma_start3A_84 : memref<80xi32, #tpu.memory_space<vmem>>) semaphore(%arg20 : memref<!tpu.dma_semaphore, #tpu.memory_space<semaphore_mem>>) {add = true}
      %mul3A_88 = arith.constant 5 : i32
      %mul3A_89 = arith.muli %scan3A_72, %mul3A_88 : i32
      %add3A_90 = arith.constant 1 : i32
      %add3A_91 = arith.addi %mul3A_89, %add3A_90 : i32
      %dma_wait3A_92 = arith.constant 0 : i32
      %dma_wait3A_93 = tpu.memref_slice %arg6[%add3A_91, %dma_wait3A_92] : memref<125x80xi32, #tpu.memory_space<vmem>> -> memref<1x80xi32, #tpu.memory_space<vmem>>
      %dma_wait3A_94 = tpu.memref_squeeze %dma_wait3A_93 : memref<1x80xi32, #tpu.memory_space<vmem>> -> memref<80xi32, #tpu.memory_space<vmem>>
      %dma_wait3A_95 = arith.constant 0 : i32
      %dma_wait3A_96 = arith.constant 0 : i32
      %dma_wait3A_97 = tpu.memref_slice %arg2[%dma_wait3A_95, %dma_wait3A_96] : memref<10000x64xf32, #tpu.memory_space<hbm>> -> memref<10000x64xf32, #tpu.memory_space<hbm>>
      tpu.wait_indirect_dma semaphore(%arg16 : memref<!tpu.dma_semaphore, #tpu.memory_space<semaphore_mem>>) src(%dma_wait3A_97 : memref<10000x64xf32, #tpu.memory_space<hbm>>) dst(%arg9 : memref<80x64xf32, #tpu.memory_space<vmem>>)
      %dma_start3A_98 = arith.constant 0 : i32
      %dma_start3A_99 = tpu.memref_slice %arg7[%add3A_91, %dma_start3A_98] : memref<125x80xi32, #tpu.memory_space<vmem>> -> memref<1x80xi32, #tpu.memory_space<vmem>>
      %dma_start3A_100 = tpu.memref_squeeze %dma_start3A_99 : memref<1x80xi32, #tpu.memory_space<vmem>> -> memref<80xi32, #tpu.memory_space<vmem>>
      %dma_start3A_101 = arith.constant 0 : i32
      %dma_start3A_102 = arith.constant 0 : i32
      %dma_start3A_103 = tpu.memref_slice %arg14[%dma_start3A_101, %dma_start3A_102] : memref<10240x64xf32, #tpu.memory_space<vmem_shared>> -> memref<10240x64xf32, #tpu.memory_space<vmem_shared>>
      tpu.enqueue_indirect_dma source(%arg9 : memref<80x64xf32, #tpu.memory_space<vmem>>) target(%dma_start3A_103 : memref<10240x64xf32, #tpu.memory_space<vmem_shared>>) offsets(%dma_start3A_100 : memref<80xi32, #tpu.memory_space<vmem>>) semaphore(%arg21 : memref<!tpu.dma_semaphore, #tpu.memory_space<semaphore_mem>>) {add = true}
      %mul3A_104 = arith.constant 5 : i32
      %mul3A_105 = arith.muli %scan3A_72, %mul3A_104 : i32
      %add3A_106 = arith.constant 2 : i32
      %add3A_107 = arith.addi %mul3A_105, %add3A_106 : i32
      %dma_wait3A_108 = arith.constant 0 : i32
      %dma_wait3A_109 = tpu.memref_slice %arg6[%add3A_107, %dma_wait3A_108] : memref<125x80xi32, #tpu.memory_space<vmem>> -> memref<1x80xi32, #tpu.memory_space<vmem>>
      %dma_wait3A_110 = tpu.memref_squeeze %dma_wait3A_109 : memref<1x80xi32, #tpu.memory_space<vmem>> -> memref<80xi32, #tpu.memory_space<vmem>>
      %dma_wait3A_111 = arith.constant 0 : i32
      %dma_wait3A_112 = arith.constant 0 : i32
      %dma_wait3A_113 = tpu.memref_slice %arg2[%dma_wait3A_111, %dma_wait3A_112] : memref<10000x64xf32, #tpu.memory_space<hbm>> -> memref<10000x64xf32, #tpu.memory_space<hbm>>
      tpu.wait_indirect_dma semaphore(%arg17 : memref<!tpu.dma_semaphore, #tpu.memory_space<semaphore_mem>>) src(%dma_wait3A_113 : memref<10000x64xf32, #tpu.memory_space<hbm>>) dst(%arg10 : memref<80x64xf32, #tpu.memory_space<vmem>>)
      %dma_start3A_114 = arith.constant 0 : i32
      %dma_start3A_115 = tpu.memref_slice %arg7[%add3A_107, %dma_start3A_114] : memref<125x80xi32, #tpu.memory_space<vmem>> -> memref<1x80xi32, #tpu.memory_space<vmem>>
      %dma_start3A_116 = tpu.memref_squeeze %dma_start3A_115 : memref<1x80xi32, #tpu.memory_space<vmem>> -> memref<80xi32, #tpu.memory_space<vmem>>
      %dma_start3A_117 = arith.constant 0 : i32
      %dma_start3A_118 = arith.constant 0 : i32
      %dma_start3A_119 = tpu.memref_slice %arg14[%dma_start3A_117, %dma_start3A_118] : memref<10240x64xf32, #tpu.memory_space<vmem_shared>> -> memref<10240x64xf32, #tpu.memory_space<vmem_shared>>
      tpu.enqueue_indirect_dma source(%arg10 : memref<80x64xf32, #tpu.memory_space<vmem>>) target(%dma_start3A_119 : memref<10240x64xf32, #tpu.memory_space<vmem_shared>>) offsets(%dma_start3A_116 : memref<80xi32, #tpu.memory_space<vmem>>) semaphore(%arg22 : memref<!tpu.dma_semaphore, #tpu.memory_space<semaphore_mem>>) {add = true}
      %mul3A_120 = arith.constant 5 : i32
      %mul3A_121 = arith.muli %scan3A_72, %mul3A_120 : i32
      %add3A_122 = arith.constant 3 : i32
      %add3A_123 = arith.addi %mul3A_121, %add3A_122 : i32
      %dma_wait3A_124 = arith.constant 0 : i32
      %dma_wait3A_125 = tpu.memref_slice %arg6[%add3A_123, %dma_wait3A_124] : memref<125x80xi32, #tpu.memory_space<vmem>> -> memref<1x80xi32, #tpu.memory_space<vmem>>
      %dma_wait3A_126 = tpu.memref_squeeze %dma_wait3A_125 : memref<1x80xi32, #tpu.memory_space<vmem>> -> memref<80xi32, #tpu.memory_space<vmem>>
      %dma_wait3A_127 = arith.constant 0 : i32
      %dma_wait3A_128 = arith.constant 0 : i32
      %dma_wait3A_129 = tpu.memref_slice %arg2[%dma_wait3A_127, %dma_wait3A_128] : memref<10000x64xf32, #tpu.memory_space<hbm>> -> memref<10000x64xf32, #tpu.memory_space<hbm>>
      tpu.wait_indirect_dma semaphore(%arg18 : memref<!tpu.dma_semaphore, #tpu.memory_space<semaphore_mem>>) src(%dma_wait3A_129 : memref<10000x64xf32, #tpu.memory_space<hbm>>) dst(%arg11 : memref<80x64xf32, #tpu.memory_space<vmem>>)
      %dma_start3A_130 = arith.constant 0 : i32
      %dma_start3A_131 = tpu.memref_slice %arg7[%add3A_123, %dma_start3A_130] : memref<125x80xi32, #tpu.memory_space<vmem>> -> memref<1x80xi32, #tpu.memory_space<vmem>>
      %dma_start3A_132 = tpu.memref_squeeze %dma_start3A_131 : memref<1x80xi32, #tpu.memory_space<vmem>> -> memref<80xi32, #tpu.memory_space<vmem>>
      %dma_start3A_133 = arith.constant 0 : i32
      %dma_start3A_134 = arith.constant 0 : i32
      %dma_start3A_135 = tpu.memref_slice %arg14[%dma_start3A_133, %dma_start3A_134] : memref<10240x64xf32, #tpu.memory_space<vmem_shared>> -> memref<10240x64xf32, #tpu.memory_space<vmem_shared>>
      tpu.enqueue_indirect_dma source(%arg11 : memref<80x64xf32, #tpu.memory_space<vmem>>) target(%dma_start3A_135 : memref<10240x64xf32, #tpu.memory_space<vmem_shared>>) offsets(%dma_start3A_132 : memref<80xi32, #tpu.memory_space<vmem>>) semaphore(%arg23 : memref<!tpu.dma_semaphore, #tpu.memory_space<semaphore_mem>>) {add = true}
      %mul3A_136 = arith.constant 5 : i32
      %mul3A_137 = arith.muli %scan3A_72, %mul3A_136 : i32
      %add3A_138 = arith.constant 4 : i32
      %add3A_139 = arith.addi %mul3A_137, %add3A_138 : i32
      %dma_wait3A_140 = arith.constant 0 : i32
      %dma_wait3A_141 = tpu.memref_slice %arg6[%add3A_139, %dma_wait3A_140] : memref<125x80xi32, #tpu.memory_space<vmem>> -> memref<1x80xi32, #tpu.memory_space<vmem>>
      %dma_wait3A_142 = tpu.memref_squeeze %dma_wait3A_141 : memref<1x80xi32, #tpu.memory_space<vmem>> -> memref<80xi32, #tpu.memory_space<vmem>>
      %dma_wait3A_143 = arith.constant 0 : i32
      %dma_wait3A_144 = arith.constant 0 : i32
      %dma_wait3A_145 = tpu.memref_slice %arg2[%dma_wait3A_143, %dma_wait3A_144] : memref<10000x64xf32, #tpu.memory_space<hbm>> -> memref<10000x64xf32, #tpu.memory_space<hbm>>
      tpu.wait_indirect_dma semaphore(%arg19 : memref<!tpu.dma_semaphore, #tpu.memory_space<semaphore_mem>>) src(%dma_wait3A_145 : memref<10000x64xf32, #tpu.memory_space<hbm>>) dst(%arg12 : memref<80x64xf32, #tpu.memory_space<vmem>>)
      %dma_start3A_146 = arith.constant 0 : i32
      %dma_start3A_147 = tpu.memref_slice %arg7[%add3A_139, %dma_start3A_146] : memref<125x80xi32, #tpu.memory_space<vmem>> -> memref<1x80xi32, #tpu.memory_space<vmem>>
      %dma_start3A_148 = tpu.memref_squeeze %dma_start3A_147 : memref<1x80xi32, #tpu.memory_space<vmem>> -> memref<80xi32, #tpu.memory_space<vmem>>
      %dma_start3A_149 = arith.constant 0 : i32
      %dma_start3A_150 = arith.constant 0 : i32
      %dma_start3A_151 = tpu.memref_slice %arg14[%dma_start3A_149, %dma_start3A_150] : memref<10240x64xf32, #tpu.memory_space<vmem_shared>> -> memref<10240x64xf32, #tpu.memory_space<vmem_shared>>
      tpu.enqueue_indirect_dma source(%arg12 : memref<80x64xf32, #tpu.memory_space<vmem>>) target(%dma_start3A_151 : memref<10240x64xf32, #tpu.memory_space<vmem_shared>>) offsets(%dma_start3A_148 : memref<80xi32, #tpu.memory_space<vmem>>) semaphore(%arg24 : memref<!tpu.dma_semaphore, #tpu.memory_space<semaphore_mem>>) {add = true}
      %mul3A_152 = arith.constant 5 : i32
      %mul3A_153 = arith.muli %scan3A_72, %mul3A_152 : i32
      %add3A_154 = arith.constant 0 : i32
      %add3A_155 = arith.addi %mul3A_153, %add3A_154 : i32
      %dma_wait3A_156 = arith.constant 0 : i32
      %dma_wait3A_157 = tpu.memref_slice %arg7[%add3A_155, %dma_wait3A_156] : memref<125x80xi32, #tpu.memory_space<vmem>> -> memref<1x80xi32, #tpu.memory_space<vmem>>
      %dma_wait3A_158 = tpu.memref_squeeze %dma_wait3A_157 : memref<1x80xi32, #tpu.memory_space<vmem>> -> memref<80xi32, #tpu.memory_space<vmem>>
      %dma_wait3A_159 = arith.constant 0 : i32
      %dma_wait3A_160 = arith.constant 0 : i32
      %dma_wait3A_161 = tpu.memref_slice %arg14[%dma_wait3A_159, %dma_wait3A_160] : memref<10240x64xf32, #tpu.memory_space<vmem_shared>> -> memref<10240x64xf32, #tpu.memory_space<vmem_shared>>
      tpu.wait_indirect_dma semaphore(%arg20 : memref<!tpu.dma_semaphore, #tpu.memory_space<semaphore_mem>>) src(%arg8 : memref<80x64xf32, #tpu.memory_space<vmem>>) dst(%dma_wait3A_161 : memref<10240x64xf32, #tpu.memory_space<vmem_shared>>)
      %add3A_162 = arith.constant 1 : i32
      %add3A_163 = arith.addi %scan3A_72, %add3A_162 : i32
      %lt3A = arith.constant 25 : i32
      %lt3A_164 = arith.cmpi slt, %add3A_163, %lt3A : i32
      %convert_element_type3A = arith.extui %lt3A_164 : i1 to i32
      %cond3A = arith.constant 0 : i32
      %cond3A_165 = arith.cmpi ne, %convert_element_type3A, %cond3A : i32
      scf.if %cond3A_165 {
        %add3A_234 = arith.constant 5 : i32
        %add3A_235 = arith.addi %add3A_155, %add3A_234 : i32
        %dma_start3A_236 = arith.constant 0 : i32
        %dma_start3A_237 = tpu.memref_slice %arg6[%add3A_235, %dma_start3A_236] : memref<125x80xi32, #tpu.memory_space<vmem>> -> memref<1x80xi32, #tpu.memory_space<vmem>>
        %dma_start3A_238 = tpu.memref_squeeze %dma_start3A_237 : memref<1x80xi32, #tpu.memory_space<vmem>> -> memref<80xi32, #tpu.memory_space<vmem>>
        %dma_start3A_239 = arith.constant 0 : i32
        %dma_start3A_240 = arith.constant 0 : i32
        %dma_start3A_241 = tpu.memref_slice %arg2[%dma_start3A_239, %dma_start3A_240] : memref<10000x64xf32, #tpu.memory_space<hbm>> -> memref<10000x64xf32, #tpu.memory_space<hbm>>
        tpu.enqueue_indirect_dma source(%dma_start3A_241 : memref<10000x64xf32, #tpu.memory_space<hbm>>) target(%arg8 : memref<80x64xf32, #tpu.memory_space<vmem>>) offsets(%dma_start3A_238 : memref<80xi32, #tpu.memory_space<vmem>>) semaphore(%arg15 : memref<!tpu.dma_semaphore, #tpu.memory_space<semaphore_mem>>)
      } else {
      }
      %mul3A_166 = arith.constant 5 : i32
      %mul3A_167 = arith.muli %scan3A_72, %mul3A_166 : i32
      %add3A_168 = arith.constant 1 : i32
      %add3A_169 = arith.addi %mul3A_167, %add3A_168 : i32
      %dma_wait3A_170 = arith.constant 0 : i32
      %dma_wait3A_171 = tpu.memref_slice %arg7[%add3A_169, %dma_wait3A_170] : memref<125x80xi32, #tpu.memory_space<vmem>> -> memref<1x80xi32, #tpu.memory_space<vmem>>
      %dma_wait3A_172 = tpu.memref_squeeze %dma_wait3A_171 : memref<1x80xi32, #tpu.memory_space<vmem>> -> memref<80xi32, #tpu.memory_space<vmem>>
      %dma_wait3A_173 = arith.constant 0 : i32
      %dma_wait3A_174 = arith.constant 0 : i32
      %dma_wait3A_175 = tpu.memref_slice %arg14[%dma_wait3A_173, %dma_wait3A_174] : memref<10240x64xf32, #tpu.memory_space<vmem_shared>> -> memref<10240x64xf32, #tpu.memory_space<vmem_shared>>
      tpu.wait_indirect_dma semaphore(%arg21 : memref<!tpu.dma_semaphore, #tpu.memory_space<semaphore_mem>>) src(%arg9 : memref<80x64xf32, #tpu.memory_space<vmem>>) dst(%dma_wait3A_175 : memref<10240x64xf32, #tpu.memory_space<vmem_shared>>)
      %add3A_176 = arith.constant 1 : i32
      %add3A_177 = arith.addi %scan3A_72, %add3A_176 : i32
      %lt3A_178 = arith.constant 25 : i32
      %lt3A_179 = arith.cmpi slt, %add3A_177, %lt3A_178 : i32
      %convert_element_type3A_180 = arith.extui %lt3A_179 : i1 to i32
      %cond3A_181 = arith.constant 0 : i32
      %cond3A_182 = arith.cmpi ne, %convert_element_type3A_180, %cond3A_181 : i32
      scf.if %cond3A_182 {
        %add3A_234 = arith.constant 5 : i32
        %add3A_235 = arith.addi %add3A_169, %add3A_234 : i32
        %dma_start3A_236 = arith.constant 0 : i32
        %dma_start3A_237 = tpu.memref_slice %arg6[%add3A_235, %dma_start3A_236] : memref<125x80xi32, #tpu.memory_space<vmem>> -> memref<1x80xi32, #tpu.memory_space<vmem>>
        %dma_start3A_238 = tpu.memref_squeeze %dma_start3A_237 : memref<1x80xi32, #tpu.memory_space<vmem>> -> memref<80xi32, #tpu.memory_space<vmem>>
        %dma_start3A_239 = arith.constant 0 : i32
        %dma_start3A_240 = arith.constant 0 : i32
        %dma_start3A_241 = tpu.memref_slice %arg2[%dma_start3A_239, %dma_start3A_240] : memref<10000x64xf32, #tpu.memory_space<hbm>> -> memref<10000x64xf32, #tpu.memory_space<hbm>>
        tpu.enqueue_indirect_dma source(%dma_start3A_241 : memref<10000x64xf32, #tpu.memory_space<hbm>>) target(%arg9 : memref<80x64xf32, #tpu.memory_space<vmem>>) offsets(%dma_start3A_238 : memref<80xi32, #tpu.memory_space<vmem>>) semaphore(%arg16 : memref<!tpu.dma_semaphore, #tpu.memory_space<semaphore_mem>>)
      } else {
      }
      %mul3A_183 = arith.constant 5 : i32
      %mul3A_184 = arith.muli %scan3A_72, %mul3A_183 : i32
      %add3A_185 = arith.constant 2 : i32
      %add3A_186 = arith.addi %mul3A_184, %add3A_185 : i32
      %dma_wait3A_187 = arith.constant 0 : i32
      %dma_wait3A_188 = tpu.memref_slice %arg7[%add3A_186, %dma_wait3A_187] : memref<125x80xi32, #tpu.memory_space<vmem>> -> memref<1x80xi32, #tpu.memory_space<vmem>>
      %dma_wait3A_189 = tpu.memref_squeeze %dma_wait3A_188 : memref<1x80xi32, #tpu.memory_space<vmem>> -> memref<80xi32, #tpu.memory_space<vmem>>
      %dma_wait3A_190 = arith.constant 0 : i32
      %dma_wait3A_191 = arith.constant 0 : i32
      %dma_wait3A_192 = tpu.memref_slice %arg14[%dma_wait3A_190, %dma_wait3A_191] : memref<10240x64xf32, #tpu.memory_space<vmem_shared>> -> memref<10240x64xf32, #tpu.memory_space<vmem_shared>>
      tpu.wait_indirect_dma semaphore(%arg22 : memref<!tpu.dma_semaphore, #tpu.memory_space<semaphore_mem>>) src(%arg10 : memref<80x64xf32, #tpu.memory_space<vmem>>) dst(%dma_wait3A_192 : memref<10240x64xf32, #tpu.memory_space<vmem_shared>>)
      %add3A_193 = arith.constant 1 : i32
      %add3A_194 = arith.addi %scan3A_72, %add3A_193 : i32
      %lt3A_195 = arith.constant 25 : i32
      %lt3A_196 = arith.cmpi slt, %add3A_194, %lt3A_195 : i32
      %convert_element_type3A_197 = arith.extui %lt3A_196 : i1 to i32
      %cond3A_198 = arith.constant 0 : i32
      %cond3A_199 = arith.cmpi ne, %convert_element_type3A_197, %cond3A_198 : i32
      scf.if %cond3A_199 {
        %add3A_234 = arith.constant 5 : i32
        %add3A_235 = arith.addi %add3A_186, %add3A_234 : i32
        %dma_start3A_236 = arith.constant 0 : i32
        %dma_start3A_237 = tpu.memref_slice %arg6[%add3A_235, %dma_start3A_236] : memref<125x80xi32, #tpu.memory_space<vmem>> -> memref<1x80xi32, #tpu.memory_space<vmem>>
        %dma_start3A_238 = tpu.memref_squeeze %dma_start3A_237 : memref<1x80xi32, #tpu.memory_space<vmem>> -> memref<80xi32, #tpu.memory_space<vmem>>
        %dma_start3A_239 = arith.constant 0 : i32
        %dma_start3A_240 = arith.constant 0 : i32
        %dma_start3A_241 = tpu.memref_slice %arg2[%dma_start3A_239, %dma_start3A_240] : memref<10000x64xf32, #tpu.memory_space<hbm>> -> memref<10000x64xf32, #tpu.memory_space<hbm>>
        tpu.enqueue_indirect_dma source(%dma_start3A_241 : memref<10000x64xf32, #tpu.memory_space<hbm>>) target(%arg10 : memref<80x64xf32, #tpu.memory_space<vmem>>) offsets(%dma_start3A_238 : memref<80xi32, #tpu.memory_space<vmem>>) semaphore(%arg17 : memref<!tpu.dma_semaphore, #tpu.memory_space<semaphore_mem>>)
      } else {
      }
      %mul3A_200 = arith.constant 5 : i32
      %mul3A_201 = arith.muli %scan3A_72, %mul3A_200 : i32
      %add3A_202 = arith.constant 3 : i32
      %add3A_203 = arith.addi %mul3A_201, %add3A_202 : i32
      %dma_wait3A_204 = arith.constant 0 : i32
      %dma_wait3A_205 = tpu.memref_slice %arg7[%add3A_203, %dma_wait3A_204] : memref<125x80xi32, #tpu.memory_space<vmem>> -> memref<1x80xi32, #tpu.memory_space<vmem>>
      %dma_wait3A_206 = tpu.memref_squeeze %dma_wait3A_205 : memref<1x80xi32, #tpu.memory_space<vmem>> -> memref<80xi32, #tpu.memory_space<vmem>>
      %dma_wait3A_207 = arith.constant 0 : i32
      %dma_wait3A_208 = arith.constant 0 : i32
      %dma_wait3A_209 = tpu.memref_slice %arg14[%dma_wait3A_207, %dma_wait3A_208] : memref<10240x64xf32, #tpu.memory_space<vmem_shared>> -> memref<10240x64xf32, #tpu.memory_space<vmem_shared>>
      tpu.wait_indirect_dma semaphore(%arg23 : memref<!tpu.dma_semaphore, #tpu.memory_space<semaphore_mem>>) src(%arg11 : memref<80x64xf32, #tpu.memory_space<vmem>>) dst(%dma_wait3A_209 : memref<10240x64xf32, #tpu.memory_space<vmem_shared>>)
      %add3A_210 = arith.constant 1 : i32
      %add3A_211 = arith.addi %scan3A_72, %add3A_210 : i32
      %lt3A_212 = arith.constant 25 : i32
      %lt3A_213 = arith.cmpi slt, %add3A_211, %lt3A_212 : i32
      %convert_element_type3A_214 = arith.extui %lt3A_213 : i1 to i32
      %cond3A_215 = arith.constant 0 : i32
      %cond3A_216 = arith.cmpi ne, %convert_element_type3A_214, %cond3A_215 : i32
      scf.if %cond3A_216 {
        %add3A_234 = arith.constant 5 : i32
        %add3A_235 = arith.addi %add3A_203, %add3A_234 : i32
        %dma_start3A_236 = arith.constant 0 : i32
        %dma_start3A_237 = tpu.memref_slice %arg6[%add3A_235, %dma_start3A_236] : memref<125x80xi32, #tpu.memory_space<vmem>> -> memref<1x80xi32, #tpu.memory_space<vmem>>
        %dma_start3A_238 = tpu.memref_squeeze %dma_start3A_237 : memref<1x80xi32, #tpu.memory_space<vmem>> -> memref<80xi32, #tpu.memory_space<vmem>>
        %dma_start3A_239 = arith.constant 0 : i32
        %dma_start3A_240 = arith.constant 0 : i32
        %dma_start3A_241 = tpu.memref_slice %arg2[%dma_start3A_239, %dma_start3A_240] : memref<10000x64xf32, #tpu.memory_space<hbm>> -> memref<10000x64xf32, #tpu.memory_space<hbm>>
        tpu.enqueue_indirect_dma source(%dma_start3A_241 : memref<10000x64xf32, #tpu.memory_space<hbm>>) target(%arg11 : memref<80x64xf32, #tpu.memory_space<vmem>>) offsets(%dma_start3A_238 : memref<80xi32, #tpu.memory_space<vmem>>) semaphore(%arg18 : memref<!tpu.dma_semaphore, #tpu.memory_space<semaphore_mem>>)
      } else {
      }
      %mul3A_217 = arith.constant 5 : i32
      %mul3A_218 = arith.muli %scan3A_72, %mul3A_217 : i32
      %add3A_219 = arith.constant 4 : i32
      %add3A_220 = arith.addi %mul3A_218, %add3A_219 : i32
      %dma_wait3A_221 = arith.constant 0 : i32
      %dma_wait3A_222 = tpu.memref_slice %arg7[%add3A_220, %dma_wait3A_221] : memref<125x80xi32, #tpu.memory_space<vmem>> -> memref<1x80xi32, #tpu.memory_space<vmem>>
      %dma_wait3A_223 = tpu.memref_squeeze %dma_wait3A_222 : memref<1x80xi32, #tpu.memory_space<vmem>> -> memref<80xi32, #tpu.memory_space<vmem>>
      %dma_wait3A_224 = arith.constant 0 : i32
      %dma_wait3A_225 = arith.constant 0 : i32
      %dma_wait3A_226 = tpu.memref_slice %arg14[%dma_wait3A_224, %dma_wait3A_225] : memref<10240x64xf32, #tpu.memory_space<vmem_shared>> -> memref<10240x64xf32, #tpu.memory_space<vmem_shared>>
      tpu.wait_indirect_dma semaphore(%arg24 : memref<!tpu.dma_semaphore, #tpu.memory_space<semaphore_mem>>) src(%arg12 : memref<80x64xf32, #tpu.memory_space<vmem>>) dst(%dma_wait3A_226 : memref<10240x64xf32, #tpu.memory_space<vmem_shared>>)
      %add3A_227 = arith.constant 1 : i32
      %add3A_228 = arith.addi %scan3A_72, %add3A_227 : i32
      %lt3A_229 = arith.constant 25 : i32
      %lt3A_230 = arith.cmpi slt, %add3A_228, %lt3A_229 : i32
      %convert_element_type3A_231 = arith.extui %lt3A_230 : i1 to i32
      %cond3A_232 = arith.constant 0 : i32
      %cond3A_233 = arith.cmpi ne, %convert_element_type3A_231, %cond3A_232 : i32
      scf.if %cond3A_233 {
        %add3A_234 = arith.constant 5 : i32
        %add3A_235 = arith.addi %add3A_220, %add3A_234 : i32
        %dma_start3A_236 = arith.constant 0 : i32
        %dma_start3A_237 = tpu.memref_slice %arg6[%add3A_235, %dma_start3A_236] : memref<125x80xi32, #tpu.memory_space<vmem>> -> memref<1x80xi32, #tpu.memory_space<vmem>>
        %dma_start3A_238 = tpu.memref_squeeze %dma_start3A_237 : memref<1x80xi32, #tpu.memory_space<vmem>> -> memref<80xi32, #tpu.memory_space<vmem>>
        %dma_start3A_239 = arith.constant 0 : i32
        %dma_start3A_240 = arith.constant 0 : i32
        %dma_start3A_241 = tpu.memref_slice %arg2[%dma_start3A_239, %dma_start3A_240] : memref<10000x64xf32, #tpu.memory_space<hbm>> -> memref<10000x64xf32, #tpu.memory_space<hbm>>
        tpu.enqueue_indirect_dma source(%dma_start3A_241 : memref<10000x64xf32, #tpu.memory_space<hbm>>) target(%arg12 : memref<80x64xf32, #tpu.memory_space<vmem>>) offsets(%dma_start3A_238 : memref<80xi32, #tpu.memory_space<vmem>>) semaphore(%arg19 : memref<!tpu.dma_semaphore, #tpu.memory_space<semaphore_mem>>)
      } else {
      }
    }
    %scan3A_66 = arith.constant 25 : i32
    %barrier3A_67 = arith.constant 0 : index
    tpu.barrier barrier_id(%barrier3A_67)
    %mul3A_68 = arith.constant 640 : i32
    %mul3A_69 = arith.muli %arg1, %mul3A_68 : i32
    %mul3A_70 = arith.constant 640 : i32
    %mul3A_71 = arith.muli %arg1, %mul3A_70 : i32
    "tpu.region"() ({
      %run_scoped3A = tpu.sem_alloc : memref<!tpu.dma_semaphore, #tpu.memory_space<semaphore_mem>>
      %dma_start3A_72 = arith.constant 0 : i32
      %dma_start3A_73 = arith.constant 0 : i32
      %dma_start3A_74 = tpu.memref_slice %arg5[%arg0, %dma_start3A_72, %dma_start3A_73] : memref<2x10240x64xf32, #tpu.memory_space<hbm>> -> memref<1x10240x64xf32, #tpu.memory_space<hbm>>
      %dma_start3A_75 = tpu.memref_squeeze %dma_start3A_74 : memref<1x10240x64xf32, #tpu.memory_space<hbm>> -> memref<10240x64xf32, #tpu.memory_space<hbm>>
      %dma_start3A_76 = arith.constant 0 : i32
      %dma_start3A_77 = tpu.memref_slice %dma_start3A_75[%mul3A_71, %dma_start3A_76] : memref<10240x64xf32, #tpu.memory_space<hbm>> -> memref<640x64xf32, #tpu.memory_space<hbm>>
      %dma_start3A_78 = arith.constant 0 : i32
      %dma_start3A_79 = tpu.memref_slice %arg14[%mul3A_69, %dma_start3A_78] : memref<10240x64xf32, #tpu.memory_space<vmem_shared>> -> memref<640x64xf32, #tpu.memory_space<vmem_shared>>
      tpu.enqueue_dma source(%dma_start3A_79 : memref<640x64xf32, #tpu.memory_space<vmem_shared>>) target(%dma_start3A_77 : memref<640x64xf32, #tpu.memory_space<hbm>>) target_semaphore(%run_scoped3A : memref<!tpu.dma_semaphore, #tpu.memory_space<semaphore_mem>>)
      %dma_wait3A = arith.constant 0 : i32
      %dma_wait3A_80 = arith.constant 0 : i32
      %dma_wait3A_81 = tpu.memref_slice %arg5[%arg0, %dma_wait3A, %dma_wait3A_80] : memref<2x10240x64xf32, #tpu.memory_space<hbm>> -> memref<1x10240x64xf32, #tpu.memory_space<hbm>>
      %dma_wait3A_82 = tpu.memref_squeeze %dma_wait3A_81 : memref<1x10240x64xf32, #tpu.memory_space<hbm>> -> memref<10240x64xf32, #tpu.memory_space<hbm>>
      %dma_wait3A_83 = arith.constant 0 : i32
      %dma_wait3A_84 = tpu.memref_slice %dma_wait3A_82[%mul3A_71, %dma_wait3A_83] : memref<10240x64xf32, #tpu.memory_space<hbm>> -> memref<640x64xf32, #tpu.memory_space<hbm>>
      %dma_wait3A_85 = arith.constant 0 : i32
      %dma_wait3A_86 = tpu.memref_slice %arg14[%mul3A_69, %dma_wait3A_85] : memref<10240x64xf32, #tpu.memory_space<vmem_shared>> -> memref<640x64xf32, #tpu.memory_space<vmem_shared>>
      tpu.wait_dma2 semaphore(%run_scoped3A : memref<!tpu.dma_semaphore, #tpu.memory_space<semaphore_mem>>) src(%dma_wait3A_86 : memref<640x64xf32, #tpu.memory_space<vmem_shared>>) dst(%dma_wait3A_84 : memref<640x64xf32, #tpu.memory_space<hbm>>)
      tpu.yield
    }) : () -> ()
    return
  }
}

#map = affine_map<(d0, d1) -> (0, 0, 0)>
module attributes {stable_mosaic.version = 14 : i64} {
  func.func @_degree_kernel(%arg0: i32, %arg1: i32, %arg2: memref<32x125x80xi32, #tpu.memory_space<hbm>>, %arg3: memref<32x1x10000xf32, #tpu.memory_space<hbm>>, %arg4: memref<125x80xi32, #tpu.memory_space<vmem>>, %arg5: memref<10000xf32, #tpu.memory_space<vmem>>) attributes {dimension_semantics = [#tpu.dimension_semantics<core_parallel>, #tpu.dimension_semantics<subcore_parallel>], iteration_bounds = array<i64: 2, 16>, scalar_prefetch = 0 : i64, scratch_operands = 2 : i64, tpu.core_type = #tpu.core_type<sc_vector_subcore>, window_params = [{transform_indices = #map}, {transform_indices = #map}]} {
    %mul3A = arith.constant 2 : i32
    %mul3A_0 = arith.muli %arg1, %mul3A : i32
    %add3A = arith.addi %mul3A_0, %arg0 : i32
    "tpu.region"() ({
      %run_scoped3A_15 = tpu.sem_alloc : memref<!tpu.dma_semaphore, #tpu.memory_space<semaphore_mem>>
      %dma_start3A = arith.constant 0 : i32
      %dma_start3A_16 = arith.constant 0 : i32
      %dma_start3A_17 = tpu.memref_slice %arg2[%add3A, %dma_start3A, %dma_start3A_16] : memref<32x125x80xi32, #tpu.memory_space<hbm>> -> memref<1x125x80xi32, #tpu.memory_space<hbm>>
      %dma_start3A_18 = tpu.memref_squeeze %dma_start3A_17 : memref<1x125x80xi32, #tpu.memory_space<hbm>> -> memref<125x80xi32, #tpu.memory_space<hbm>>
      %dma_start3A_19 = arith.constant 0 : i32
      %dma_start3A_20 = arith.constant 0 : i32
      %dma_start3A_21 = tpu.memref_slice %arg2[%add3A, %dma_start3A_19, %dma_start3A_20] : memref<32x125x80xi32, #tpu.memory_space<hbm>> -> memref<1x125x80xi32, #tpu.memory_space<hbm>>
      %dma_start3A_22 = tpu.memref_squeeze %dma_start3A_21 : memref<1x125x80xi32, #tpu.memory_space<hbm>> -> memref<125x80xi32, #tpu.memory_space<hbm>>
      tpu.enqueue_dma source(%dma_start3A_22 : memref<125x80xi32, #tpu.memory_space<hbm>>) target(%arg4 : memref<125x80xi32, #tpu.memory_space<vmem>>) target_semaphore(%run_scoped3A_15 : memref<!tpu.dma_semaphore, #tpu.memory_space<semaphore_mem>>)
      %dma_wait3A = arith.constant 0 : i32
      %dma_wait3A_23 = arith.constant 0 : i32
      %dma_wait3A_24 = tpu.memref_slice %arg2[%add3A, %dma_wait3A, %dma_wait3A_23] : memref<32x125x80xi32, #tpu.memory_space<hbm>> -> memref<1x125x80xi32, #tpu.memory_space<hbm>>
      %dma_wait3A_25 = tpu.memref_squeeze %dma_wait3A_24 : memref<1x125x80xi32, #tpu.memory_space<hbm>> -> memref<125x80xi32, #tpu.memory_space<hbm>>
      %dma_wait3A_26 = arith.constant 0 : i32
      %dma_wait3A_27 = arith.constant 0 : i32
      %dma_wait3A_28 = tpu.memref_slice %arg2[%add3A, %dma_wait3A_26, %dma_wait3A_27] : memref<32x125x80xi32, #tpu.memory_space<hbm>> -> memref<1x125x80xi32, #tpu.memory_space<hbm>>
      %dma_wait3A_29 = tpu.memref_squeeze %dma_wait3A_28 : memref<1x125x80xi32, #tpu.memory_space<hbm>> -> memref<125x80xi32, #tpu.memory_space<hbm>>
      tpu.wait_dma2 semaphore(%run_scoped3A_15 : memref<!tpu.dma_semaphore, #tpu.memory_space<semaphore_mem>>) src(%dma_wait3A_29 : memref<125x80xi32, #tpu.memory_space<hbm>>) dst(%arg4 : memref<125x80xi32, #tpu.memory_space<vmem>>)
      tpu.yield
    }) : () -> ()
    %broadcast_in_dim3A = arith.constant 0.000000e+00 : f32
    %broadcast_in_dim3A_1 = vector.broadcast %broadcast_in_dim3A : f32 to vector<16xf32>
    %scan3A = arith.constant 0 : i32
    %scan3A_2 = arith.constant 0 : i32
    %scan3A_3 = arith.constant 625 : i32
    %scan3A_4 = arith.addi %scan3A_2, %scan3A_3 : i32
    %scan3A_5 = arith.constant 1 : i32
    scf.for %scan3A_15 = %scan3A_2 to %scan3A_4 step %scan3A_5  : i32 {
      %mul3A_16 = arith.constant 16 : i32
      %mul3A_17 = arith.muli %scan3A_15, %mul3A_16 : i32
      %swap3A = arith.index_cast %mul3A_17 : i32 to index
      %swap3A_18 = tpu.vector_load %arg5[%swap3A] {strides = array<i32>} : memref<10000xf32, #tpu.memory_space<vmem>>, vector<16xf32>,
      tpu.vector_store %arg5[%swap3A], %broadcast_in_dim3A_1 {strides = array<i32>} : memref<10000xf32, #tpu.memory_space<vmem>>, vector<16xf32>,
    }
    %scan3A_6 = arith.constant 625 : i32
    %broadcast_in_dim3A_7 = arith.constant 1.000000e+00 : f32
    %broadcast_in_dim3A_8 = vector.broadcast %broadcast_in_dim3A_7 : f32 to vector<16xf32>
    %scan3A_9 = arith.constant 0 : i32
    %scan3A_10 = arith.constant 0 : i32
    %scan3A_11 = arith.constant 125 : i32
    %scan3A_12 = arith.addi %scan3A_10, %scan3A_11 : i32
    %scan3A_13 = arith.constant 1 : i32
    scf.for %scan3A_15 = %scan3A_10 to %scan3A_12 step %scan3A_13  : i32 {
      %get3A = arith.index_cast %scan3A_15 : i32 to index
      %get3A_16 = arith.constant 0 : index
      %get3A_17 = tpu.vector_load %arg4[%get3A, %get3A_16] {strides = array<i32>} : memref<125x80xi32, #tpu.memory_space<vmem>>, vector<16xi32>,
      tpu.vector_store_idx %arg5[%get3A_17], %broadcast_in_dim3A_8 {add = true} : memref<10000xf32, #tpu.memory_space<vmem>>[vector<16xi32>], vector<16xf32>,
      %get3A_18 = arith.index_cast %scan3A_15 : i32 to index
      %get3A_19 = arith.constant 16 : index
      %get3A_20 = tpu.vector_load %arg4[%get3A_18, %get3A_19] {strides = array<i32>} : memref<125x80xi32, #tpu.memory_space<vmem>>, vector<16xi32>,
      tpu.vector_store_idx %arg5[%get3A_20], %broadcast_in_dim3A_8 {add = true} : memref<10000xf32, #tpu.memory_space<vmem>>[vector<16xi32>], vector<16xf32>,
      %get3A_21 = arith.index_cast %scan3A_15 : i32 to index
      %get3A_22 = arith.constant 32 : index
      %get3A_23 = tpu.vector_load %arg4[%get3A_21, %get3A_22] {strides = array<i32>} : memref<125x80xi32, #tpu.memory_space<vmem>>, vector<16xi32>,
      tpu.vector_store_idx %arg5[%get3A_23], %broadcast_in_dim3A_8 {add = true} : memref<10000xf32, #tpu.memory_space<vmem>>[vector<16xi32>], vector<16xf32>,
      %get3A_24 = arith.index_cast %scan3A_15 : i32 to index
      %get3A_25 = arith.constant 48 : index
      %get3A_26 = tpu.vector_load %arg4[%get3A_24, %get3A_25] {strides = array<i32>} : memref<125x80xi32, #tpu.memory_space<vmem>>, vector<16xi32>,
      tpu.vector_store_idx %arg5[%get3A_26], %broadcast_in_dim3A_8 {add = true} : memref<10000xf32, #tpu.memory_space<vmem>>[vector<16xi32>], vector<16xf32>,
      %get3A_27 = arith.index_cast %scan3A_15 : i32 to index
      %get3A_28 = arith.constant 64 : index
      %get3A_29 = tpu.vector_load %arg4[%get3A_27, %get3A_28] {strides = array<i32>} : memref<125x80xi32, #tpu.memory_space<vmem>>, vector<16xi32>,
      tpu.vector_store_idx %arg5[%get3A_29], %broadcast_in_dim3A_8 {add = true} : memref<10000xf32, #tpu.memory_space<vmem>>[vector<16xi32>], vector<16xf32>,
    }
    %scan3A_14 = arith.constant 125 : i32
    %run_scoped3A = arith.constant 0 : i32
    "tpu.region"() ({
      %run_scoped3A_15 = tpu.sem_alloc : memref<!tpu.dma_semaphore, #tpu.memory_space<semaphore_mem>>
      %dma_start3A = arith.constant 0 : i32
      %dma_start3A_16 = tpu.memref_slice %arg3[%add3A, %run_scoped3A, %dma_start3A] : memref<32x1x10000xf32, #tpu.memory_space<hbm>> -> memref<1x1x10000xf32, #tpu.memory_space<hbm>>
      %dma_start3A_17 = tpu.memref_squeeze %dma_start3A_16 : memref<1x1x10000xf32, #tpu.memory_space<hbm>> -> memref<10000xf32, #tpu.memory_space<hbm>>
      %dma_start3A_18 = arith.constant 0 : i32
      %dma_start3A_19 = tpu.memref_slice %arg3[%add3A, %run_scoped3A, %dma_start3A_18] : memref<32x1x10000xf32, #tpu.memory_space<hbm>> -> memref<1x1x10000xf32, #tpu.memory_space<hbm>>
      %dma_start3A_20 = tpu.memref_squeeze %dma_start3A_19 : memref<1x1x10000xf32, #tpu.memory_space<hbm>> -> memref<10000xf32, #tpu.memory_space<hbm>>
      tpu.enqueue_dma source(%arg5 : memref<10000xf32, #tpu.memory_space<vmem>>) target(%dma_start3A_20 : memref<10000xf32, #tpu.memory_space<hbm>>) target_semaphore(%run_scoped3A_15 : memref<!tpu.dma_semaphore, #tpu.memory_space<semaphore_mem>>)
      %dma_wait3A = arith.constant 0 : i32
      %dma_wait3A_21 = tpu.memref_slice %arg3[%add3A, %run_scoped3A, %dma_wait3A] : memref<32x1x10000xf32, #tpu.memory_space<hbm>> -> memref<1x1x10000xf32, #tpu.memory_space<hbm>>
      %dma_wait3A_22 = tpu.memref_squeeze %dma_wait3A_21 : memref<1x1x10000xf32, #tpu.memory_space<hbm>> -> memref<10000xf32, #tpu.memory_space<hbm>>
      %dma_wait3A_23 = arith.constant 0 : i32
      %dma_wait3A_24 = tpu.memref_slice %arg3[%add3A, %run_scoped3A, %dma_wait3A_23] : memref<32x1x10000xf32, #tpu.memory_space<hbm>> -> memref<1x1x10000xf32, #tpu.memory_space<hbm>>
      %dma_wait3A_25 = tpu.memref_squeeze %dma_wait3A_24 : memref<1x1x10000xf32, #tpu.memory_space<hbm>> -> memref<10000xf32, #tpu.memory_space<hbm>>
      tpu.wait_dma2 semaphore(%run_scoped3A_15 : memref<!tpu.dma_semaphore, #tpu.memory_space<semaphore_mem>>) src(%arg5 : memref<10000xf32, #tpu.memory_space<vmem>>) dst(%dma_wait3A_25 : memref<10000xf32, #tpu.memory_space<hbm>>)
      tpu.yield
    }) : () -> ()
    return
  }
}

#map = affine_map<(d0, d1) -> (0, 0, 0)>
module attributes {stable_mosaic.version = 14 : i64} {
  func.func @prop(%arg0: i32, %arg1: i32, %arg2: memref<2x10000x64xf32, #tpu.memory_space<hbm>>, %arg3: memref<16x250x80xi32, #tpu.memory_space<hbm>>, %arg4: memref<16x250x80xi32, #tpu.memory_space<hbm>>, %arg5: memref<2x10240x64xf32, #tpu.memory_space<hbm>>, %arg6: memref<250x80xi32, #tpu.memory_space<vmem>>, %arg7: memref<250x80xi32, #tpu.memory_space<vmem>>, %arg8: memref<80x64xf32, #tpu.memory_space<vmem>>, %arg9: memref<80x64xf32, #tpu.memory_space<vmem>>, %arg10: memref<80x64xf32, #tpu.memory_space<vmem>>, %arg11: memref<80x64xf32, #tpu.memory_space<vmem>>, %arg12: memref<80x64xf32, #tpu.memory_space<vmem>>, %arg13: memref<128x64xf32, #tpu.memory_space<vmem>>, %arg14: memref<10240x64xf32, #tpu.memory_space<vmem_shared>>, %arg15: memref<!tpu.dma_semaphore, #tpu.memory_space<semaphore_mem>>, %arg16: memref<!tpu.dma_semaphore, #tpu.memory_space<semaphore_mem>>, %arg17: memref<!tpu.dma_semaphore, #tpu.memory_space<semaphore_mem>>, %arg18: memref<!tpu.dma_semaphore, #tpu.memory_space<semaphore_mem>>, %arg19: memref<!tpu.dma_semaphore, #tpu.memory_space<semaphore_mem>>, %arg20: memref<!tpu.dma_semaphore, #tpu.memory_space<semaphore_mem>>, %arg21: memref<!tpu.dma_semaphore, #tpu.memory_space<semaphore_mem>>, %arg22: memref<!tpu.dma_semaphore, #tpu.memory_space<semaphore_mem>>, %arg23: memref<!tpu.dma_semaphore, #tpu.memory_space<semaphore_mem>>, %arg24: memref<!tpu.dma_semaphore, #tpu.memory_space<semaphore_mem>>) attributes {dimension_semantics = [#tpu.dimension_semantics<core_parallel>, #tpu.dimension_semantics<subcore_parallel>], iteration_bounds = array<i64: 2, 16>, scalar_prefetch = 0 : i64, scratch_operands = 19 : i64, tpu.core_type = #tpu.core_type<sc_vector_subcore>, window_params = [{transform_indices = #map}, {transform_indices = #map}, {transform_indices = #map}, {transform_indices = #map}]} {
    "tpu.region"() ({
      %run_scoped3A = tpu.sem_alloc : memref<!tpu.dma_semaphore, #tpu.memory_space<semaphore_mem>>
      %dma_start3A_89 = arith.constant 0 : i32
      %dma_start3A_90 = arith.constant 0 : i32
      %dma_start3A_91 = tpu.memref_slice %arg3[%arg1, %dma_start3A_89, %dma_start3A_90] : memref<16x250x80xi32, #tpu.memory_space<hbm>> -> memref<1x250x80xi32, #tpu.memory_space<hbm>>
      %dma_start3A_92 = tpu.memref_squeeze %dma_start3A_91 : memref<1x250x80xi32, #tpu.memory_space<hbm>> -> memref<250x80xi32, #tpu.memory_space<hbm>>
      %dma_start3A_93 = arith.constant 0 : i32
      %dma_start3A_94 = arith.constant 0 : i32
      %dma_start3A_95 = tpu.memref_slice %arg3[%arg1, %dma_start3A_93, %dma_start3A_94] : memref<16x250x80xi32, #tpu.memory_space<hbm>> -> memref<1x250x80xi32, #tpu.memory_space<hbm>>
      %dma_start3A_96 = tpu.memref_squeeze %dma_start3A_95 : memref<1x250x80xi32, #tpu.memory_space<hbm>> -> memref<250x80xi32, #tpu.memory_space<hbm>>
      tpu.enqueue_dma source(%dma_start3A_96 : memref<250x80xi32, #tpu.memory_space<hbm>>) target(%arg6 : memref<250x80xi32, #tpu.memory_space<vmem>>) target_semaphore(%run_scoped3A : memref<!tpu.dma_semaphore, #tpu.memory_space<semaphore_mem>>)
      %dma_wait3A = arith.constant 0 : i32
      %dma_wait3A_97 = arith.constant 0 : i32
      %dma_wait3A_98 = tpu.memref_slice %arg3[%arg1, %dma_wait3A, %dma_wait3A_97] : memref<16x250x80xi32, #tpu.memory_space<hbm>> -> memref<1x250x80xi32, #tpu.memory_space<hbm>>
      %dma_wait3A_99 = tpu.memref_squeeze %dma_wait3A_98 : memref<1x250x80xi32, #tpu.memory_space<hbm>> -> memref<250x80xi32, #tpu.memory_space<hbm>>
      %dma_wait3A_100 = arith.constant 0 : i32
      %dma_wait3A_101 = arith.constant 0 : i32
      %dma_wait3A_102 = tpu.memref_slice %arg3[%arg1, %dma_wait3A_100, %dma_wait3A_101] : memref<16x250x80xi32, #tpu.memory_space<hbm>> -> memref<1x250x80xi32, #tpu.memory_space<hbm>>
      %dma_wait3A_103 = tpu.memref_squeeze %dma_wait3A_102 : memref<1x250x80xi32, #tpu.memory_space<hbm>> -> memref<250x80xi32, #tpu.memory_space<hbm>>
      tpu.wait_dma2 semaphore(%run_scoped3A : memref<!tpu.dma_semaphore, #tpu.memory_space<semaphore_mem>>) src(%dma_wait3A_103 : memref<250x80xi32, #tpu.memory_space<hbm>>) dst(%arg6 : memref<250x80xi32, #tpu.memory_space<vmem>>)
      tpu.yield
    }) : () -> ()
    "tpu.region"() ({
      %run_scoped3A = tpu.sem_alloc : memref<!tpu.dma_semaphore, #tpu.memory_space<semaphore_mem>>
      %dma_start3A_89 = arith.constant 0 : i32
      %dma_start3A_90 = arith.constant 0 : i32
      %dma_start3A_91 = tpu.memref_slice %arg4[%arg1, %dma_start3A_89, %dma_start3A_90] : memref<16x250x80xi32, #tpu.memory_space<hbm>> -> memref<1x250x80xi32, #tpu.memory_space<hbm>>
      %dma_start3A_92 = tpu.memref_squeeze %dma_start3A_91 : memref<1x250x80xi32, #tpu.memory_space<hbm>> -> memref<250x80xi32, #tpu.memory_space<hbm>>
      %dma_start3A_93 = arith.constant 0 : i32
      %dma_start3A_94 = arith.constant 0 : i32
      %dma_start3A_95 = tpu.memref_slice %arg4[%arg1, %dma_start3A_93, %dma_start3A_94] : memref<16x250x80xi32, #tpu.memory_space<hbm>> -> memref<1x250x80xi32, #tpu.memory_space<hbm>>
      %dma_start3A_96 = tpu.memref_squeeze %dma_start3A_95 : memref<1x250x80xi32, #tpu.memory_space<hbm>> -> memref<250x80xi32, #tpu.memory_space<hbm>>
      tpu.enqueue_dma source(%dma_start3A_96 : memref<250x80xi32, #tpu.memory_space<hbm>>) target(%arg7 : memref<250x80xi32, #tpu.memory_space<vmem>>) target_semaphore(%run_scoped3A : memref<!tpu.dma_semaphore, #tpu.memory_space<semaphore_mem>>)
      %dma_wait3A = arith.constant 0 : i32
      %dma_wait3A_97 = arith.constant 0 : i32
      %dma_wait3A_98 = tpu.memref_slice %arg4[%arg1, %dma_wait3A, %dma_wait3A_97] : memref<16x250x80xi32, #tpu.memory_space<hbm>> -> memref<1x250x80xi32, #tpu.memory_space<hbm>>
      %dma_wait3A_99 = tpu.memref_squeeze %dma_wait3A_98 : memref<1x250x80xi32, #tpu.memory_space<hbm>> -> memref<250x80xi32, #tpu.memory_space<hbm>>
      %dma_wait3A_100 = arith.constant 0 : i32
      %dma_wait3A_101 = arith.constant 0 : i32
      %dma_wait3A_102 = tpu.memref_slice %arg4[%arg1, %dma_wait3A_100, %dma_wait3A_101] : memref<16x250x80xi32, #tpu.memory_space<hbm>> -> memref<1x250x80xi32, #tpu.memory_space<hbm>>
      %dma_wait3A_103 = tpu.memref_squeeze %dma_wait3A_102 : memref<1x250x80xi32, #tpu.memory_space<hbm>> -> memref<250x80xi32, #tpu.memory_space<hbm>>
      tpu.wait_dma2 semaphore(%run_scoped3A : memref<!tpu.dma_semaphore, #tpu.memory_space<semaphore_mem>>) src(%dma_wait3A_103 : memref<250x80xi32, #tpu.memory_space<hbm>>) dst(%arg7 : memref<250x80xi32, #tpu.memory_space<vmem>>)
      tpu.yield
    }) : () -> ()
    %broadcast_in_dim3A = arith.constant 0.000000e+00 : f32
    %broadcast_in_dim3A_0 = vector.broadcast %broadcast_in_dim3A : f32 to vector<16xf32>
    %scan3A = arith.constant 0 : i32
    %scan3A_1 = arith.constant 0 : i32
    %scan3A_2 = arith.constant 128 : i32
    %scan3A_3 = arith.addi %scan3A_1, %scan3A_2 : i32
    %scan3A_4 = arith.constant 1 : i32
    scf.for %scan3A_89 = %scan3A_1 to %scan3A_3 step %scan3A_4  : i32 {
      %swap3A = arith.index_cast %scan3A_89 : i32 to index
      %swap3A_90 = arith.constant 0 : index
      %swap3A_91 = tpu.vector_load %arg13[%swap3A, %swap3A_90] {strides = array<i32>} : memref<128x64xf32, #tpu.memory_space<vmem>>, vector<16xf32>,
      tpu.vector_store %arg13[%swap3A, %swap3A_90], %broadcast_in_dim3A_0 {strides = array<i32>} : memref<128x64xf32, #tpu.memory_space<vmem>>, vector<16xf32>,
      %swap3A_92 = arith.index_cast %scan3A_89 : i32 to index
      %swap3A_93 = arith.constant 16 : index
      %swap3A_94 = tpu.vector_load %arg13[%swap3A_92, %swap3A_93] {strides = array<i32>} : memref<128x64xf32, #tpu.memory_space<vmem>>, vector<16xf32>,
      tpu.vector_store %arg13[%swap3A_92, %swap3A_93], %broadcast_in_dim3A_0 {strides = array<i32>} : memref<128x64xf32, #tpu.memory_space<vmem>>, vector<16xf32>,
      %swap3A_95 = arith.index_cast %scan3A_89 : i32 to index
      %swap3A_96 = arith.constant 32 : index
      %swap3A_97 = tpu.vector_load %arg13[%swap3A_95, %swap3A_96] {strides = array<i32>} : memref<128x64xf32, #tpu.memory_space<vmem>>, vector<16xf32>,
      tpu.vector_store %arg13[%swap3A_95, %swap3A_96], %broadcast_in_dim3A_0 {strides = array<i32>} : memref<128x64xf32, #tpu.memory_space<vmem>>, vector<16xf32>,
      %swap3A_98 = arith.index_cast %scan3A_89 : i32 to index
      %swap3A_99 = arith.constant 48 : index
      %swap3A_100 = tpu.vector_load %arg13[%swap3A_98, %swap3A_99] {strides = array<i32>} : memref<128x64xf32, #tpu.memory_space<vmem>>, vector<16xf32>,
      tpu.vector_store %arg13[%swap3A_98, %swap3A_99], %broadcast_in_dim3A_0 {strides = array<i32>} : memref<128x64xf32, #tpu.memory_space<vmem>>, vector<16xf32>,
    }
    %scan3A_5 = arith.constant 128 : i32
    %mul3A = arith.constant 640 : i32
    %mul3A_6 = arith.muli %arg1, %mul3A : i32
    %add3A = arith.constant 0 : i32
    %add3A_7 = arith.addi %mul3A_6, %add3A : i32
    "tpu.region"() ({
      %run_scoped3A = tpu.sem_alloc : memref<!tpu.dma_semaphore, #tpu.memory_space<semaphore_mem>>
      %dma_start3A_89 = arith.constant 0 : i32
      %dma_start3A_90 = tpu.memref_slice %arg14[%add3A_7, %dma_start3A_89] : memref<10240x64xf32, #tpu.memory_space<vmem_shared>> -> memref<128x64xf32, #tpu.memory_space<vmem_shared>>
      %dma_start3A_91 = arith.constant 0 : i32
      %dma_start3A_92 = tpu.memref_slice %arg14[%add3A_7, %dma_start3A_91] : memref<10240x64xf32, #tpu.memory_space<vmem_shared>> -> memref<128x64xf32, #tpu.memory_space<vmem_shared>>
      tpu.enqueue_dma source(%arg13 : memref<128x64xf32, #tpu.memory_space<vmem>>) target(%dma_start3A_92 : memref<128x64xf32, #tpu.memory_space<vmem_shared>>) target_semaphore(%run_scoped3A : memref<!tpu.dma_semaphore, #tpu.memory_space<semaphore_mem>>)
      %dma_wait3A = arith.constant 0 : i32
      %dma_wait3A_93 = tpu.memref_slice %arg14[%add3A_7, %dma_wait3A] : memref<10240x64xf32, #tpu.memory_space<vmem_shared>> -> memref<128x64xf32, #tpu.memory_space<vmem_shared>>
      %dma_wait3A_94 = arith.constant 0 : i32
      %dma_wait3A_95 = tpu.memref_slice %arg14[%add3A_7, %dma_wait3A_94] : memref<10240x64xf32, #tpu.memory_space<vmem_shared>> -> memref<128x64xf32, #tpu.memory_space<vmem_shared>>
      tpu.wait_dma2 semaphore(%run_scoped3A : memref<!tpu.dma_semaphore, #tpu.memory_space<semaphore_mem>>) src(%arg13 : memref<128x64xf32, #tpu.memory_space<vmem>>) dst(%dma_wait3A_95 : memref<128x64xf32, #tpu.memory_space<vmem_shared>>)
      tpu.yield
    }) : () -> ()
    %mul3A_8 = arith.constant 640 : i32
    %mul3A_9 = arith.muli %arg1, %mul3A_8 : i32
    %add3A_10 = arith.constant 128 : i32
    %add3A_11 = arith.addi %mul3A_9, %add3A_10 : i32
    "tpu.region"() ({
      %run_scoped3A = tpu.sem_alloc : memref<!tpu.dma_semaphore, #tpu.memory_space<semaphore_mem>>
      %dma_start3A_89 = arith.constant 0 : i32
      %dma_start3A_90 = tpu.memref_slice %arg14[%add3A_11, %dma_start3A_89] : memref<10240x64xf32, #tpu.memory_space<vmem_shared>> -> memref<128x64xf32, #tpu.memory_space<vmem_shared>>
      %dma_start3A_91 = arith.constant 0 : i32
      %dma_start3A_92 = tpu.memref_slice %arg14[%add3A_11, %dma_start3A_91] : memref<10240x64xf32, #tpu.memory_space<vmem_shared>> -> memref<128x64xf32, #tpu.memory_space<vmem_shared>>
      tpu.enqueue_dma source(%arg13 : memref<128x64xf32, #tpu.memory_space<vmem>>) target(%dma_start3A_92 : memref<128x64xf32, #tpu.memory_space<vmem_shared>>) target_semaphore(%run_scoped3A : memref<!tpu.dma_semaphore, #tpu.memory_space<semaphore_mem>>)
      %dma_wait3A = arith.constant 0 : i32
      %dma_wait3A_93 = tpu.memref_slice %arg14[%add3A_11, %dma_wait3A] : memref<10240x64xf32, #tpu.memory_space<vmem_shared>> -> memref<128x64xf32, #tpu.memory_space<vmem_shared>>
      %dma_wait3A_94 = arith.constant 0 : i32
      %dma_wait3A_95 = tpu.memref_slice %arg14[%add3A_11, %dma_wait3A_94] : memref<10240x64xf32, #tpu.memory_space<vmem_shared>> -> memref<128x64xf32, #tpu.memory_space<vmem_shared>>
      tpu.wait_dma2 semaphore(%run_scoped3A : memref<!tpu.dma_semaphore, #tpu.memory_space<semaphore_mem>>) src(%arg13 : memref<128x64xf32, #tpu.memory_space<vmem>>) dst(%dma_wait3A_95 : memref<128x64xf32, #tpu.memory_space<vmem_shared>>)
      tpu.yield
    }) : () -> ()
    %mul3A_12 = arith.constant 640 : i32
    %mul3A_13 = arith.muli %arg1, %mul3A_12 : i32
    %add3A_14 = arith.constant 256 : i32
    %add3A_15 = arith.addi %mul3A_13, %add3A_14 : i32
    "tpu.region"() ({
      %run_scoped3A = tpu.sem_alloc : memref<!tpu.dma_semaphore, #tpu.memory_space<semaphore_mem>>
      %dma_start3A_89 = arith.constant 0 : i32
      %dma_start3A_90 = tpu.memref_slice %arg14[%add3A_15, %dma_start3A_89] : memref<10240x64xf32, #tpu.memory_space<vmem_shared>> -> memref<128x64xf32, #tpu.memory_space<vmem_shared>>
      %dma_start3A_91 = arith.constant 0 : i32
      %dma_start3A_92 = tpu.memref_slice %arg14[%add3A_15, %dma_start3A_91] : memref<10240x64xf32, #tpu.memory_space<vmem_shared>> -> memref<128x64xf32, #tpu.memory_space<vmem_shared>>
      tpu.enqueue_dma source(%arg13 : memref<128x64xf32, #tpu.memory_space<vmem>>) target(%dma_start3A_92 : memref<128x64xf32, #tpu.memory_space<vmem_shared>>) target_semaphore(%run_scoped3A : memref<!tpu.dma_semaphore, #tpu.memory_space<semaphore_mem>>)
      %dma_wait3A = arith.constant 0 : i32
      %dma_wait3A_93 = tpu.memref_slice %arg14[%add3A_15, %dma_wait3A] : memref<10240x64xf32, #tpu.memory_space<vmem_shared>> -> memref<128x64xf32, #tpu.memory_space<vmem_shared>>
      %dma_wait3A_94 = arith.constant 0 : i32
      %dma_wait3A_95 = tpu.memref_slice %arg14[%add3A_15, %dma_wait3A_94] : memref<10240x64xf32, #tpu.memory_space<vmem_shared>> -> memref<128x64xf32, #tpu.memory_space<vmem_shared>>
      tpu.wait_dma2 semaphore(%run_scoped3A : memref<!tpu.dma_semaphore, #tpu.memory_space<semaphore_mem>>) src(%arg13 : memref<128x64xf32, #tpu.memory_space<vmem>>) dst(%dma_wait3A_95 : memref<128x64xf32, #tpu.memory_space<vmem_shared>>)
      tpu.yield
    }) : () -> ()
    %mul3A_16 = arith.constant 640 : i32
    %mul3A_17 = arith.muli %arg1, %mul3A_16 : i32
    %add3A_18 = arith.constant 384 : i32
    %add3A_19 = arith.addi %mul3A_17, %add3A_18 : i32
    "tpu.region"() ({
      %run_scoped3A = tpu.sem_alloc : memref<!tpu.dma_semaphore, #tpu.memory_space<semaphore_mem>>
      %dma_start3A_89 = arith.constant 0 : i32
      %dma_start3A_90 = tpu.memref_slice %arg14[%add3A_19, %dma_start3A_89] : memref<10240x64xf32, #tpu.memory_space<vmem_shared>> -> memref<128x64xf32, #tpu.memory_space<vmem_shared>>
      %dma_start3A_91 = arith.constant 0 : i32
      %dma_start3A_92 = tpu.memref_slice %arg14[%add3A_19, %dma_start3A_91] : memref<10240x64xf32, #tpu.memory_space<vmem_shared>> -> memref<128x64xf32, #tpu.memory_space<vmem_shared>>
      tpu.enqueue_dma source(%arg13 : memref<128x64xf32, #tpu.memory_space<vmem>>) target(%dma_start3A_92 : memref<128x64xf32, #tpu.memory_space<vmem_shared>>) target_semaphore(%run_scoped3A : memref<!tpu.dma_semaphore, #tpu.memory_space<semaphore_mem>>)
      %dma_wait3A = arith.constant 0 : i32
      %dma_wait3A_93 = tpu.memref_slice %arg14[%add3A_19, %dma_wait3A] : memref<10240x64xf32, #tpu.memory_space<vmem_shared>> -> memref<128x64xf32, #tpu.memory_space<vmem_shared>>
      %dma_wait3A_94 = arith.constant 0 : i32
      %dma_wait3A_95 = tpu.memref_slice %arg14[%add3A_19, %dma_wait3A_94] : memref<10240x64xf32, #tpu.memory_space<vmem_shared>> -> memref<128x64xf32, #tpu.memory_space<vmem_shared>>
      tpu.wait_dma2 semaphore(%run_scoped3A : memref<!tpu.dma_semaphore, #tpu.memory_space<semaphore_mem>>) src(%arg13 : memref<128x64xf32, #tpu.memory_space<vmem>>) dst(%dma_wait3A_95 : memref<128x64xf32, #tpu.memory_space<vmem_shared>>)
      tpu.yield
    }) : () -> ()
    %mul3A_20 = arith.constant 640 : i32
    %mul3A_21 = arith.muli %arg1, %mul3A_20 : i32
    %add3A_22 = arith.constant 512 : i32
    %add3A_23 = arith.addi %mul3A_21, %add3A_22 : i32
    "tpu.region"() ({
      %run_scoped3A = tpu.sem_alloc : memref<!tpu.dma_semaphore, #tpu.memory_space<semaphore_mem>>
      %dma_start3A_89 = arith.constant 0 : i32
      %dma_start3A_90 = tpu.memref_slice %arg14[%add3A_23, %dma_start3A_89] : memref<10240x64xf32, #tpu.memory_space<vmem_shared>> -> memref<128x64xf32, #tpu.memory_space<vmem_shared>>
      %dma_start3A_91 = arith.constant 0 : i32
      %dma_start3A_92 = tpu.memref_slice %arg14[%add3A_23, %dma_start3A_91] : memref<10240x64xf32, #tpu.memory_space<vmem_shared>> -> memref<128x64xf32, #tpu.memory_space<vmem_shared>>
      tpu.enqueue_dma source(%arg13 : memref<128x64xf32, #tpu.memory_space<vmem>>) target(%dma_start3A_92 : memref<128x64xf32, #tpu.memory_space<vmem_shared>>) target_semaphore(%run_scoped3A : memref<!tpu.dma_semaphore, #tpu.memory_space<semaphore_mem>>)
      %dma_wait3A = arith.constant 0 : i32
      %dma_wait3A_93 = tpu.memref_slice %arg14[%add3A_23, %dma_wait3A] : memref<10240x64xf32, #tpu.memory_space<vmem_shared>> -> memref<128x64xf32, #tpu.memory_space<vmem_shared>>
      %dma_wait3A_94 = arith.constant 0 : i32
      %dma_wait3A_95 = tpu.memref_slice %arg14[%add3A_23, %dma_wait3A_94] : memref<10240x64xf32, #tpu.memory_space<vmem_shared>> -> memref<128x64xf32, #tpu.memory_space<vmem_shared>>
      tpu.wait_dma2 semaphore(%run_scoped3A : memref<!tpu.dma_semaphore, #tpu.memory_space<semaphore_mem>>) src(%arg13 : memref<128x64xf32, #tpu.memory_space<vmem>>) dst(%dma_wait3A_95 : memref<128x64xf32, #tpu.memory_space<vmem_shared>>)
      tpu.yield
    }) : () -> ()
    %barrier3A = arith.constant 0 : index
    tpu.barrier barrier_id(%barrier3A)
    %dma_start3A = arith.constant 0 : i32
    %dma_start3A_24 = arith.constant 0 : i32
    %dma_start3A_25 = tpu.memref_slice %arg6[%dma_start3A, %dma_start3A_24] : memref<250x80xi32, #tpu.memory_space<vmem>> -> memref<1x80xi32, #tpu.memory_space<vmem>>
    %dma_start3A_26 = tpu.memref_squeeze %dma_start3A_25 : memref<1x80xi32, #tpu.memory_space<vmem>> -> memref<80xi32, #tpu.memory_space<vmem>>
    %dma_start3A_27 = arith.constant 0 : i32
    %dma_start3A_28 = arith.constant 0 : i32
    %dma_start3A_29 = tpu.memref_slice %arg2[%arg0, %dma_start3A_27, %dma_start3A_28] : memref<2x10000x64xf32, #tpu.memory_space<hbm>> -> memref<1x10000x64xf32, #tpu.memory_space<hbm>>
    %dma_start3A_30 = tpu.memref_squeeze %dma_start3A_29 : memref<1x10000x64xf32, #tpu.memory_space<hbm>> -> memref<10000x64xf32, #tpu.memory_space<hbm>>
    %dma_start3A_31 = arith.constant 0 : i32
    %dma_start3A_32 = arith.constant 0 : i32
    %dma_start3A_33 = tpu.memref_slice %dma_start3A_30[%dma_start3A_31, %dma_start3A_32] : memref<10000x64xf32, #tpu.memory_space<hbm>> -> memref<10000x64xf32, #tpu.memory_space<hbm>>
    tpu.enqueue_indirect_dma source(%dma_start3A_33 : memref<10000x64xf32, #tpu.memory_space<hbm>>) target(%arg8 : memref<80x64xf32, #tpu.memory_space<vmem>>) offsets(%dma_start3A_26 : memref<80xi32, #tpu.memory_space<vmem>>) semaphore(%arg15 : memref<!tpu.dma_semaphore, #tpu.memory_space<semaphore_mem>>)
    %dma_start3A_34 = arith.constant 1 : i32
    %dma_start3A_35 = arith.constant 0 : i32
    %dma_start3A_36 = tpu.memref_slice %arg6[%dma_start3A_34, %dma_start3A_35] : memref<250x80xi32, #tpu.memory_space<vmem>> -> memref<1x80xi32, #tpu.memory_space<vmem>>
    %dma_start3A_37 = tpu.memref_squeeze %dma_start3A_36 : memref<1x80xi32, #tpu.memory_space<vmem>> -> memref<80xi32, #tpu.memory_space<vmem>>
    %dma_start3A_38 = arith.constant 0 : i32
    %dma_start3A_39 = arith.constant 0 : i32
    %dma_start3A_40 = tpu.memref_slice %arg2[%arg0, %dma_start3A_38, %dma_start3A_39] : memref<2x10000x64xf32, #tpu.memory_space<hbm>> -> memref<1x10000x64xf32, #tpu.memory_space<hbm>>
    %dma_start3A_41 = tpu.memref_squeeze %dma_start3A_40 : memref<1x10000x64xf32, #tpu.memory_space<hbm>> -> memref<10000x64xf32, #tpu.memory_space<hbm>>
    %dma_start3A_42 = arith.constant 0 : i32
    %dma_start3A_43 = arith.constant 0 : i32
    %dma_start3A_44 = tpu.memref_slice %dma_start3A_41[%dma_start3A_42, %dma_start3A_43] : memref<10000x64xf32, #tpu.memory_space<hbm>> -> memref<10000x64xf32, #tpu.memory_space<hbm>>
    tpu.enqueue_indirect_dma source(%dma_start3A_44 : memref<10000x64xf32, #tpu.memory_space<hbm>>) target(%arg9 : memref<80x64xf32, #tpu.memory_space<vmem>>) offsets(%dma_start3A_37 : memref<80xi32, #tpu.memory_space<vmem>>) semaphore(%arg16 : memref<!tpu.dma_semaphore, #tpu.memory_space<semaphore_mem>>)
    %dma_start3A_45 = arith.constant 2 : i32
    %dma_start3A_46 = arith.constant 0 : i32
    %dma_start3A_47 = tpu.memref_slice %arg6[%dma_start3A_45, %dma_start3A_46] : memref<250x80xi32, #tpu.memory_space<vmem>> -> memref<1x80xi32, #tpu.memory_space<vmem>>
    %dma_start3A_48 = tpu.memref_squeeze %dma_start3A_47 : memref<1x80xi32, #tpu.memory_space<vmem>> -> memref<80xi32, #tpu.memory_space<vmem>>
    %dma_start3A_49 = arith.constant 0 : i32
    %dma_start3A_50 = arith.constant 0 : i32
    %dma_start3A_51 = tpu.memref_slice %arg2[%arg0, %dma_start3A_49, %dma_start3A_50] : memref<2x10000x64xf32, #tpu.memory_space<hbm>> -> memref<1x10000x64xf32, #tpu.memory_space<hbm>>
    %dma_start3A_52 = tpu.memref_squeeze %dma_start3A_51 : memref<1x10000x64xf32, #tpu.memory_space<hbm>> -> memref<10000x64xf32, #tpu.memory_space<hbm>>
    %dma_start3A_53 = arith.constant 0 : i32
    %dma_start3A_54 = arith.constant 0 : i32
    %dma_start3A_55 = tpu.memref_slice %dma_start3A_52[%dma_start3A_53, %dma_start3A_54] : memref<10000x64xf32, #tpu.memory_space<hbm>> -> memref<10000x64xf32, #tpu.memory_space<hbm>>
    tpu.enqueue_indirect_dma source(%dma_start3A_55 : memref<10000x64xf32, #tpu.memory_space<hbm>>) target(%arg10 : memref<80x64xf32, #tpu.memory_space<vmem>>) offsets(%dma_start3A_48 : memref<80xi32, #tpu.memory_space<vmem>>) semaphore(%arg17 : memref<!tpu.dma_semaphore, #tpu.memory_space<semaphore_mem>>)
    %dma_start3A_56 = arith.constant 3 : i32
    %dma_start3A_57 = arith.constant 0 : i32
    %dma_start3A_58 = tpu.memref_slice %arg6[%dma_start3A_56, %dma_start3A_57] : memref<250x80xi32, #tpu.memory_space<vmem>> -> memref<1x80xi32, #tpu.memory_space<vmem>>
    %dma_start3A_59 = tpu.memref_squeeze %dma_start3A_58 : memref<1x80xi32, #tpu.memory_space<vmem>> -> memref<80xi32, #tpu.memory_space<vmem>>
    %dma_start3A_60 = arith.constant 0 : i32
    %dma_start3A_61 = arith.constant 0 : i32
    %dma_start3A_62 = tpu.memref_slice %arg2[%arg0, %dma_start3A_60, %dma_start3A_61] : memref<2x10000x64xf32, #tpu.memory_space<hbm>> -> memref<1x10000x64xf32, #tpu.memory_space<hbm>>
    %dma_start3A_63 = tpu.memref_squeeze %dma_start3A_62 : memref<1x10000x64xf32, #tpu.memory_space<hbm>> -> memref<10000x64xf32, #tpu.memory_space<hbm>>
    %dma_start3A_64 = arith.constant 0 : i32
    %dma_start3A_65 = arith.constant 0 : i32
    %dma_start3A_66 = tpu.memref_slice %dma_start3A_63[%dma_start3A_64, %dma_start3A_65] : memref<10000x64xf32, #tpu.memory_space<hbm>> -> memref<10000x64xf32, #tpu.memory_space<hbm>>
    tpu.enqueue_indirect_dma source(%dma_start3A_66 : memref<10000x64xf32, #tpu.memory_space<hbm>>) target(%arg11 : memref<80x64xf32, #tpu.memory_space<vmem>>) offsets(%dma_start3A_59 : memref<80xi32, #tpu.memory_space<vmem>>) semaphore(%arg18 : memref<!tpu.dma_semaphore, #tpu.memory_space<semaphore_mem>>)
    %dma_start3A_67 = arith.constant 4 : i32
    %dma_start3A_68 = arith.constant 0 : i32
    %dma_start3A_69 = tpu.memref_slice %arg6[%dma_start3A_67, %dma_start3A_68] : memref<250x80xi32, #tpu.memory_space<vmem>> -> memref<1x80xi32, #tpu.memory_space<vmem>>
    %dma_start3A_70 = tpu.memref_squeeze %dma_start3A_69 : memref<1x80xi32, #tpu.memory_space<vmem>> -> memref<80xi32, #tpu.memory_space<vmem>>
    %dma_start3A_71 = arith.constant 0 : i32
    %dma_start3A_72 = arith.constant 0 : i32
    %dma_start3A_73 = tpu.memref_slice %arg2[%arg0, %dma_start3A_71, %dma_start3A_72] : memref<2x10000x64xf32, #tpu.memory_space<hbm>> -> memref<1x10000x64xf32, #tpu.memory_space<hbm>>
    %dma_start3A_74 = tpu.memref_squeeze %dma_start3A_73 : memref<1x10000x64xf32, #tpu.memory_space<hbm>> -> memref<10000x64xf32, #tpu.memory_space<hbm>>
    %dma_start3A_75 = arith.constant 0 : i32
    %dma_start3A_76 = arith.constant 0 : i32
    %dma_start3A_77 = tpu.memref_slice %dma_start3A_74[%dma_start3A_75, %dma_start3A_76] : memref<10000x64xf32, #tpu.memory_space<hbm>> -> memref<10000x64xf32, #tpu.memory_space<hbm>>
    tpu.enqueue_indirect_dma source(%dma_start3A_77 : memref<10000x64xf32, #tpu.memory_space<hbm>>) target(%arg12 : memref<80x64xf32, #tpu.memory_space<vmem>>) offsets(%dma_start3A_70 : memref<80xi32, #tpu.memory_space<vmem>>) semaphore(%arg19 : memref<!tpu.dma_semaphore, #tpu.memory_space<semaphore_mem>>)
    %scan3A_78 = arith.constant 0 : i32
    %scan3A_79 = arith.constant 0 : i32
    %scan3A_80 = arith.constant 50 : i32
    %scan3A_81 = arith.addi %scan3A_79, %scan3A_80 : i32
    %scan3A_82 = arith.constant 1 : i32
    scf.for %scan3A_89 = %scan3A_79 to %scan3A_81 step %scan3A_82  : i32 {
      %mul3A_90 = arith.constant 5 : i32
      %mul3A_91 = arith.muli %scan3A_89, %mul3A_90 : i32
      %add3A_92 = arith.constant 0 : i32
      %add3A_93 = arith.addi %mul3A_91, %add3A_92 : i32
      %dma_wait3A = arith.constant 0 : i32
      %dma_wait3A_94 = tpu.memref_slice %arg6[%add3A_93, %dma_wait3A] : memref<250x80xi32, #tpu.memory_space<vmem>> -> memref<1x80xi32, #tpu.memory_space<vmem>>
      %dma_wait3A_95 = tpu.memref_squeeze %dma_wait3A_94 : memref<1x80xi32, #tpu.memory_space<vmem>> -> memref<80xi32, #tpu.memory_space<vmem>>
      %dma_wait3A_96 = arith.constant 0 : i32
      %dma_wait3A_97 = arith.constant 0 : i32
      %dma_wait3A_98 = tpu.memref_slice %arg2[%arg0, %dma_wait3A_96, %dma_wait3A_97] : memref<2x10000x64xf32, #tpu.memory_space<hbm>> -> memref<1x10000x64xf32, #tpu.memory_space<hbm>>
      %dma_wait3A_99 = tpu.memref_squeeze %dma_wait3A_98 : memref<1x10000x64xf32, #tpu.memory_space<hbm>> -> memref<10000x64xf32, #tpu.memory_space<hbm>>
      %dma_wait3A_100 = arith.constant 0 : i32
      %dma_wait3A_101 = arith.constant 0 : i32
      %dma_wait3A_102 = tpu.memref_slice %dma_wait3A_99[%dma_wait3A_100, %dma_wait3A_101] : memref<10000x64xf32, #tpu.memory_space<hbm>> -> memref<10000x64xf32, #tpu.memory_space<hbm>>
      tpu.wait_indirect_dma semaphore(%arg15 : memref<!tpu.dma_semaphore, #tpu.memory_space<semaphore_mem>>) src(%dma_wait3A_102 : memref<10000x64xf32, #tpu.memory_space<hbm>>) dst(%arg8 : memref<80x64xf32, #tpu.memory_space<vmem>>)
      %dma_start3A_103 = arith.constant 0 : i32
      %dma_start3A_104 = tpu.memref_slice %arg7[%add3A_93, %dma_start3A_103] : memref<250x80xi32, #tpu.memory_space<vmem>> -> memref<1x80xi32, #tpu.memory_space<vmem>>
      %dma_start3A_105 = tpu.memref_squeeze %dma_start3A_104 : memref<1x80xi32, #tpu.memory_space<vmem>> -> memref<80xi32, #tpu.memory_space<vmem>>
      %dma_start3A_106 = arith.constant 0 : i32
      %dma_start3A_107 = arith.constant 0 : i32
      %dma_start3A_108 = tpu.memref_slice %arg14[%dma_start3A_106, %dma_start3A_107] : memref<10240x64xf32, #tpu.memory_space<vmem_shared>> -> memref<10240x64xf32, #tpu.memory_space<vmem_shared>>
      tpu.enqueue_indirect_dma source(%arg8 : memref<80x64xf32, #tpu.memory_space<vmem>>) target(%dma_start3A_108 : memref<10240x64xf32, #tpu.memory_space<vmem_shared>>) offsets(%dma_start3A_105 : memref<80xi32, #tpu.memory_space<vmem>>) semaphore(%arg20 : memref<!tpu.dma_semaphore, #tpu.memory_space<semaphore_mem>>) {add = true}
      %mul3A_109 = arith.constant 5 : i32
      %mul3A_110 = arith.muli %scan3A_89, %mul3A_109 : i32
      %add3A_111 = arith.constant 1 : i32
      %add3A_112 = arith.addi %mul3A_110, %add3A_111 : i32
      %dma_wait3A_113 = arith.constant 0 : i32
      %dma_wait3A_114 = tpu.memref_slice %arg6[%add3A_112, %dma_wait3A_113] : memref<250x80xi32, #tpu.memory_space<vmem>> -> memref<1x80xi32, #tpu.memory_space<vmem>>
      %dma_wait3A_115 = tpu.memref_squeeze %dma_wait3A_114 : memref<1x80xi32, #tpu.memory_space<vmem>> -> memref<80xi32, #tpu.memory_space<vmem>>
      %dma_wait3A_116 = arith.constant 0 : i32
      %dma_wait3A_117 = arith.constant 0 : i32
      %dma_wait3A_118 = tpu.memref_slice %arg2[%arg0, %dma_wait3A_116, %dma_wait3A_117] : memref<2x10000x64xf32, #tpu.memory_space<hbm>> -> memref<1x10000x64xf32, #tpu.memory_space<hbm>>
      %dma_wait3A_119 = tpu.memref_squeeze %dma_wait3A_118 : memref<1x10000x64xf32, #tpu.memory_space<hbm>> -> memref<10000x64xf32, #tpu.memory_space<hbm>>
      %dma_wait3A_120 = arith.constant 0 : i32
      %dma_wait3A_121 = arith.constant 0 : i32
      %dma_wait3A_122 = tpu.memref_slice %dma_wait3A_119[%dma_wait3A_120, %dma_wait3A_121] : memref<10000x64xf32, #tpu.memory_space<hbm>> -> memref<10000x64xf32, #tpu.memory_space<hbm>>
      tpu.wait_indirect_dma semaphore(%arg16 : memref<!tpu.dma_semaphore, #tpu.memory_space<semaphore_mem>>) src(%dma_wait3A_122 : memref<10000x64xf32, #tpu.memory_space<hbm>>) dst(%arg9 : memref<80x64xf32, #tpu.memory_space<vmem>>)
      %dma_start3A_123 = arith.constant 0 : i32
      %dma_start3A_124 = tpu.memref_slice %arg7[%add3A_112, %dma_start3A_123] : memref<250x80xi32, #tpu.memory_space<vmem>> -> memref<1x80xi32, #tpu.memory_space<vmem>>
      %dma_start3A_125 = tpu.memref_squeeze %dma_start3A_124 : memref<1x80xi32, #tpu.memory_space<vmem>> -> memref<80xi32, #tpu.memory_space<vmem>>
      %dma_start3A_126 = arith.constant 0 : i32
      %dma_start3A_127 = arith.constant 0 : i32
      %dma_start3A_128 = tpu.memref_slice %arg14[%dma_start3A_126, %dma_start3A_127] : memref<10240x64xf32, #tpu.memory_space<vmem_shared>> -> memref<10240x64xf32, #tpu.memory_space<vmem_shared>>
      tpu.enqueue_indirect_dma source(%arg9 : memref<80x64xf32, #tpu.memory_space<vmem>>) target(%dma_start3A_128 : memref<10240x64xf32, #tpu.memory_space<vmem_shared>>) offsets(%dma_start3A_125 : memref<80xi32, #tpu.memory_space<vmem>>) semaphore(%arg21 : memref<!tpu.dma_semaphore, #tpu.memory_space<semaphore_mem>>) {add = true}
      %mul3A_129 = arith.constant 5 : i32
      %mul3A_130 = arith.muli %scan3A_89, %mul3A_129 : i32
      %add3A_131 = arith.constant 2 : i32
      %add3A_132 = arith.addi %mul3A_130, %add3A_131 : i32
      %dma_wait3A_133 = arith.constant 0 : i32
      %dma_wait3A_134 = tpu.memref_slice %arg6[%add3A_132, %dma_wait3A_133] : memref<250x80xi32, #tpu.memory_space<vmem>> -> memref<1x80xi32, #tpu.memory_space<vmem>>
      %dma_wait3A_135 = tpu.memref_squeeze %dma_wait3A_134 : memref<1x80xi32, #tpu.memory_space<vmem>> -> memref<80xi32, #tpu.memory_space<vmem>>
      %dma_wait3A_136 = arith.constant 0 : i32
      %dma_wait3A_137 = arith.constant 0 : i32
      %dma_wait3A_138 = tpu.memref_slice %arg2[%arg0, %dma_wait3A_136, %dma_wait3A_137] : memref<2x10000x64xf32, #tpu.memory_space<hbm>> -> memref<1x10000x64xf32, #tpu.memory_space<hbm>>
      %dma_wait3A_139 = tpu.memref_squeeze %dma_wait3A_138 : memref<1x10000x64xf32, #tpu.memory_space<hbm>> -> memref<10000x64xf32, #tpu.memory_space<hbm>>
      %dma_wait3A_140 = arith.constant 0 : i32
      %dma_wait3A_141 = arith.constant 0 : i32
      %dma_wait3A_142 = tpu.memref_slice %dma_wait3A_139[%dma_wait3A_140, %dma_wait3A_141] : memref<10000x64xf32, #tpu.memory_space<hbm>> -> memref<10000x64xf32, #tpu.memory_space<hbm>>
      tpu.wait_indirect_dma semaphore(%arg17 : memref<!tpu.dma_semaphore, #tpu.memory_space<semaphore_mem>>) src(%dma_wait3A_142 : memref<10000x64xf32, #tpu.memory_space<hbm>>) dst(%arg10 : memref<80x64xf32, #tpu.memory_space<vmem>>)
      %dma_start3A_143 = arith.constant 0 : i32
      %dma_start3A_144 = tpu.memref_slice %arg7[%add3A_132, %dma_start3A_143] : memref<250x80xi32, #tpu.memory_space<vmem>> -> memref<1x80xi32, #tpu.memory_space<vmem>>
      %dma_start3A_145 = tpu.memref_squeeze %dma_start3A_144 : memref<1x80xi32, #tpu.memory_space<vmem>> -> memref<80xi32, #tpu.memory_space<vmem>>
      %dma_start3A_146 = arith.constant 0 : i32
      %dma_start3A_147 = arith.constant 0 : i32
      %dma_start3A_148 = tpu.memref_slice %arg14[%dma_start3A_146, %dma_start3A_147] : memref<10240x64xf32, #tpu.memory_space<vmem_shared>> -> memref<10240x64xf32, #tpu.memory_space<vmem_shared>>
      tpu.enqueue_indirect_dma source(%arg10 : memref<80x64xf32, #tpu.memory_space<vmem>>) target(%dma_start3A_148 : memref<10240x64xf32, #tpu.memory_space<vmem_shared>>) offsets(%dma_start3A_145 : memref<80xi32, #tpu.memory_space<vmem>>) semaphore(%arg22 : memref<!tpu.dma_semaphore, #tpu.memory_space<semaphore_mem>>) {add = true}
      %mul3A_149 = arith.constant 5 : i32
      %mul3A_150 = arith.muli %scan3A_89, %mul3A_149 : i32
      %add3A_151 = arith.constant 3 : i32
      %add3A_152 = arith.addi %mul3A_150, %add3A_151 : i32
      %dma_wait3A_153 = arith.constant 0 : i32
      %dma_wait3A_154 = tpu.memref_slice %arg6[%add3A_152, %dma_wait3A_153] : memref<250x80xi32, #tpu.memory_space<vmem>> -> memref<1x80xi32, #tpu.memory_space<vmem>>
      %dma_wait3A_155 = tpu.memref_squeeze %dma_wait3A_154 : memref<1x80xi32, #tpu.memory_space<vmem>> -> memref<80xi32, #tpu.memory_space<vmem>>
      %dma_wait3A_156 = arith.constant 0 : i32
      %dma_wait3A_157 = arith.constant 0 : i32
      %dma_wait3A_158 = tpu.memref_slice %arg2[%arg0, %dma_wait3A_156, %dma_wait3A_157] : memref<2x10000x64xf32, #tpu.memory_space<hbm>> -> memref<1x10000x64xf32, #tpu.memory_space<hbm>>
      %dma_wait3A_159 = tpu.memref_squeeze %dma_wait3A_158 : memref<1x10000x64xf32, #tpu.memory_space<hbm>> -> memref<10000x64xf32, #tpu.memory_space<hbm>>
      %dma_wait3A_160 = arith.constant 0 : i32
      %dma_wait3A_161 = arith.constant 0 : i32
      %dma_wait3A_162 = tpu.memref_slice %dma_wait3A_159[%dma_wait3A_160, %dma_wait3A_161] : memref<10000x64xf32, #tpu.memory_space<hbm>> -> memref<10000x64xf32, #tpu.memory_space<hbm>>
      tpu.wait_indirect_dma semaphore(%arg18 : memref<!tpu.dma_semaphore, #tpu.memory_space<semaphore_mem>>) src(%dma_wait3A_162 : memref<10000x64xf32, #tpu.memory_space<hbm>>) dst(%arg11 : memref<80x64xf32, #tpu.memory_space<vmem>>)
      %dma_start3A_163 = arith.constant 0 : i32
      %dma_start3A_164 = tpu.memref_slice %arg7[%add3A_152, %dma_start3A_163] : memref<250x80xi32, #tpu.memory_space<vmem>> -> memref<1x80xi32, #tpu.memory_space<vmem>>
      %dma_start3A_165 = tpu.memref_squeeze %dma_start3A_164 : memref<1x80xi32, #tpu.memory_space<vmem>> -> memref<80xi32, #tpu.memory_space<vmem>>
      %dma_start3A_166 = arith.constant 0 : i32
      %dma_start3A_167 = arith.constant 0 : i32
      %dma_start3A_168 = tpu.memref_slice %arg14[%dma_start3A_166, %dma_start3A_167] : memref<10240x64xf32, #tpu.memory_space<vmem_shared>> -> memref<10240x64xf32, #tpu.memory_space<vmem_shared>>
      tpu.enqueue_indirect_dma source(%arg11 : memref<80x64xf32, #tpu.memory_space<vmem>>) target(%dma_start3A_168 : memref<10240x64xf32, #tpu.memory_space<vmem_shared>>) offsets(%dma_start3A_165 : memref<80xi32, #tpu.memory_space<vmem>>) semaphore(%arg23 : memref<!tpu.dma_semaphore, #tpu.memory_space<semaphore_mem>>) {add = true}
      %mul3A_169 = arith.constant 5 : i32
      %mul3A_170 = arith.muli %scan3A_89, %mul3A_169 : i32
      %add3A_171 = arith.constant 4 : i32
      %add3A_172 = arith.addi %mul3A_170, %add3A_171 : i32
      %dma_wait3A_173 = arith.constant 0 : i32
      %dma_wait3A_174 = tpu.memref_slice %arg6[%add3A_172, %dma_wait3A_173] : memref<250x80xi32, #tpu.memory_space<vmem>> -> memref<1x80xi32, #tpu.memory_space<vmem>>
      %dma_wait3A_175 = tpu.memref_squeeze %dma_wait3A_174 : memref<1x80xi32, #tpu.memory_space<vmem>> -> memref<80xi32, #tpu.memory_space<vmem>>
      %dma_wait3A_176 = arith.constant 0 : i32
      %dma_wait3A_177 = arith.constant 0 : i32
      %dma_wait3A_178 = tpu.memref_slice %arg2[%arg0, %dma_wait3A_176, %dma_wait3A_177] : memref<2x10000x64xf32, #tpu.memory_space<hbm>> -> memref<1x10000x64xf32, #tpu.memory_space<hbm>>
      %dma_wait3A_179 = tpu.memref_squeeze %dma_wait3A_178 : memref<1x10000x64xf32, #tpu.memory_space<hbm>> -> memref<10000x64xf32, #tpu.memory_space<hbm>>
      %dma_wait3A_180 = arith.constant 0 : i32
      %dma_wait3A_181 = arith.constant 0 : i32
      %dma_wait3A_182 = tpu.memref_slice %dma_wait3A_179[%dma_wait3A_180, %dma_wait3A_181] : memref<10000x64xf32, #tpu.memory_space<hbm>> -> memref<10000x64xf32, #tpu.memory_space<hbm>>
      tpu.wait_indirect_dma semaphore(%arg19 : memref<!tpu.dma_semaphore, #tpu.memory_space<semaphore_mem>>) src(%dma_wait3A_182 : memref<10000x64xf32, #tpu.memory_space<hbm>>) dst(%arg12 : memref<80x64xf32, #tpu.memory_space<vmem>>)
      %dma_start3A_183 = arith.constant 0 : i32
      %dma_start3A_184 = tpu.memref_slice %arg7[%add3A_172, %dma_start3A_183] : memref<250x80xi32, #tpu.memory_space<vmem>> -> memref<1x80xi32, #tpu.memory_space<vmem>>
      %dma_start3A_185 = tpu.memref_squeeze %dma_start3A_184 : memref<1x80xi32, #tpu.memory_space<vmem>> -> memref<80xi32, #tpu.memory_space<vmem>>
      %dma_start3A_186 = arith.constant 0 : i32
      %dma_start3A_187 = arith.constant 0 : i32
      %dma_start3A_188 = tpu.memref_slice %arg14[%dma_start3A_186, %dma_start3A_187] : memref<10240x64xf32, #tpu.memory_space<vmem_shared>> -> memref<10240x64xf32, #tpu.memory_space<vmem_shared>>
      tpu.enqueue_indirect_dma source(%arg12 : memref<80x64xf32, #tpu.memory_space<vmem>>) target(%dma_start3A_188 : memref<10240x64xf32, #tpu.memory_space<vmem_shared>>) offsets(%dma_start3A_185 : memref<80xi32, #tpu.memory_space<vmem>>) semaphore(%arg24 : memref<!tpu.dma_semaphore, #tpu.memory_space<semaphore_mem>>) {add = true}
      %mul3A_189 = arith.constant 5 : i32
      %mul3A_190 = arith.muli %scan3A_89, %mul3A_189 : i32
      %add3A_191 = arith.constant 0 : i32
      %add3A_192 = arith.addi %mul3A_190, %add3A_191 : i32
      %dma_wait3A_193 = arith.constant 0 : i32
      %dma_wait3A_194 = tpu.memref_slice %arg7[%add3A_192, %dma_wait3A_193] : memref<250x80xi32, #tpu.memory_space<vmem>> -> memref<1x80xi32, #tpu.memory_space<vmem>>
      %dma_wait3A_195 = tpu.memref_squeeze %dma_wait3A_194 : memref<1x80xi32, #tpu.memory_space<vmem>> -> memref<80xi32, #tpu.memory_space<vmem>>
      %dma_wait3A_196 = arith.constant 0 : i32
      %dma_wait3A_197 = arith.constant 0 : i32
      %dma_wait3A_198 = tpu.memref_slice %arg14[%dma_wait3A_196, %dma_wait3A_197] : memref<10240x64xf32, #tpu.memory_space<vmem_shared>> -> memref<10240x64xf32, #tpu.memory_space<vmem_shared>>
      tpu.wait_indirect_dma semaphore(%arg20 : memref<!tpu.dma_semaphore, #tpu.memory_space<semaphore_mem>>) src(%arg8 : memref<80x64xf32, #tpu.memory_space<vmem>>) dst(%dma_wait3A_198 : memref<10240x64xf32, #tpu.memory_space<vmem_shared>>)
      %add3A_199 = arith.constant 1 : i32
      %add3A_200 = arith.addi %scan3A_89, %add3A_199 : i32
      %lt3A = arith.constant 50 : i32
      %lt3A_201 = arith.cmpi slt, %add3A_200, %lt3A : i32
      %convert_element_type3A = arith.extui %lt3A_201 : i1 to i32
      %cond3A = arith.constant 0 : i32
      %cond3A_202 = arith.cmpi ne, %convert_element_type3A, %cond3A : i32
      scf.if %cond3A_202 {
        %add3A_271 = arith.constant 5 : i32
        %add3A_272 = arith.addi %add3A_192, %add3A_271 : i32
        %dma_start3A_273 = arith.constant 0 : i32
        %dma_start3A_274 = tpu.memref_slice %arg6[%add3A_272, %dma_start3A_273] : memref<250x80xi32, #tpu.memory_space<vmem>> -> memref<1x80xi32, #tpu.memory_space<vmem>>
        %dma_start3A_275 = tpu.memref_squeeze %dma_start3A_274 : memref<1x80xi32, #tpu.memory_space<vmem>> -> memref<80xi32, #tpu.memory_space<vmem>>
        %dma_start3A_276 = arith.constant 0 : i32
        %dma_start3A_277 = arith.constant 0 : i32
        %dma_start3A_278 = tpu.memref_slice %arg2[%arg0, %dma_start3A_276, %dma_start3A_277] : memref<2x10000x64xf32, #tpu.memory_space<hbm>> -> memref<1x10000x64xf32, #tpu.memory_space<hbm>>
        %dma_start3A_279 = tpu.memref_squeeze %dma_start3A_278 : memref<1x10000x64xf32, #tpu.memory_space<hbm>> -> memref<10000x64xf32, #tpu.memory_space<hbm>>
        %dma_start3A_280 = arith.constant 0 : i32
        %dma_start3A_281 = arith.constant 0 : i32
        %dma_start3A_282 = tpu.memref_slice %dma_start3A_279[%dma_start3A_280, %dma_start3A_281] : memref<10000x64xf32, #tpu.memory_space<hbm>> -> memref<10000x64xf32, #tpu.memory_space<hbm>>
        tpu.enqueue_indirect_dma source(%dma_start3A_282 : memref<10000x64xf32, #tpu.memory_space<hbm>>) target(%arg8 : memref<80x64xf32, #tpu.memory_space<vmem>>) offsets(%dma_start3A_275 : memref<80xi32, #tpu.memory_space<vmem>>) semaphore(%arg15 : memref<!tpu.dma_semaphore, #tpu.memory_space<semaphore_mem>>)
      } else {
      }
      %mul3A_203 = arith.constant 5 : i32
      %mul3A_204 = arith.muli %scan3A_89, %mul3A_203 : i32
      %add3A_205 = arith.constant 1 : i32
      %add3A_206 = arith.addi %mul3A_204, %add3A_205 : i32
      %dma_wait3A_207 = arith.constant 0 : i32
      %dma_wait3A_208 = tpu.memref_slice %arg7[%add3A_206, %dma_wait3A_207] : memref<250x80xi32, #tpu.memory_space<vmem>> -> memref<1x80xi32, #tpu.memory_space<vmem>>
      %dma_wait3A_209 = tpu.memref_squeeze %dma_wait3A_208 : memref<1x80xi32, #tpu.memory_space<vmem>> -> memref<80xi32, #tpu.memory_space<vmem>>
      %dma_wait3A_210 = arith.constant 0 : i32
      %dma_wait3A_211 = arith.constant 0 : i32
      %dma_wait3A_212 = tpu.memref_slice %arg14[%dma_wait3A_210, %dma_wait3A_211] : memref<10240x64xf32, #tpu.memory_space<vmem_shared>> -> memref<10240x64xf32, #tpu.memory_space<vmem_shared>>
      tpu.wait_indirect_dma semaphore(%arg21 : memref<!tpu.dma_semaphore, #tpu.memory_space<semaphore_mem>>) src(%arg9 : memref<80x64xf32, #tpu.memory_space<vmem>>) dst(%dma_wait3A_212 : memref<10240x64xf32, #tpu.memory_space<vmem_shared>>)
      %add3A_213 = arith.constant 1 : i32
      %add3A_214 = arith.addi %scan3A_89, %add3A_213 : i32
      %lt3A_215 = arith.constant 50 : i32
      %lt3A_216 = arith.cmpi slt, %add3A_214, %lt3A_215 : i32
      %convert_element_type3A_217 = arith.extui %lt3A_216 : i1 to i32
      %cond3A_218 = arith.constant 0 : i32
      %cond3A_219 = arith.cmpi ne, %convert_element_type3A_217, %cond3A_218 : i32
      scf.if %cond3A_219 {
        %add3A_271 = arith.constant 5 : i32
        %add3A_272 = arith.addi %add3A_206, %add3A_271 : i32
        %dma_start3A_273 = arith.constant 0 : i32
        %dma_start3A_274 = tpu.memref_slice %arg6[%add3A_272, %dma_start3A_273] : memref<250x80xi32, #tpu.memory_space<vmem>> -> memref<1x80xi32, #tpu.memory_space<vmem>>
        %dma_start3A_275 = tpu.memref_squeeze %dma_start3A_274 : memref<1x80xi32, #tpu.memory_space<vmem>> -> memref<80xi32, #tpu.memory_space<vmem>>
        %dma_start3A_276 = arith.constant 0 : i32
        %dma_start3A_277 = arith.constant 0 : i32
        %dma_start3A_278 = tpu.memref_slice %arg2[%arg0, %dma_start3A_276, %dma_start3A_277] : memref<2x10000x64xf32, #tpu.memory_space<hbm>> -> memref<1x10000x64xf32, #tpu.memory_space<hbm>>
        %dma_start3A_279 = tpu.memref_squeeze %dma_start3A_278 : memref<1x10000x64xf32, #tpu.memory_space<hbm>> -> memref<10000x64xf32, #tpu.memory_space<hbm>>
        %dma_start3A_280 = arith.constant 0 : i32
        %dma_start3A_281 = arith.constant 0 : i32
        %dma_start3A_282 = tpu.memref_slice %dma_start3A_279[%dma_start3A_280, %dma_start3A_281] : memref<10000x64xf32, #tpu.memory_space<hbm>> -> memref<10000x64xf32, #tpu.memory_space<hbm>>
        tpu.enqueue_indirect_dma source(%dma_start3A_282 : memref<10000x64xf32, #tpu.memory_space<hbm>>) target(%arg9 : memref<80x64xf32, #tpu.memory_space<vmem>>) offsets(%dma_start3A_275 : memref<80xi32, #tpu.memory_space<vmem>>) semaphore(%arg16 : memref<!tpu.dma_semaphore, #tpu.memory_space<semaphore_mem>>)
      } else {
      }
      %mul3A_220 = arith.constant 5 : i32
      %mul3A_221 = arith.muli %scan3A_89, %mul3A_220 : i32
      %add3A_222 = arith.constant 2 : i32
      %add3A_223 = arith.addi %mul3A_221, %add3A_222 : i32
      %dma_wait3A_224 = arith.constant 0 : i32
      %dma_wait3A_225 = tpu.memref_slice %arg7[%add3A_223, %dma_wait3A_224] : memref<250x80xi32, #tpu.memory_space<vmem>> -> memref<1x80xi32, #tpu.memory_space<vmem>>
      %dma_wait3A_226 = tpu.memref_squeeze %dma_wait3A_225 : memref<1x80xi32, #tpu.memory_space<vmem>> -> memref<80xi32, #tpu.memory_space<vmem>>
      %dma_wait3A_227 = arith.constant 0 : i32
      %dma_wait3A_228 = arith.constant 0 : i32
      %dma_wait3A_229 = tpu.memref_slice %arg14[%dma_wait3A_227, %dma_wait3A_228] : memref<10240x64xf32, #tpu.memory_space<vmem_shared>> -> memref<10240x64xf32, #tpu.memory_space<vmem_shared>>
      tpu.wait_indirect_dma semaphore(%arg22 : memref<!tpu.dma_semaphore, #tpu.memory_space<semaphore_mem>>) src(%arg10 : memref<80x64xf32, #tpu.memory_space<vmem>>) dst(%dma_wait3A_229 : memref<10240x64xf32, #tpu.memory_space<vmem_shared>>)
      %add3A_230 = arith.constant 1 : i32
      %add3A_231 = arith.addi %scan3A_89, %add3A_230 : i32
      %lt3A_232 = arith.constant 50 : i32
      %lt3A_233 = arith.cmpi slt, %add3A_231, %lt3A_232 : i32
      %convert_element_type3A_234 = arith.extui %lt3A_233 : i1 to i32
      %cond3A_235 = arith.constant 0 : i32
      %cond3A_236 = arith.cmpi ne, %convert_element_type3A_234, %cond3A_235 : i32
      scf.if %cond3A_236 {
        %add3A_271 = arith.constant 5 : i32
        %add3A_272 = arith.addi %add3A_223, %add3A_271 : i32
        %dma_start3A_273 = arith.constant 0 : i32
        %dma_start3A_274 = tpu.memref_slice %arg6[%add3A_272, %dma_start3A_273] : memref<250x80xi32, #tpu.memory_space<vmem>> -> memref<1x80xi32, #tpu.memory_space<vmem>>
        %dma_start3A_275 = tpu.memref_squeeze %dma_start3A_274 : memref<1x80xi32, #tpu.memory_space<vmem>> -> memref<80xi32, #tpu.memory_space<vmem>>
        %dma_start3A_276 = arith.constant 0 : i32
        %dma_start3A_277 = arith.constant 0 : i32
        %dma_start3A_278 = tpu.memref_slice %arg2[%arg0, %dma_start3A_276, %dma_start3A_277] : memref<2x10000x64xf32, #tpu.memory_space<hbm>> -> memref<1x10000x64xf32, #tpu.memory_space<hbm>>
        %dma_start3A_279 = tpu.memref_squeeze %dma_start3A_278 : memref<1x10000x64xf32, #tpu.memory_space<hbm>> -> memref<10000x64xf32, #tpu.memory_space<hbm>>
        %dma_start3A_280 = arith.constant 0 : i32
        %dma_start3A_281 = arith.constant 0 : i32
        %dma_start3A_282 = tpu.memref_slice %dma_start3A_279[%dma_start3A_280, %dma_start3A_281] : memref<10000x64xf32, #tpu.memory_space<hbm>> -> memref<10000x64xf32, #tpu.memory_space<hbm>>
        tpu.enqueue_indirect_dma source(%dma_start3A_282 : memref<10000x64xf32, #tpu.memory_space<hbm>>) target(%arg10 : memref<80x64xf32, #tpu.memory_space<vmem>>) offsets(%dma_start3A_275 : memref<80xi32, #tpu.memory_space<vmem>>) semaphore(%arg17 : memref<!tpu.dma_semaphore, #tpu.memory_space<semaphore_mem>>)
      } else {
      }
      %mul3A_237 = arith.constant 5 : i32
      %mul3A_238 = arith.muli %scan3A_89, %mul3A_237 : i32
      %add3A_239 = arith.constant 3 : i32
      %add3A_240 = arith.addi %mul3A_238, %add3A_239 : i32
      %dma_wait3A_241 = arith.constant 0 : i32
      %dma_wait3A_242 = tpu.memref_slice %arg7[%add3A_240, %dma_wait3A_241] : memref<250x80xi32, #tpu.memory_space<vmem>> -> memref<1x80xi32, #tpu.memory_space<vmem>>
      %dma_wait3A_243 = tpu.memref_squeeze %dma_wait3A_242 : memref<1x80xi32, #tpu.memory_space<vmem>> -> memref<80xi32, #tpu.memory_space<vmem>>
      %dma_wait3A_244 = arith.constant 0 : i32
      %dma_wait3A_245 = arith.constant 0 : i32
      %dma_wait3A_246 = tpu.memref_slice %arg14[%dma_wait3A_244, %dma_wait3A_245] : memref<10240x64xf32, #tpu.memory_space<vmem_shared>> -> memref<10240x64xf32, #tpu.memory_space<vmem_shared>>
      tpu.wait_indirect_dma semaphore(%arg23 : memref<!tpu.dma_semaphore, #tpu.memory_space<semaphore_mem>>) src(%arg11 : memref<80x64xf32, #tpu.memory_space<vmem>>) dst(%dma_wait3A_246 : memref<10240x64xf32, #tpu.memory_space<vmem_shared>>)
      %add3A_247 = arith.constant 1 : i32
      %add3A_248 = arith.addi %scan3A_89, %add3A_247 : i32
      %lt3A_249 = arith.constant 50 : i32
      %lt3A_250 = arith.cmpi slt, %add3A_248, %lt3A_249 : i32
      %convert_element_type3A_251 = arith.extui %lt3A_250 : i1 to i32
      %cond3A_252 = arith.constant 0 : i32
      %cond3A_253 = arith.cmpi ne, %convert_element_type3A_251, %cond3A_252 : i32
      scf.if %cond3A_253 {
        %add3A_271 = arith.constant 5 : i32
        %add3A_272 = arith.addi %add3A_240, %add3A_271 : i32
        %dma_start3A_273 = arith.constant 0 : i32
        %dma_start3A_274 = tpu.memref_slice %arg6[%add3A_272, %dma_start3A_273] : memref<250x80xi32, #tpu.memory_space<vmem>> -> memref<1x80xi32, #tpu.memory_space<vmem>>
        %dma_start3A_275 = tpu.memref_squeeze %dma_start3A_274 : memref<1x80xi32, #tpu.memory_space<vmem>> -> memref<80xi32, #tpu.memory_space<vmem>>
        %dma_start3A_276 = arith.constant 0 : i32
        %dma_start3A_277 = arith.constant 0 : i32
        %dma_start3A_278 = tpu.memref_slice %arg2[%arg0, %dma_start3A_276, %dma_start3A_277] : memref<2x10000x64xf32, #tpu.memory_space<hbm>> -> memref<1x10000x64xf32, #tpu.memory_space<hbm>>
        %dma_start3A_279 = tpu.memref_squeeze %dma_start3A_278 : memref<1x10000x64xf32, #tpu.memory_space<hbm>> -> memref<10000x64xf32, #tpu.memory_space<hbm>>
        %dma_start3A_280 = arith.constant 0 : i32
        %dma_start3A_281 = arith.constant 0 : i32
        %dma_start3A_282 = tpu.memref_slice %dma_start3A_279[%dma_start3A_280, %dma_start3A_281] : memref<10000x64xf32, #tpu.memory_space<hbm>> -> memref<10000x64xf32, #tpu.memory_space<hbm>>
        tpu.enqueue_indirect_dma source(%dma_start3A_282 : memref<10000x64xf32, #tpu.memory_space<hbm>>) target(%arg11 : memref<80x64xf32, #tpu.memory_space<vmem>>) offsets(%dma_start3A_275 : memref<80xi32, #tpu.memory_space<vmem>>) semaphore(%arg18 : memref<!tpu.dma_semaphore, #tpu.memory_space<semaphore_mem>>)
      } else {
      }
      %mul3A_254 = arith.constant 5 : i32
      %mul3A_255 = arith.muli %scan3A_89, %mul3A_254 : i32
      %add3A_256 = arith.constant 4 : i32
      %add3A_257 = arith.addi %mul3A_255, %add3A_256 : i32
      %dma_wait3A_258 = arith.constant 0 : i32
      %dma_wait3A_259 = tpu.memref_slice %arg7[%add3A_257, %dma_wait3A_258] : memref<250x80xi32, #tpu.memory_space<vmem>> -> memref<1x80xi32, #tpu.memory_space<vmem>>
      %dma_wait3A_260 = tpu.memref_squeeze %dma_wait3A_259 : memref<1x80xi32, #tpu.memory_space<vmem>> -> memref<80xi32, #tpu.memory_space<vmem>>
      %dma_wait3A_261 = arith.constant 0 : i32
      %dma_wait3A_262 = arith.constant 0 : i32
      %dma_wait3A_263 = tpu.memref_slice %arg14[%dma_wait3A_261, %dma_wait3A_262] : memref<10240x64xf32, #tpu.memory_space<vmem_shared>> -> memref<10240x64xf32, #tpu.memory_space<vmem_shared>>
      tpu.wait_indirect_dma semaphore(%arg24 : memref<!tpu.dma_semaphore, #tpu.memory_space<semaphore_mem>>) src(%arg12 : memref<80x64xf32, #tpu.memory_space<vmem>>) dst(%dma_wait3A_263 : memref<10240x64xf32, #tpu.memory_space<vmem_shared>>)
      %add3A_264 = arith.constant 1 : i32
      %add3A_265 = arith.addi %scan3A_89, %add3A_264 : i32
      %lt3A_266 = arith.constant 50 : i32
      %lt3A_267 = arith.cmpi slt, %add3A_265, %lt3A_266 : i32
      %convert_element_type3A_268 = arith.extui %lt3A_267 : i1 to i32
      %cond3A_269 = arith.constant 0 : i32
      %cond3A_270 = arith.cmpi ne, %convert_element_type3A_268, %cond3A_269 : i32
      scf.if %cond3A_270 {
        %add3A_271 = arith.constant 5 : i32
        %add3A_272 = arith.addi %add3A_257, %add3A_271 : i32
        %dma_start3A_273 = arith.constant 0 : i32
        %dma_start3A_274 = tpu.memref_slice %arg6[%add3A_272, %dma_start3A_273] : memref<250x80xi32, #tpu.memory_space<vmem>> -> memref<1x80xi32, #tpu.memory_space<vmem>>
        %dma_start3A_275 = tpu.memref_squeeze %dma_start3A_274 : memref<1x80xi32, #tpu.memory_space<vmem>> -> memref<80xi32, #tpu.memory_space<vmem>>
        %dma_start3A_276 = arith.constant 0 : i32
        %dma_start3A_277 = arith.constant 0 : i32
        %dma_start3A_278 = tpu.memref_slice %arg2[%arg0, %dma_start3A_276, %dma_start3A_277] : memref<2x10000x64xf32, #tpu.memory_space<hbm>> -> memref<1x10000x64xf32, #tpu.memory_space<hbm>>
        %dma_start3A_279 = tpu.memref_squeeze %dma_start3A_278 : memref<1x10000x64xf32, #tpu.memory_space<hbm>> -> memref<10000x64xf32, #tpu.memory_space<hbm>>
        %dma_start3A_280 = arith.constant 0 : i32
        %dma_start3A_281 = arith.constant 0 : i32
        %dma_start3A_282 = tpu.memref_slice %dma_start3A_279[%dma_start3A_280, %dma_start3A_281] : memref<10000x64xf32, #tpu.memory_space<hbm>> -> memref<10000x64xf32, #tpu.memory_space<hbm>>
        tpu.enqueue_indirect_dma source(%dma_start3A_282 : memref<10000x64xf32, #tpu.memory_space<hbm>>) target(%arg12 : memref<80x64xf32, #tpu.memory_space<vmem>>) offsets(%dma_start3A_275 : memref<80xi32, #tpu.memory_space<vmem>>) semaphore(%arg19 : memref<!tpu.dma_semaphore, #tpu.memory_space<semaphore_mem>>)
      } else {
      }
    }
    %scan3A_83 = arith.constant 50 : i32
    %barrier3A_84 = arith.constant 0 : index
    tpu.barrier barrier_id(%barrier3A_84)
    %mul3A_85 = arith.constant 640 : i32
    %mul3A_86 = arith.muli %arg1, %mul3A_85 : i32
    %mul3A_87 = arith.constant 640 : i32
    %mul3A_88 = arith.muli %arg1, %mul3A_87 : i32
    "tpu.region"() ({
      %run_scoped3A = tpu.sem_alloc : memref<!tpu.dma_semaphore, #tpu.memory_space<semaphore_mem>>
      %dma_start3A_89 = arith.constant 0 : i32
      %dma_start3A_90 = arith.constant 0 : i32
      %dma_start3A_91 = tpu.memref_slice %arg5[%arg0, %dma_start3A_89, %dma_start3A_90] : memref<2x10240x64xf32, #tpu.memory_space<hbm>> -> memref<1x10240x64xf32, #tpu.memory_space<hbm>>
      %dma_start3A_92 = tpu.memref_squeeze %dma_start3A_91 : memref<1x10240x64xf32, #tpu.memory_space<hbm>> -> memref<10240x64xf32, #tpu.memory_space<hbm>>
      %dma_start3A_93 = arith.constant 0 : i32
      %dma_start3A_94 = tpu.memref_slice %dma_start3A_92[%mul3A_88, %dma_start3A_93] : memref<10240x64xf32, #tpu.memory_space<hbm>> -> memref<640x64xf32, #tpu.memory_space<hbm>>
      %dma_start3A_95 = arith.constant 0 : i32
      %dma_start3A_96 = tpu.memref_slice %arg14[%mul3A_86, %dma_start3A_95] : memref<10240x64xf32, #tpu.memory_space<vmem_shared>> -> memref<640x64xf32, #tpu.memory_space<vmem_shared>>
      tpu.enqueue_dma source(%dma_start3A_96 : memref<640x64xf32, #tpu.memory_space<vmem_shared>>) target(%dma_start3A_94 : memref<640x64xf32, #tpu.memory_space<hbm>>) target_semaphore(%run_scoped3A : memref<!tpu.dma_semaphore, #tpu.memory_space<semaphore_mem>>)
      %dma_wait3A = arith.constant 0 : i32
      %dma_wait3A_97 = arith.constant 0 : i32
      %dma_wait3A_98 = tpu.memref_slice %arg5[%arg0, %dma_wait3A, %dma_wait3A_97] : memref<2x10240x64xf32, #tpu.memory_space<hbm>> -> memref<1x10240x64xf32, #tpu.memory_space<hbm>>
      %dma_wait3A_99 = tpu.memref_squeeze %dma_wait3A_98 : memref<1x10240x64xf32, #tpu.memory_space<hbm>> -> memref<10240x64xf32, #tpu.memory_space<hbm>>
      %dma_wait3A_100 = arith.constant 0 : i32
      %dma_wait3A_101 = tpu.memref_slice %dma_wait3A_99[%mul3A_88, %dma_wait3A_100] : memref<10240x64xf32, #tpu.memory_space<hbm>> -> memref<640x64xf32, #tpu.memory_space<hbm>>
      %dma_wait3A_102 = arith.constant 0 : i32
      %dma_wait3A_103 = tpu.memref_slice %arg14[%mul3A_86, %dma_wait3A_102] : memref<10240x64xf32, #tpu.memory_space<vmem_shared>> -> memref<640x64xf32, #tpu.memory_space<vmem_shared>>
      tpu.wait_dma2 semaphore(%run_scoped3A : memref<!tpu.dma_semaphore, #tpu.memory_space<semaphore_mem>>) src(%dma_wait3A_103 : memref<640x64xf32, #tpu.memory_space<vmem_shared>>) dst(%dma_wait3A_101 : memref<640x64xf32, #tpu.memory_space<hbm>>)
      tpu.yield
    }) : () -> ()
    return
  }
}

module attributes {stable_mosaic.version = 14 : i64} {
  func.func @_mm1_body(%arg0: i32, %arg1: memref<1000x128xf32, #tpu.memory_space<vmem>>, %arg2: memref<128x128xf32, #tpu.memory_space<vmem>>, %arg3: memref<1000x128xf32, #tpu.memory_space<vmem>>) attributes {dimension_semantics = [#tpu.dimension_semantics<arbitrary>], iteration_bounds = array<i64: 10>, scalar_prefetch = 0 : i64, scratch_operands = 0 : i64, tpu.core_type = #tpu.core_type<tc>, window_params = [{transform_indices = @transform_0, window_bounds = array<i64: 1000, 128>}, {pipeline_mode = #tpu.pipeline_mode<synchronous>, transform_indices = @transform_1, window_bounds = array<i64: 128, 128>}, {transform_indices = @transform_2, window_bounds = array<i64: 1000, 128>}]} {
    %get3A = arith.constant 0 : index
    %get3A_0 = arith.constant 0 : index
    %get3A_1 = vector.load %arg1[%get3A, %get3A_0] : memref<1000x128xf32, #tpu.memory_space<vmem>>, vector<1000x128xf32>
    %get3A_2 = arith.constant 0 : index
    %get3A_3 = arith.constant 0 : index
    %get3A_4 = vector.load %arg2[%get3A_2, %get3A_3] : memref<128x128xf32, #tpu.memory_space<vmem>>, vector<128x128xf32>
    %dot_general3A = arith.constant dense<0.000000e+00> : vector<1000x128xf32>
    %dot_general3A_5 = tpu.matmul %get3A_1, %get3A_4, %dot_general3A {dimension_numbers = #tpu.dot_dimension_numbers<[1], [0], [0], [1], [0, 0, 1, 1], [], []>, transpose_lhs_hint = false} : vector<1000x128xf32>, vector<128x128xf32>, vector<1000x128xf32> -> vector<1000x128xf32>
    %swap3A = arith.constant 0 : index
    %swap3A_6 = arith.constant 0 : index
    %swap3A_7 = vector.load %arg3[%swap3A, %swap3A_6] : memref<1000x128xf32, #tpu.memory_space<vmem>>, vector<1000x128xf32>
    tpu.vector_store %arg3[%swap3A, %swap3A_6], %dot_general3A_5 {strides = array<i32>} : memref<1000x128xf32, #tpu.memory_space<vmem>>, vector<1000x128xf32>,
    return
  }
  func.func @transform_0(%arg0: i32) -> (i32, i32) {
    %c0_i32 = arith.constant 0 : i32
    %c0_i32_0 = arith.constant 0 : i32
    return %arg0, %c0_i32 : i32, i32
  }
  func.func @transform_1(%arg0: i32) -> (i32, i32) {
    %c0_i32 = arith.constant 0 : i32
    %c0_i32_0 = arith.constant 0 : i32
    %c0_i32_1 = arith.constant 0 : i32
    return %c0_i32, %c0_i32_0 : i32, i32
  }
  func.func @transform_2(%arg0: i32) -> (i32, i32) {
    %c0_i32 = arith.constant 0 : i32
    %c0_i32_0 = arith.constant 0 : i32
    return %arg0, %c0_i32 : i32, i32
  }
}

module attributes {stable_mosaic.version = 14 : i64} {
  func.func @_front_body(%arg0: memref<32x10000xf32, #tpu.memory_space<vmem>>, %arg1: memref<10000x128xf32, #tpu.memory_space<vmem>>, %arg2: memref<2x10000x64xf32, #tpu.memory_space<vmem>>, %arg3: memref<10000x1xf32, #tpu.memory_space<vmem>>) attributes {dimension_semantics = [], scalar_prefetch = 0 : i64, scratch_operands = 0 : i64, tpu.core_type = #tpu.core_type<tc>} {
    %broadcast_in_dim3A = arith.constant 1.000000e+00 : f32
    %broadcast_in_dim3A_0 = vector.broadcast %broadcast_in_dim3A : f32 to vector<32x1xf32>
    %get3A = arith.constant 0 : index
    %get3A_1 = arith.constant 0 : index
    %get3A_2 = vector.load %arg0[%get3A, %get3A_1] : memref<32x10000xf32, #tpu.memory_space<vmem>>, vector<32x10000xf32>
    %dot_general3A = arith.constant dense<0.000000e+00> : vector<10000x1xf32>
    %dot_general3A_3 = tpu.matmul %get3A_2, %broadcast_in_dim3A_0, %dot_general3A {dimension_numbers = #tpu.dot_dimension_numbers<[0], [0], [1], [1], [0, 1, 1, 1], [], []>, transpose_lhs_hint = false} : vector<32x10000xf32>, vector<32x1xf32>, vector<10000x1xf32> -> vector<10000x1xf32>
    %add3A = arith.constant 1.000000e+00 : f32
    %add3A_4 = vector.broadcast %add3A : f32 to vector<10000x1xf32>
    %add3A_5 = arith.addf %dot_general3A_3, %add3A_4 : vector<10000x1xf32>
    %rsqrt3A = math.rsqrt %add3A_5 : vector<10000x1xf32>
    %swap3A = arith.constant 0 : index
    %swap3A_6 = arith.constant 0 : index
    %swap3A_7 = vector.load %arg3[%swap3A, %swap3A_6] : memref<10000x1xf32, #tpu.memory_space<vmem>>, vector<10000x1xf32>
    tpu.vector_store %arg3[%swap3A, %swap3A_6], %rsqrt3A {strides = array<i32>} : memref<10000x1xf32, #tpu.memory_space<vmem>>, vector<10000x1xf32>,
    %get3A_8 = arith.constant 0 : index
    %get3A_9 = arith.constant 0 : index
    %get3A_10 = vector.load %arg1[%get3A_8, %get3A_9] : memref<10000x128xf32, #tpu.memory_space<vmem>>, vector<10000x128xf32>
    %mul3A = vector.broadcast %rsqrt3A : vector<10000x1xf32> to vector<10000x128xf32>
    %mul3A_11 = arith.mulf %get3A_10, %mul3A : vector<10000x128xf32>
    %slice3A = vector.extract_strided_slice %mul3A_11 {offsets = [0, 0], sizes = [10000, 64], strides = [1, 1]} : vector<10000x128xf32> to vector<10000x64xf32>
    %swap3A_12 = arith.constant 0 : index
    %swap3A_13 = arith.constant 0 : index
    %swap3A_14 = arith.constant 0 : index
    %swap3A_15 = vector.load %arg2[%swap3A_12, %swap3A_13, %swap3A_14] : memref<2x10000x64xf32, #tpu.memory_space<vmem>>, vector<1x10000x64xf32>
    %swap3A_16 = vector.shape_cast %swap3A_15 : vector<1x10000x64xf32> to vector<10000x64xf32>
    %swap3A_17 = vector.shape_cast %slice3A : vector<10000x64xf32> to vector<1x10000x64xf32>
    tpu.vector_store %arg2[%swap3A_12, %swap3A_13, %swap3A_14], %swap3A_17 {strides = array<i32>} : memref<2x10000x64xf32, #tpu.memory_space<vmem>>, vector<1x10000x64xf32>,
    %slice3A_18 = vector.extract_strided_slice %mul3A_11 {offsets = [0, 64], sizes = [10000, 64], strides = [1, 1]} : vector<10000x128xf32> to vector<10000x64xf32>
    %swap3A_19 = arith.constant 1 : index
    %swap3A_20 = arith.constant 0 : index
    %swap3A_21 = arith.constant 0 : index
    %swap3A_22 = vector.load %arg2[%swap3A_19, %swap3A_20, %swap3A_21] : memref<2x10000x64xf32, #tpu.memory_space<vmem>>, vector<1x10000x64xf32>
    %swap3A_23 = vector.shape_cast %swap3A_22 : vector<1x10000x64xf32> to vector<10000x64xf32>
    %swap3A_24 = vector.shape_cast %slice3A_18 : vector<10000x64xf32> to vector<1x10000x64xf32>
    tpu.vector_store %arg2[%swap3A_19, %swap3A_20, %swap3A_21], %swap3A_24 {strides = array<i32>} : memref<2x10000x64xf32, #tpu.memory_space<vmem>>, vector<1x10000x64xf32>,
    return
  }
}

module attributes {stable_mosaic.version = 14 : i64} {
  func.func @_mid_body(%arg0: i32, %arg1: memref<2x1000x64xf32, #tpu.memory_space<vmem>>, %arg2: memref<2x1000x64xf32, #tpu.memory_space<vmem>>, %arg3: memref<1000x1xf32, #tpu.memory_space<vmem>>, %arg4: memref<1x128xf32, #tpu.memory_space<vmem>>, %arg5: memref<128x64xf32, #tpu.memory_space<vmem>>, %arg6: memref<1000x64xf32, #tpu.memory_space<vmem>>) attributes {dimension_semantics = [#tpu.dimension_semantics<arbitrary>], iteration_bounds = array<i64: 10>, scalar_prefetch = 0 : i64, scratch_operands = 0 : i64, tpu.core_type = #tpu.core_type<tc>, window_params = [{transform_indices = @transform_0, window_bounds = array<i64: 2, 1000, 64>}, {transform_indices = @transform_1, window_bounds = array<i64: 2, 1000, 64>}, {transform_indices = @transform_2, window_bounds = array<i64: 1000, 1>}, {pipeline_mode = #tpu.pipeline_mode<synchronous>, transform_indices = @transform_3, window_bounds = array<i64: 1, 128>}, {pipeline_mode = #tpu.pipeline_mode<synchronous>, transform_indices = @transform_4, window_bounds = array<i64: 128, 64>}, {transform_indices = @transform_5, window_bounds = array<i64: 1000, 64>}]} {
    %get3A = arith.constant 0 : index
    %get3A_0 = arith.constant 0 : index
    %get3A_1 = vector.load %arg3[%get3A, %get3A_0] : memref<1000x1xf32, #tpu.memory_space<vmem>>, vector<1000x1xf32>
    %get3A_2 = arith.constant 0 : index
    %get3A_3 = arith.constant 0 : index
    %get3A_4 = arith.constant 0 : index
    %get3A_5 = vector.load %arg1[%get3A_2, %get3A_3, %get3A_4] : memref<2x1000x64xf32, #tpu.memory_space<vmem>>, vector<1x1000x64xf32>
    %get3A_6 = vector.shape_cast %get3A_5 : vector<1x1000x64xf32> to vector<1000x64xf32>
    %get3A_7 = arith.constant 0 : index
    %get3A_8 = arith.constant 0 : index
    %get3A_9 = arith.constant 0 : index
    %get3A_10 = vector.load %arg2[%get3A_7, %get3A_8, %get3A_9] : memref<2x1000x64xf32, #tpu.memory_space<vmem>>, vector<1x1000x64xf32>
    %get3A_11 = vector.shape_cast %get3A_10 : vector<1x1000x64xf32> to vector<1000x64xf32>
    %add3A = arith.addf %get3A_6, %get3A_11 : vector<1000x64xf32>
    %get3A_12 = arith.constant 1 : index
    %get3A_13 = arith.constant 0 : index
    %get3A_14 = arith.constant 0 : index
    %get3A_15 = vector.load %arg1[%get3A_12, %get3A_13, %get3A_14] : memref<2x1000x64xf32, #tpu.memory_space<vmem>>, vector<1x1000x64xf32>
    %get3A_16 = vector.shape_cast %get3A_15 : vector<1x1000x64xf32> to vector<1000x64xf32>
    %get3A_17 = arith.constant 1 : index
    %get3A_18 = arith.constant 0 : index
    %get3A_19 = arith.constant 0 : index
    %get3A_20 = vector.load %arg2[%get3A_17, %get3A_18, %get3A_19] : memref<2x1000x64xf32, #tpu.memory_space<vmem>>, vector<1x1000x64xf32>
    %get3A_21 = vector.shape_cast %get3A_20 : vector<1x1000x64xf32> to vector<1000x64xf32>
    %add3A_22 = arith.addf %get3A_16, %get3A_21 : vector<1000x64xf32>
    %concatenate3A = tpu.concatenate %add3A, %add3A_22 in 1 : vector<1000x64xf32>, vector<1000x64xf32> -> vector<1000x128xf32>
    %mul3A = vector.broadcast %get3A_1 : vector<1000x1xf32> to vector<1000x128xf32>
    %mul3A_23 = arith.mulf %mul3A, %concatenate3A : vector<1000x128xf32>
    %get3A_24 = arith.constant 0 : index
    %get3A_25 = arith.constant 0 : index
    %get3A_26 = vector.load %arg4[%get3A_24, %get3A_25] : memref<1x128xf32, #tpu.memory_space<vmem>>, vector<1x128xf32>
    %add3A_27 = vector.broadcast %get3A_26 : vector<1x128xf32> to vector<1000x128xf32>
    %add3A_28 = arith.addf %mul3A_23, %add3A_27 : vector<1000x128xf32>
    %max3A = arith.constant 0.000000e+00 : f32
    %max3A_29 = vector.broadcast %max3A : f32 to vector<1000x128xf32>
    %max3A_30 = arith.maximumf %add3A_28, %max3A_29 : vector<1000x128xf32>
    %get3A_31 = arith.constant 0 : index
    %get3A_32 = arith.constant 0 : index
    %get3A_33 = vector.load %arg5[%get3A_31, %get3A_32] : memref<128x64xf32, #tpu.memory_space<vmem>>, vector<128x64xf32>
    %dot_general3A = arith.constant dense<0.000000e+00> : vector<1000x64xf32>
    %dot_general3A_34 = tpu.matmul %max3A_30, %get3A_33, %dot_general3A {dimension_numbers = #tpu.dot_dimension_numbers<[1], [0], [0], [1], [0, 0, 1, 1], [], []>, transpose_lhs_hint = false} : vector<1000x128xf32>, vector<128x64xf32>, vector<1000x64xf32> -> vector<1000x64xf32>
    %mul3A_35 = vector.broadcast %get3A_1 : vector<1000x1xf32> to vector<1000x64xf32>
    %mul3A_36 = arith.mulf %dot_general3A_34, %mul3A_35 : vector<1000x64xf32>
    %swap3A = arith.constant 0 : index
    %swap3A_37 = arith.constant 0 : index
    %swap3A_38 = vector.load %arg6[%swap3A, %swap3A_37] : memref<1000x64xf32, #tpu.memory_space<vmem>>, vector<1000x64xf32>
    tpu.vector_store %arg6[%swap3A, %swap3A_37], %mul3A_36 {strides = array<i32>} : memref<1000x64xf32, #tpu.memory_space<vmem>>, vector<1000x64xf32>,
    return
  }
  func.func @transform_0(%arg0: i32) -> (i32, i32, i32) {
    %c0_i32 = arith.constant 0 : i32
    %c0_i32_0 = arith.constant 0 : i32
    %c0_i32_1 = arith.constant 0 : i32
    return %c0_i32, %arg0, %c0_i32_0 : i32, i32, i32
  }
  func.func @transform_1(%arg0: i32) -> (i32, i32, i32) {
    %c0_i32 = arith.constant 0 : i32
    %c0_i32_0 = arith.constant 0 : i32
    %c0_i32_1 = arith.constant 0 : i32
    return %c0_i32, %arg0, %c0_i32_0 : i32, i32, i32
  }
  func.func @transform_2(%arg0: i32) -> (i32, i32) {
    %c0_i32 = arith.constant 0 : i32
    %c0_i32_0 = arith.constant 0 : i32
    return %arg0, %c0_i32 : i32, i32
  }
  func.func @transform_3(%arg0: i32) -> (i32, i32) {
    %c0_i32 = arith.constant 0 : i32
    %c0_i32_0 = arith.constant 0 : i32
    %c0_i32_1 = arith.constant 0 : i32
    return %c0_i32, %c0_i32_0 : i32, i32
  }
  func.func @transform_4(%arg0: i32) -> (i32, i32) {
    %c0_i32 = arith.constant 0 : i32
    %c0_i32_0 = arith.constant 0 : i32
    %c0_i32_1 = arith.constant 0 : i32
    return %c0_i32, %c0_i32_0 : i32, i32
  }
  func.func @transform_5(%arg0: i32) -> (i32, i32) {
    %c0_i32 = arith.constant 0 : i32
    %c0_i32_0 = arith.constant 0 : i32
    return %arg0, %c0_i32 : i32, i32
  }
}

module attributes {stable_mosaic.version = 14 : i64} {
  func.func @_final_body(%arg0: i32, %arg1: memref<2x1000x64xf32, #tpu.memory_space<vmem>>, %arg2: memref<1000x64xf32, #tpu.memory_space<vmem>>, %arg3: memref<1000x1xf32, #tpu.memory_space<vmem>>, %arg4: memref<1x64xf32, #tpu.memory_space<vmem>>, %arg5: memref<1000x64xf32, #tpu.memory_space<vmem>>) attributes {dimension_semantics = [#tpu.dimension_semantics<arbitrary>], iteration_bounds = array<i64: 10>, scalar_prefetch = 0 : i64, scratch_operands = 0 : i64, tpu.core_type = #tpu.core_type<tc>, window_params = [{transform_indices = @transform_0, window_bounds = array<i64: 2, 1000, 64>}, {transform_indices = @transform_1, window_bounds = array<i64: 1000, 64>}, {transform_indices = @transform_2, window_bounds = array<i64: 1000, 1>}, {pipeline_mode = #tpu.pipeline_mode<synchronous>, transform_indices = @transform_3, window_bounds = array<i64: 1, 64>}, {transform_indices = @transform_4, window_bounds = array<i64: 1000, 64>}]} {
    %get3A = arith.constant 0 : index
    %get3A_0 = arith.constant 0 : index
    %get3A_1 = vector.load %arg3[%get3A, %get3A_0] : memref<1000x1xf32, #tpu.memory_space<vmem>>, vector<1000x1xf32>
    %get3A_2 = arith.constant 0 : index
    %get3A_3 = arith.constant 0 : index
    %get3A_4 = arith.constant 0 : index
    %get3A_5 = vector.load %arg1[%get3A_2, %get3A_3, %get3A_4] : memref<2x1000x64xf32, #tpu.memory_space<vmem>>, vector<1x1000x64xf32>
    %get3A_6 = vector.shape_cast %get3A_5 : vector<1x1000x64xf32> to vector<1000x64xf32>
    %get3A_7 = arith.constant 1 : index
    %get3A_8 = arith.constant 0 : index
    %get3A_9 = arith.constant 0 : index
    %get3A_10 = vector.load %arg1[%get3A_7, %get3A_8, %get3A_9] : memref<2x1000x64xf32, #tpu.memory_space<vmem>>, vector<1x1000x64xf32>
    %get3A_11 = vector.shape_cast %get3A_10 : vector<1x1000x64xf32> to vector<1000x64xf32>
    %add3A = arith.addf %get3A_6, %get3A_11 : vector<1000x64xf32>
    %get3A_12 = arith.constant 0 : index
    %get3A_13 = arith.constant 0 : index
    %get3A_14 = vector.load %arg2[%get3A_12, %get3A_13] : memref<1000x64xf32, #tpu.memory_space<vmem>>, vector<1000x64xf32>
    %add3A_15 = arith.addf %add3A, %get3A_14 : vector<1000x64xf32>
    %mul3A = vector.broadcast %get3A_1 : vector<1000x1xf32> to vector<1000x64xf32>
    %mul3A_16 = arith.mulf %mul3A, %add3A_15 : vector<1000x64xf32>
    %get3A_17 = arith.constant 0 : index
    %get3A_18 = arith.constant 0 : index
    %get3A_19 = vector.load %arg4[%get3A_17, %get3A_18] : memref<1x64xf32, #tpu.memory_space<vmem>>, vector<1x64xf32>
    %add3A_20 = vector.broadcast %get3A_19 : vector<1x64xf32> to vector<1000x64xf32>
    %add3A_21 = arith.addf %mul3A_16, %add3A_20 : vector<1000x64xf32>
    %reduce_max3A = arith.constant dense<0xFF800000> : vector<1000xf32>
    %reduce_max3A_22 = vector.multi_reduction <maximumf>, %add3A_21, %reduce_max3A [1] : vector<1000x64xf32> to vector<1000xf32>
    %broadcast_in_dim3A = vector.shape_cast %reduce_max3A_22 : vector<1000xf32> to vector<1000x1xf32>
    %sub3A = vector.broadcast %broadcast_in_dim3A : vector<1000x1xf32> to vector<1000x64xf32>
    %sub3A_23 = arith.subf %add3A_21, %sub3A : vector<1000x64xf32>
    %exp3A = math.exp %sub3A_23 : vector<1000x64xf32>
    %reduce_sum3A = arith.constant dense<0.000000e+00> : vector<1000xf32>
    %reduce_sum3A_24 = vector.multi_reduction <add>, %exp3A, %reduce_sum3A [1] : vector<1000x64xf32> to vector<1000xf32>
    %broadcast_in_dim3A_25 = vector.shape_cast %reduce_sum3A_24 : vector<1000xf32> to vector<1000x1xf32>
    %log3A = math.log %broadcast_in_dim3A_25 : vector<1000x1xf32>
    %sub3A_26 = vector.broadcast %log3A : vector<1000x1xf32> to vector<1000x64xf32>
    %sub3A_27 = arith.subf %sub3A_23, %sub3A_26 : vector<1000x64xf32>
    %swap3A = arith.constant 0 : index
    %swap3A_28 = arith.constant 0 : index
    %swap3A_29 = vector.load %arg5[%swap3A, %swap3A_28] : memref<1000x64xf32, #tpu.memory_space<vmem>>, vector<1000x64xf32>
    tpu.vector_store %arg5[%swap3A, %swap3A_28], %sub3A_27 {strides = array<i32>} : memref<1000x64xf32, #tpu.memory_space<vmem>>, vector<1000x64xf32>,
    return
  }
  func.func @transform_0(%arg0: i32) -> (i32, i32, i32) {
    %c0_i32 = arith.constant 0 : i32
    %c0_i32_0 = arith.constant 0 : i32
    %c0_i32_1 = arith.constant 0 : i32
    return %c0_i32, %arg0, %c0_i32_0 : i32, i32, i32
  }
  func.func @transform_1(%arg0: i32) -> (i32, i32) {
    %c0_i32 = arith.constant 0 : i32
    %c0_i32_0 = arith.constant 0 : i32
    return %arg0, %c0_i32 : i32, i32
  }
  func.func @transform_2(%arg0: i32) -> (i32, i32) {
    %c0_i32 = arith.constant 0 : i32
    %c0_i32_0 = arith.constant 0 : i32
    return %arg0, %c0_i32 : i32, i32
  }
  func.func @transform_3(%arg0: i32) -> (i32, i32) {
    %c0_i32 = arith.constant 0 : i32
    %c0_i32_0 = arith.constant 0 : i32
    %c0_i32_1 = arith.constant 0 : i32
    return %c0_i32, %c0_i32_0 : i32, i32
  }
  func.func @transform_4(%arg0: i32) -> (i32, i32) {
    %c0_i32 = arith.constant 0 : i32
    %c0_i32_0 = arith.constant 0 : i32
    return %arg0, %c0_i32 : i32, i32
  }
}

</mosaic_0001>

<sc_bundles>
// kernel: kernel.12.cloned.1.call-start
scs
__scs_entry_jumppad:
0x0: {  	(pc) =	sbr.rel $0x88, $3  }
0x1: {  	(tag) =	ssettag $0x0;
	lr =	simm.s32 $0x1  }
0x2: {  	[smem:$0x3F9B] =	sst lr;
	_ =	strace $0xD0000000  }
0x3: {  	_ = 	snop  }
0x4: {  	_ = 	snop  }
0x5: {  	_ = 	snop  }
0x6: {  	_ = 	snop  }
0x7: {  	_ = 	snop  }
__scs_overlays_trampoline_lowered:
0x8: {  	[smem:$0x3FAA] =	sst s0  }
0x9: {  	[smem:$0x3FAB] =	sst s1  }
0xa: {  	[smem:$0x3FAC] =	sst s2  }
0xb: {  	[smem:$0x3FAD] =	sst s3  }
0xc: {  	[smem:$0x3FAE] =	sst s4  }
0xd: {  	[smem:$0x3FAF] =	sst s5  }
0xe: {  	[smem:$0x3FB0] =	sst s6  }
0xf: {  	[smem:$0x3FB1] =	sst s7  }
0x10: {  	[smem:$0x3FB2] =	sst s8  }
0x11: {  	[smem:$0x3FB3] =	sst s9;
	s0 =	simm.s32 @!p0 $0x0  }
0x12: {  	s1 =	sld [smem:$0x3F99];
	s0 =	simm.s32 @p0 $0x1  }
0x13: {  	[smem:$0x3FB4] =	sst s0;
	s0 =	simm.s32 @!p1 $0x0  }
0x14: {  	s2 =	sld [smem:$0x3F98];
	s0 =	simm.s32 @p1 $0x1  }
0x15: {  	[smem:$0x3FB5] =	sst s0;
	s0 =	simm.s32 @!p2 $0x0  }
0x16: {  	s3 =	sld [smem:$0x3FDB];
	s0 =	simm.s32 @p2 $0x1  }
0x17: {  	s4 =	simm.s32 $0x1BF5;
	[smem:$0x3FB7] =	sst s0  }
0x18: {  	s0 =	sld [smem:$0x3F9A];
	_ =	swait.ge [sflag:s4], $0x0  }
0x19: {  	s7 =	sld [smem:$0x3F9B]  }
0x1a: {  	s8 =	sadd.s32 $0xFFFFE003, lr  }
0x1b: {  	s9 =	sadd.s32 $0xFFFFFEF7, lr;
	s5 =	simm.s32 $0xFFFFFFFF;
	p2 =	slt.u32 s8, $0xFFFFF086  }
0x1c: {  	p1 =	slt.u32 s9, $0xF7A;
	s5 =	simm.s32 @!p2 $0x0  }
0x1d: {  	s5 =	simm.s32 @p1 $0x1;
	p0 =	seq.s32 s7, s2  }
0x1e: {  	s7 =	smul.u32 @!p0 $0xF7A, s2;
	p2 =	seq.s32 @!p0 s5, $0x0  }
0x1f: {  	s9 =	smul.u32 $0xF7A, s1;
	s8 =	simm.s32 @!p0 $0x1BF5;
	p2 =	por !p2, p0  }
0x20: {  	[sflag:s8] =	ssyncset.s32 @!p0 $0xFFFFF086;
	s6 =	sadd.s32 @!p0 s3, s7;
	s7 =	simm.s32 @!p0 $0x108  }
0x21: {  	s3 =	sadd.s32 s3, s9;
	s6 =	sadd.s32 @!p0 $0x88, s6;
	s7 =	simm.s32 @p2 $0x1082  }
0x22: {  	[simem:s7], [sflag:s8] =	dma.local @!p0 [hbm:s6], $0xF7A  }
0x23: {  	s9 =	sor.u32 $0xD0000000, s2;
	s6 =	simm.s32 $0x108;
	_ =	swait.ge @!p0 [sflag:s8], $0x0  }
0x24: {  	s3 =	sadd.s32 $0x88, s3;
	s6 =	simm.s32 @!p1 $0x1082;
	[sflag:s4] =	ssyncset.s32 $0xFFFFF086  }
0x25: {  	[simem:s6], [sflag:s4] =	dma.local [hbm:s3], $0xF7A  }
0x26: {  	[smem:$0x3F9B] =	sst s1;
	(tag) =	ssettag s2;
	_ =	strace s9  }
0x27: {  	s1 =	sld [smem:$0x3FAB]  }
0x28: {  	s2 =	sld [smem:$0x3FAC]  }
0x29: {  	s4 =	sld [smem:$0x3FAE]  }
0x2a: {  	p0 =	seq.s32 s5, $0x0;
	s5 =	sld [smem:$0x3FAF]  }
0x2b: {  	s6 =	sld [smem:$0x3FB0]  }
0x2c: {  	s7 =	sld [smem:$0x3FB1]  }
0x2d: {  	s3 =	simm.s32 $0x108;
	s8 =	sld [smem:$0x3FB2]  }
0x2e: {  	s3 =	simm.s32 @!p0 $0x1082;
	s9 =	sld [smem:$0x3FB3]  }
0x2f: {  	lr =	sadd.s32 s0, s3;
	s0 =	sld [smem:$0x3FAA]  }
0x30: {  	s3 =	sld [smem:$0x3FAD]  }
0x31: {  	[smem:$0x3FB6] =	sst s10  }
0x32: {  	s10 =	sld [smem:$0x3FB4];
	_ =	sdelay $0x3  }
0x33: {  	p0 =	seq.s32 s10, $0x1;
	s10 =	sld [smem:$0x3FB6];
	_ =	sdelay $0x3  }
0x34: {  	[smem:$0x3FB6] =	sst s10  }
0x35: {  	s10 =	sld [smem:$0x3FB5];
	_ =	sdelay $0x3  }
0x36: {  	p1 =	seq.s32 s10, $0x1;
	s10 =	sld [smem:$0x3FB6];
	_ =	sdelay $0x3  }
0x37: {  	[smem:$0x3FB6] =	sst s10  }
0x38: {  	s10 =	sld [smem:$0x3FB7]  }
0x39: {  	_ = 	snop;
	(pc) =	sbr.ind lr, $3  }
0x3a: {  	_ = 	snop  }
0x3b: {  	_ = 	snop  }
0x3c: {  	p2 =	seq.s32 s10, $0x1;
	s10 =	sld [smem:$0x3FB6]  }
0x3d: {  	_ =	shalt  }
0x3e: {  	_ =	shalt  }
0x3f: {  	_ =	shalt  }
0x40: {  	_ =	shalt  }
0x41: {  	_ =	shalt  }
0x42: {  	_ =	shalt  }
0x43: {  	_ =	shalt  }
0x44: {  	_ =	shalt  }
0x45: {  	_ =	shalt  }
0x46: {  	_ =	shalt  }
0x47: {  	_ =	shalt  }
0x48: {  	_ =	shalt  }
0x49: {  	_ =	shalt  }
0x4a: {  	_ =	shalt  }
0x4b: {  	_ =	shalt  }
0x4c: {  	_ =	shalt  }
0x4d: {  	_ =	shalt  }
0x4e: {  	_ =	shalt  }
0x4f: {  	_ =	shalt  }
0x50: {  	_ =	shalt  }
0x51: {  	_ =	shalt  }
0x52: {  	_ =	shalt  }
0x53: {  	_ =	shalt  }
0x54: {  	_ =	shalt  }
0x55: {  	_ =	shalt  }
0x56: {  	_ =	shalt  }
0x57: {  	_ =	shalt  }
0x58: {  	_ =	shalt  }
0x59: {  	_ =	shalt  }
0x5a: {  	_ =	shalt  }
0x5b: {  	_ =	shalt  }
0x5c: {  	_ =	shalt  }
0x5d: {  	_ =	shalt  }
0x5e: {  	_ =	shalt  }
0x5f: {  	_ =	shalt  }
0x60: {  	_ =	shalt  }
0x61: {  	_ =	shalt  }
0x62: {  	_ =	shalt  }
0x63: {  	_ =	shalt  }
0x64: {  	_ =	shalt  }
0x65: {  	_ =	shalt  }
0x66: {  	_ =	shalt  }
0x67: {  	_ =	shalt  }
0x68: {  	_ =	shalt  }
0x69: {  	_ =	shalt  }
0x6a: {  	_ =	shalt  }
0x6b: {  	_ =	shalt  }
0x6c: {  	_ =	shalt  }
0x6d: {  	_ =	shalt  }
0x6e: {  	_ =	shalt  }
0x6f: {  	_ =	shalt  }
0x70: {  	_ =	shalt  }
0x71: {  	_ =	shalt  }
0x72: {  	_ =	shalt  }
0x73: {  	_ =	shalt  }
0x74: {  	_ =	shalt  }
0x75: {  	_ =	shalt  }
0x76: {  	_ =	shalt  }
0x77: {  	_ =	shalt  }
0x78: {  	_ =	shalt  }
0x79: {  	_ =	shalt  }
0x7a: {  	_ =	shalt  }
0x7b: {  	_ =	shalt  }
0x7c: {  	_ =	shalt  }
0x7d: {  	_ =	shalt  }
0x7e: {  	_ =	shalt  }
0x7f: {  	_ =	shalt  }
0x80: {  	_ =	shalt  }
0x81: {  	_ =	shalt  }
0x82: {  	_ =	shalt  }
0x83: {  	_ =	shalt  }
0x84: {  	_ =	shalt  }
0x85: {  	_ =	shalt  }
0x86: {  	_ =	shalt  }
0x87: {  	_ =	shalt  }
.Lfunc_end0:
.L_simem_size_0:
called_computation.1_lowered:
.L_overlay_start_0:
0x88: {  	s2 =	sld [smem:$0x3FD9]  }
0x89: {  	s3 =	sld [smem:$0x3FFE];
	_ =	sdelay $0x1  }
0x8a: {  	s1 =	srdreg.scid  }
0x8b: {  	s0 =	sand.u32 $0x1, s1  }
0x8c: {  	s16 =	sshll.u32 s0, $0xA;
	s2 =	sadd.s32 s3, s2  }
0x8d: {  	s2 =	sadd.s32 s2, s16  }
0x8e: {  	[smem:$0x3FC2] =	sst s2  }
0x8f: {  	_ = 	snop  }
0x90: {  	(tm) =	ssettm $0x1  }
0x91: {  	s17 =	sld [smem:$0x3FFB];
	_ =	sdelay $0x3  }
0x92: {  	_ =	strace s17  }
0x93: {  	s2 =	sld [smem:$0x3FFC];
	_ =	sdelay $0x3  }
0x94: {  	_ =	strace s2  }
0x95: {  	s2 =	sld [smem:$0x3FFD];
	_ =	sdelay $0x3  }
0x96: {  	_ =	strace s2  }
0x97: {  	_ =	strace $0x8FFFFFFF  }
0x98: {  	s18 =	sld [smem:$0x3FDB];
	_ =	sdelay $0x1  }
0x99: {  	s19 =	simm.s32 $_scs_section_size  }
0x9a: {  	s4 =	simm.s32 $_size__tile_overlayer_lowered;
	s5 =	simm.s32 $_tile_overlayer_lowered  }
0x9b: {  	s22 =	simm.s32 $0x1BFF;
	s21 =	sshll.u32 s5, $0x1;
	s2 =	sadd.s32 s19, s18  }
0x9c: {  	s6 =	simm.s32 $0x0;
	s20 =	sshll.u32 s4, $0x1;
	s4 =	sadd.s32 s21, s2  }
0x9d: {  	[timem:s6], [sflag:s22] =	dma.local [hbm:s4], s20  }
0x9e: {  	_ =	swait.ge [sflag:s22], s20  }
0x9f: {  	s3 =	ssub.s32 $0x0, s20;
	[sflag:s22] =	ssyncset.done $0x0  }
0xa0: {  	[sflag:s22] =	ssyncadd.s32 s3;
	_ =	sdelay $0x1  }
0xa1: {  	s23 =	simm.s32 $0x1B8B  }
0xa2: {  	_ =	swait.ge [sflag:s23], $0x1  }
0xa3: {  	[sflag:s23] =	ssyncset.done $0x0  }
0xa4: {  	s25 =	simm.s32 $0x1B8E;
	s24 =	sld [smem:$0x3FFE];
	[sflag:s23] =	ssyncadd.s32 $0xFFFFFFFF  }
0xa5: {  	s26 =	simm.s32 $execute0_lowered;
	[smem:$0x3FD2] =	sst s25  }
0xa6: {  	s4 =	sshll.u32 s26, $0x1;
	_ =	strace $0x80000049;
	[dreg:$0x1] =	wrdreg $0xFFFFFFFF  }
0xa7: {  	s28 =	simm.s32 $_size_execute0_lowered;
	s2 =	sadd.s32 s2, s4;
	[dreg:$0x0] =	wrdreg $0x0  }
0xa8: {  	s4 =	sshll.u32 s28, $0x1;
	[dreg:$0x2] =	wrdreg s2  }
0xa9: {  	[dreg:$0x3] =	wrdreg s4  }
0xaa: {  	[dreg:$0x4] =	wrdreg $0xC0  }
0xab: {  	_ =	task [dreg:s6], $0x5FFFF  }
0xac: {  	[dreg:$0x1] =	wrdreg $0xFFFFFFFF  }
0xad: {  	[dreg:$0x0] =	wrdreg $0x60  }
0xae: {  	[dreg:$0x2] =	wrdreg s24  }
0xaf: {  	[dreg:$0x3] =	wrdreg $0x120400  }
0xb0: {  	[dreg:$0x4] =	wrdreg $0x9  }
0xb1: {  	_ =	task.clear_ibuf [dreg:s6], $0x5FFFF;
	_ =	strace $0x90000049  }
0xb2: {  	s29 =	simm.s32 $0x9;
	_ =	strace $0x8000004B  }
0xb3: {  	_ =	swait.ge [sflag:s29], $0x1  }
0xb4: {  	[sflag:s29] =	ssyncadd.s32 $0xFFFFFFFF  }
0xb5: {  	_ =	strace $0x9000004B  }
0xb6: {  	_ =	sfence  }
0xb7: {  	s30 =	sld [smem:$0x0];
	_ =	sdelay $0x2  }
0xb8: {  	s31 =	sshll.u32 s1, $0xD;
	s1 =	sshrl.u32 s1, $0x2  }
0xb9: {  	s3 =	sand.u32 $0x4000, s31;
	s1 =	sadd.s32 s1, s30  }
0xba: {  	s0 =	sor.u32 s3, s0;
	s1 =	sshll.u32 s1, $0x11  }
0xbb: {  	s0 =	sor.u32 s1, s0  }
0xbc: {  	s0 =	sadd.s32 $0x8F2B, s0  }
0xbd: {  	[sflag:s0] =	ssyncadd.remote.s32 $0x1  }
0xbe: {  	_ =	sfence.sel $0xFFFF  }
0xbf: {  	[dreg:$0x0] =	wrdreg $0xFFFFFFFF;
	(pc) =	sbr.abs _section_cstart, $3  }
0xc0: {  	[dreg:$0x1] =	wrdreg $0xFFFFFFFF  }
0xc1: {  	_ =	task.clear_ibuf [dreg:s6], $0x2FFFF;
	_ =	strace $0x9FFFFFFF  }
0xc2: {  	(tm) =	ssettm $0x7FFFFFFF  }
0xc3: {  	_ =	shalt  }
tec
execute0_lowered:
.L_overlay_start_1:
0x0: {  	(tag) =	ssettag $0x1  }
0x1: {  	s0 =	rddreg [dreg:$0x0]  }
0x2: {  	s1 =	srdreg.scid;
	s2 =	rddreg [dreg:$0x1]  }
0x3: {  	s7 =	stileid.u32;
	s5 =	simm.s32 $0x0;
	s13 =	simm.s32 $0xB  }
0x4: {  	s15 =	simm.s32 $0x10040;
	s16 =	simm.s32 $0x50;
	s17 =	simm.s32 $0x9C40  }
0x5: {  	s18 =	simm.s32 $0xB040;
	s20 =	simm.s32 $0xC440;
	s22 =	simm.s32 $0xD840  }
0x6: {  	s28 =	simm.s32 $0x2;
	s29 =	simm.s32 $0x3;
	s4 =	smul.u32 $0x9C4, s7  }
0x7: {  	s30 =	simm.s32 $0x4;
	s31 =	simm.s32 $0x5;
	s6 =	smul.u32 $0x28000, s7  }
0x8: {  	s14 =	simm.s32 $0x7;
	s1 =	sand.u32 $0x1, s1;
	s12 =	smul.u32 $0xA000, s7  }
0x9: {  	s19 =	simm.s32 $0x9;
	s21 =	simm.s32 $0xA;
	s3 =	smul.u32 $0x13880, s1  }
0xa: {  	[smem:$0x7FF] =	sst s5;
	s23 =	smul.u32 $0x14000, s1;
	s1 =	ssub.s32 $0x2, s1  }
0xb: {  	_ =	strace $0x8000004A;
	s4 =	sadd.s32 s4, s0;
	s24 =	sshrl.u32 s1, $0x1  }
0xc: {  	s6 =	sshrl.u32 s6, $0x2;
	s26 =	sshrl.u32 s12, $0x3;
	s3 =	sadd.s32 s3, s0  }
0xd: {  	s0 =	sadd.s32 s23, s0;
	s1 =	ssub.s32 s1, s24;
	s25 =	sadd.s32 $0x1600, s4  }
0xe: {  	s10 =	sadd.s32 s6, s2;
	s4 =	sadd.s32 $0xB400, s4;
	[dreg:$0x3] =	wrdreg s25  }
0xf: {  	s6 =	sadd.s32 s12, s2;
	s23 =	simm.s32 $0x0;
	[dreg:$0x4] =	wrdreg s4  }
0x10: {  	s7 =	sadd.s32 $0x2000, s10;
	s8 =	sadd.s32 $0x4000, s10;
	s9 =	sadd.s32 $0x6000, s10  }
0x11: {  	s10 =	sadd.s32 $0x8000, s10;
	s11 =	sadd.s32 $0x15200, s3;
	s0 =	sadd.s32 $0x3C400, s0  }
0x12: {  	s12 =	smax.u32 s1, $0x1;
	s25 =	simm.s32 $0xEC40;
	s1 =	simm.s32 $0x8  }
0x13: {  	v0 =	vimm.f32 $0.0e+00;
	s24 =	sadd.s32 s26, s0;
	s26 =	simm.s32 $0x1;
	s0 =	simm.s32 $0x6  }
.LBB2_1:
0x14: {  	s3 =	simm.s32 $0x0;
	s4 =	rddreg [dreg:$0x3]  }
0x15: {  	[tilespmem:s3], [sflag:$0xB] =	stream.linear.gather [hbm4b:s4+s3], $0x4E20, $0x38;
	[tilespmem:$0x1C040] =	vst v63  }
0x16: {  	_ =	swait.ge [sflag:s13], $0x4E20  }
0x17: {  	[sflag:s13] =	ssyncset.done $0x0  }
0x18: {  	s5 =	simm.s32 $0x4E20;
	s4 =	rddreg [dreg:$0x4];
	[sflag:s13] =	ssyncadd.s32 $0xFFFFB1E0  }
0x19: {  	[tilespmem:s5], [sflag:$0xB] =	stream.linear.gather [hbm4b:s4+s3], $0x4E20, $0x38;
	[tilespmem:$0x1C040] =	vst v63  }
0x1a: {  	_ =	swait.ge [sflag:s13], $0x4E20  }
0x1b: {  	[sflag:s13] =	ssyncset.done $0x0  }
0x1c: {  	s4 =	simm.s32 $0x100;
	s3 =	simm.s32 $0x0;
	[sflag:s13] =	ssyncadd.s32 $0xFFFFB1E0  }
.LBB2_2:
0x1d: {  	p0 =	sne.s32 s4, $0x7F00;
	[tilespmem:s3+$0x10070] =	vst v0;
	s5 =	smov.u32 s4;
	s4 =	sadd.s32 $0x100, s4  }
.Ltmp0:
0x1e: {  	[tilespmem:s3+$0x10060] =	vst v0;
	(pc) =	sbr.rel @p0 .LBB2_2-.Ltmp0, $3  }
0x1f: {  	[tilespmem:s3+$0x10040] =	vst v0  }
0x20: {  	[tilespmem:s3+$0x10050] =	vst v0;
	_ =	sdelay $0x1  }
0x21: {  	s3 =	sshra.s32 s5, $0x2  }
0x22: {  	[tilespmem:s3+$0x10070] =	vst v0  }
0x23: {  	[tilespmem:s3+$0x10060] =	vst v0  }
0x24: {  	[tilespmem:s3+$0x10040] =	vst v0  }
0x25: {  	[tilespmem:s3+$0x10050] =	vst v0  }
0x26: {  	[spmem:s6] =	stream.linear.scatter [tilespmem:s15], [sflag:$0xB], $0x2000, $0x38;
	[tilespmem:$0x1C040] =	vst v63  }
0x27: {  	_ =	swait.ge [sflag:s13], $0x2000  }
0x28: {  	[sflag:s13] =	ssyncset.done $0x0  }
0x29: {  	[sflag:s13] =	ssyncadd.s32 $0xFFFFE000  }
0x2a: {  	[spmem:s7] =	stream.linear.scatter [tilespmem:s15], [sflag:$0xB], $0x2000, $0x38;
	[tilespmem:$0x1C040] =	vst v63  }
0x2b: {  	_ =	swait.ge [sflag:s13], $0x2000  }
0x2c: {  	[sflag:s13] =	ssyncset.done $0x0  }
0x2d: {  	[sflag:s13] =	ssyncadd.s32 $0xFFFFE000  }
0x2e: {  	[spmem:s8] =	stream.linear.scatter [tilespmem:s15], [sflag:$0xB], $0x2000, $0x38;
	[tilespmem:$0x1C040] =	vst v63  }
0x2f: {  	_ =	swait.ge [sflag:s13], $0x2000  }
0x30: {  	[sflag:s13] =	ssyncset.done $0x0  }
0x31: {  	[sflag:s13] =	ssyncadd.s32 $0xFFFFE000  }
0x32: {  	[spmem:s9] =	stream.linear.scatter [tilespmem:s15], [sflag:$0xB], $0x2000, $0x38;
	[tilespmem:$0x1C040] =	vst v63  }
0x33: {  	_ =	swait.ge [sflag:s13], $0x2000  }
0x34: {  	[sflag:s13] =	ssyncset.done $0x0  }
0x35: {  	[sflag:s13] =	ssyncadd.s32 $0xFFFFE000  }
0x36: {  	[spmem:s10] =	stream.linear.scatter [tilespmem:s15], [sflag:$0xB], $0x2000, $0x38;
	[tilespmem:$0x1C040] =	vst v63  }
0x37: {  	_ =	swait.ge [sflag:s13], $0x2000  }
0x38: {  	[sflag:s13] =	ssyncset.done $0x0  }
0x39: {  	[sflag:s13] =	ssyncadd.s32 $0xFFFFE000  }
0x3a: {  	s5 =	simm.s32 $0x0;
	[bflag:$0x0] =	sbarrier.arrive $0xFFFF  }
0x3b: {  	[tilespmem:s17], [sflag:$0x1] =	stream.indirect.gather [hbm4b:s11+s16], $0x40, s5, s16, $0xb8;
	[tilespmem:$0x1C040] =	vst v63  }
0x3c: {  	_ = 	snop  }
0x3d: {  	[tilespmem:s18], [sflag:$0x2] =	stream.indirect.gather [hbm4b:s11+s16], $0x40, s16, s16, $0xb8;
	[tilespmem:$0x1C040] =	vst v63  }
0x3e: {  	s4 =	simm.s32 $0xA0  }
0x3f: {  	[tilespmem:s20], [sflag:$0x3] =	stream.indirect.gather [hbm4b:s11+s16], $0x40, s4, s16, $0xb8;
	[tilespmem:$0x1C040] =	vst v63  }
0x40: {  	s5 =	simm.s32 $0xF0  }
0x41: {  	[tilespmem:s22], [sflag:$0x4] =	stream.indirect.gather [hbm4b:s11+s16], $0x40, s5, s16, $0xb8;
	[tilespmem:$0x1C040] =	vst v63  }
0x42: {  	s4 =	simm.s32 $0x140  }
0x43: {  	[tilespmem:s25], [sflag:$0x5] =	stream.indirect.gather [hbm4b:s11+s16], $0x40, s4, s16, $0xb8;
	[tilespmem:$0x1C040] =	vst v63  }
0x44: {  	_ =	swait.ge [sflag:s26], $0x1400  }
0x45: {  	[sflag:s26] =	ssyncset.done $0x0  }
0x46: {  	s5 =	simm.s32 $0x4E20;
	[sflag:s26] =	ssyncadd.s32 $0xFFFFEC00  }
0x47: {  	[spmem:s2] =	stream.indirect.scatter.add.f32 [tilespmem:s17], [sflag:$0x6], $0x40, s5, s16, $0xb8;
	[tilespmem:$0x1C040] =	vst v63  }
0x48: {  	_ =	swait.ge [sflag:s28], $0x1400  }
0x49: {  	[sflag:s28] =	ssyncset.done $0x0  }
0x4a: {  	s4 =	simm.s32 $0x4E70;
	[sflag:s28] =	ssyncadd.s32 $0xFFFFEC00  }
0x4b: {  	[spmem:s2] =	stream.indirect.scatter.add.f32 [tilespmem:s18], [sflag:$0x7], $0x40, s4, s16, $0xb8;
	[tilespmem:$0x1C040] =	vst v63  }
0x4c: {  	_ =	swait.ge [sflag:s29], $0x1400  }
0x4d: {  	[sflag:s29] =	ssyncset.done $0x0  }
0x4e: {  	s5 =	simm.s32 $0x4EC0;
	[sflag:s29] =	ssyncadd.s32 $0xFFFFEC00  }
0x4f: {  	[spmem:s2] =	stream.indirect.scatter.add.f32 [tilespmem:s20], [sflag:$0x8], $0x40, s5, s16, $0xb8;
	[tilespmem:$0x1C040] =	vst v63  }
0x50: {  	_ =	swait.ge [sflag:s30], $0x1400  }
0x51: {  	[sflag:s30] =	ssyncset.done $0x0  }
0x52: {  	s4 =	simm.s32 $0x4F10;
	[sflag:s30] =	ssyncadd.s32 $0xFFFFEC00  }
0x53: {  	[spmem:s2] =	stream.indirect.scatter.add.f32 [tilespmem:s22], [sflag:$0x9], $0x40, s4, s16, $0xb8;
	[tilespmem:$0x1C040] =	vst v63  }
0x54: {  	_ =	swait.ge [sflag:s31], $0x1400  }
0x55: {  	[sflag:s31] =	ssyncset.done $0x0  }
0x56: {  	s5 =	simm.s32 $0x4F60;
	[sflag:s31] =	ssyncadd.s32 $0xFFFFEC00  }
0x57: {  	[spmem:s2] =	stream.indirect.scatter.add.f32 [tilespmem:s25], [sflag:$0xA], $0x40, s5, s16, $0xb8;
	[tilespmem:$0x1C040] =	vst v63  }
0x58: {  	_ =	swait.ge [sflag:s0], $0x1400  }
0x59: {  	[sflag:s0] =	ssyncset.done $0x0  }
0x5a: {  	s4 =	simm.s32 $0x190;
	[sflag:s0] =	ssyncadd.s32 $0xFFFFEC00  }
0x5b: {  	[tilespmem:s17], [sflag:$0x1] =	stream.indirect.gather [hbm4b:s11+s16], $0x40, s4, s16, $0xb8;
	[tilespmem:$0x1C040] =	vst v63  }
0x5c: {  	_ =	swait.ge [sflag:s14], $0x1400  }
0x5d: {  	[sflag:s14] =	ssyncset.done $0x0  }
0x5e: {  	s5 =	simm.s32 $0x1E0;
	[sflag:s14] =	ssyncadd.s32 $0xFFFFEC00  }
0x5f: {  	[tilespmem:s18], [sflag:$0x2] =	stream.indirect.gather [hbm4b:s11+s16], $0x40, s5, s16, $0xb8;
	[tilespmem:$0x1C040] =	vst v63  }
0x60: {  	_ =	swait.ge [sflag:s1], $0x1400  }
0x61: {  	[sflag:s1] =	ssyncset.done $0x0  }
0x62: {  	s4 =	simm.s32 $0x230;
	[sflag:s1] =	ssyncadd.s32 $0xFFFFEC00  }
0x63: {  	[tilespmem:s20], [sflag:$0x3] =	stream.indirect.gather [hbm4b:s11+s16], $0x40, s4, s16, $0xb8;
	[tilespmem:$0x1C040] =	vst v63  }
0x64: {  	_ =	swait.ge [sflag:s19], $0x1400  }
0x65: {  	[sflag:s19] =	ssyncset.done $0x0  }
0x66: {  	s5 =	simm.s32 $0x280;
	[sflag:s19] =	ssyncadd.s32 $0xFFFFEC00  }
0x67: {  	[tilespmem:s22], [sflag:$0x4] =	stream.indirect.gather [hbm4b:s11+s16], $0x40, s5, s16, $0xb8;
	[tilespmem:$0x1C040] =	vst v63  }
0x68: {  	_ =	swait.ge [sflag:s21], $0x1400  }
0x69: {  	[sflag:s21] =	ssyncset.done $0x0  }
0x6a: {  	s3 =	simm.s32 $0x640;
	s4 =	simm.s32 $0x2D0;
	[sflag:s21] =	ssyncadd.s32 $0xFFFFEC00  }
.LBB2_4:
0x6b: {  	[tilespmem:s25], [sflag:$0x5] =	stream.indirect.gather [hbm4b:s11+s16], $0x40, s4, s16, $0xb8;
	[tilespmem:$0x1C040] =	vst v63  }
0x6c: {  	s4 =	smov.u32 s3  }
0x6d: {  	p0 =	sne.s32 s3, $0x12C00;
	s3 =	sadd.s32 $0x640, s3;
	_ =	swait.ge [sflag:s26], $0x1400  }
0x6e: {  	s4 =	sshra.s32 s4, $0x2;
	[sflag:s26] =	ssyncset.done $0x0  }
0x6f: {  	s5 =	sadd.s32 $0x4E20, s4;
	[sflag:s26] =	ssyncadd.s32 $0xFFFFEC00  }
0x70: {  	[spmem:s2] =	stream.indirect.scatter.add.f32 [tilespmem:s17], [sflag:$0x6], $0x40, s5, s16, $0xb8;
	[tilespmem:$0x1C040] =	vst v63  }
0x71: {  	_ =	swait.ge [sflag:s28], $0x1400  }
0x72: {  	[sflag:s28] =	ssyncset.done $0x0  }
0x73: {  	s5 =	sadd.s32 $0x4E70, s4;
	[sflag:s28] =	ssyncadd.s32 $0xFFFFEC00  }
0x74: {  	[spmem:s2] =	stream.indirect.scatter.add.f32 [tilespmem:s18], [sflag:$0x7], $0x40, s5, s16, $0xb8;
	[tilespmem:$0x1C040] =	vst v63  }
0x75: {  	_ =	swait.ge [sflag:s29], $0x1400  }
0x76: {  	[sflag:s29] =	ssyncset.done $0x0  }
0x77: {  	s5 =	sadd.s32 $0x4EC0, s4;
	[sflag:s29] =	ssyncadd.s32 $0xFFFFEC00  }
0x78: {  	[spmem:s2] =	stream.indirect.scatter.add.f32 [tilespmem:s20], [sflag:$0x8], $0x40, s5, s16, $0xb8;
	[tilespmem:$0x1C040] =	vst v63  }
0x79: {  	_ =	swait.ge [sflag:s30], $0x1400  }
0x7a: {  	[sflag:s30] =	ssyncset.done $0x0  }
0x7b: {  	s5 =	sadd.s32 $0x4F10, s4;
	[sflag:s30] =	ssyncadd.s32 $0xFFFFEC00  }
0x7c: {  	[spmem:s2] =	stream.indirect.scatter.add.f32 [tilespmem:s22], [sflag:$0x9], $0x40, s5, s16, $0xb8;
	[tilespmem:$0x1C040] =	vst v63  }
0x7d: {  	_ =	swait.ge [sflag:s31], $0x1400  }
0x7e: {  	[sflag:s31] =	ssyncset.done $0x0  }
0x7f: {  	s5 =	sadd.s32 $0x4F60, s4;
	[sflag:s31] =	ssyncadd.s32 $0xFFFFEC00  }
0x80: {  	[spmem:s2] =	stream.indirect.scatter.add.f32 [tilespmem:s25], [sflag:$0xA], $0x40, s5, s16, $0xb8;
	[tilespmem:$0x1C040] =	vst v63  }
0x81: {  	_ =	swait.ge [sflag:s0], $0x1400  }
0x82: {  	[sflag:s0] =	ssyncset.done $0x0  }
0x83: {  	s5 =	sadd.s32 $0x190, s4;
	[sflag:s0] =	ssyncadd.s32 $0xFFFFEC00  }
0x84: {  	[tilespmem:s17], [sflag:$0x1] =	stream.indirect.gather [hbm4b:s11+s16], $0x40, s5, s16, $0xb8;
	[tilespmem:$0x1C040] =	vst v63  }
0x85: {  	_ =	swait.ge [sflag:s14], $0x1400  }
0x86: {  	[sflag:s14] =	ssyncset.done $0x0  }
0x87: {  	s5 =	sadd.s32 $0x1E0, s4;
	[sflag:s14] =	ssyncadd.s32 $0xFFFFEC00  }
0x88: {  	[tilespmem:s18], [sflag:$0x2] =	stream.indirect.gather [hbm4b:s11+s16], $0x40, s5, s16, $0xb8;
	[tilespmem:$0x1C040] =	vst v63  }
0x89: {  	_ =	swait.ge [sflag:s1], $0x1400  }
0x8a: {  	[sflag:s1] =	ssyncset.done $0x0  }
0x8b: {  	s5 =	sadd.s32 $0x230, s4;
	[sflag:s1] =	ssyncadd.s32 $0xFFFFEC00  }
0x8c: {  	[tilespmem:s20], [sflag:$0x3] =	stream.indirect.gather [hbm4b:s11+s16], $0x40, s5, s16, $0xb8;
	[tilespmem:$0x1C040] =	vst v63  }
0x8d: {  	_ =	swait.ge [sflag:s19], $0x1400  }
0x8e: {  	[sflag:s19] =	ssyncset.done $0x0  }
.Ltmp1:
0x8f: {  	s5 =	sadd.s32 $0x280, s4;
	[sflag:s19] =	ssyncadd.s32 $0xFFFFEC00;
	(pc) =	sbr.rel @p0 .LBB2_4-.Ltmp1, $4  }
0x90: {  	[tilespmem:s22], [sflag:$0x4] =	stream.indirect.gather [hbm4b:s11+s16], $0x40, s5, s16, $0xb8;
	[tilespmem:$0x1C040] =	vst v63  }
0x91: {  	_ =	swait.ge [sflag:s21], $0x1400  }
0x92: {  	[sflag:s21] =	ssyncset.done $0x0  }
0x93: {  	s4 =	sadd.s32 $0x2D0, s4;
	[sflag:s21] =	ssyncadd.s32 $0xFFFFEC00  }
0x94: {  	[tilespmem:s25], [sflag:$0x5] =	stream.indirect.gather [hbm4b:s11+s16], $0x40, s4, s16, $0xb8;
	[tilespmem:$0x1C040] =	vst v63  }
0x95: {  	_ =	swait.ge [sflag:s26], $0x1400  }
0x96: {  	[sflag:s26] =	ssyncset.done $0x0  }
0x97: {  	s3 =	simm.s32 $0x9AB0;
	[sflag:s26] =	ssyncadd.s32 $0xFFFFEC00  }
0x98: {  	[spmem:s2] =	stream.indirect.scatter.add.f32 [tilespmem:s17], [sflag:$0x6], $0x40, s3, s16, $0xb8;
	[tilespmem:$0x1C040] =	vst v63  }
0x99: {  	_ =	swait.ge [sflag:s28], $0x1400  }
0x9a: {  	[sflag:s28] =	ssyncset.done $0x0  }
0x9b: {  	s4 =	simm.s32 $0x9B00;
	[sflag:s28] =	ssyncadd.s32 $0xFFFFEC00  }
0x9c: {  	[spmem:s2] =	stream.indirect.scatter.add.f32 [tilespmem:s18], [sflag:$0x7], $0x40, s4, s16, $0xb8;
	[tilespmem:$0x1C040] =	vst v63  }
0x9d: {  	_ =	swait.ge [sflag:s29], $0x1400  }
0x9e: {  	[sflag:s29] =	ssyncset.done $0x0  }
0x9f: {  	s5 =	simm.s32 $0x9B50;
	[sflag:s29] =	ssyncadd.s32 $0xFFFFEC00  }
0xa0: {  	[spmem:s2] =	stream.indirect.scatter.add.f32 [tilespmem:s20], [sflag:$0x8], $0x40, s5, s16, $0xb8;
	[tilespmem:$0x1C040] =	vst v63  }
0xa1: {  	_ =	swait.ge [sflag:s30], $0x1400  }
0xa2: {  	[sflag:s30] =	ssyncset.done $0x0  }
0xa3: {  	s4 =	simm.s32 $0x9BA0;
	[sflag:s30] =	ssyncadd.s32 $0xFFFFEC00  }
0xa4: {  	[spmem:s2] =	stream.indirect.scatter.add.f32 [tilespmem:s22], [sflag:$0x9], $0x40, s4, s16, $0xb8;
	[tilespmem:$0x1C040] =	vst v63  }
0xa5: {  	_ =	swait.ge [sflag:s31], $0x1400  }
0xa6: {  	[sflag:s31] =	ssyncset.done $0x0  }
0xa7: {  	s5 =	simm.s32 $0x9BF0;
	[sflag:s31] =	ssyncadd.s32 $0xFFFFEC00  }
0xa8: {  	[spmem:s2] =	stream.indirect.scatter.add.f32 [tilespmem:s25], [sflag:$0xA], $0x40, s5, s16, $0xb8;
	[tilespmem:$0x1C040] =	vst v63  }
0xa9: {  	_ =	swait.ge [sflag:s0], $0x1400  }
0xaa: {  	[sflag:s0] =	ssyncset.done $0x0  }
0xab: {  	[sflag:s0] =	ssyncadd.s32 $0xFFFFEC00  }
0xac: {  	_ =	swait.ge [sflag:s14], $0x1400  }
0xad: {  	[sflag:s14] =	ssyncset.done $0x0  }
0xae: {  	[sflag:s14] =	ssyncadd.s32 $0xFFFFEC00  }
0xaf: {  	_ =	swait.ge [sflag:s1], $0x1400  }
0xb0: {  	[sflag:s1] =	ssyncset.done $0x0  }
0xb1: {  	[sflag:s1] =	ssyncadd.s32 $0xFFFFEC00  }
0xb2: {  	_ =	swait.ge [sflag:s19], $0x1400  }
0xb3: {  	[sflag:s19] =	ssyncset.done $0x0  }
0xb4: {  	[sflag:s19] =	ssyncadd.s32 $0xFFFFEC00  }
0xb5: {  	s4 =	stileid.u32;
	_ =	swait.ge [sflag:s21], $0x1400  }
0xb6: {  	s23 =	sadd.s32 $0x1, s23;
	s3 =	sshll.u32 s4, $0x6;
	[sflag:s21] =	ssyncset.done $0x0  }
0xb7: {  	p0 =	sne.s32 s23, s12;
	s3 =	sor.u32 $0x1C0B, s3;
	[sflag:s21] =	ssyncadd.s32 $0xFFFFEC00  }
.Ltmp2:
0xb8: {  	s5 =	sshrl.u32 s6, $0x3;
	[bflag:$0x0] =	sbarrier.arrive $0xFFFF;
	(pc) =	sbr.rel @p0 .LBB2_1-.Ltmp2, $4  }
0xb9: {  	[hbm:s24], [sflag:s3] =	dma.local [spmem:s5], $0x1400  }
0xba: {  	_ =	swait.ge [sflag:s13], $0x1400  }
0xbb: {  	[sflag:s13] =	ssyncset.done $0x0  }
0xbc: {  	[sflag:s13] =	ssyncadd.s32 $0xFFFFEC00  }
0xbd: {  	_ =	sfence.sel $0x180000  }
0xbe: {  	[bflag:$0x0] =	sbarrier.arrive $0xFFFF  }
0xbf: {  	_ =	strace $0x9000004A  }
0xc0: {  	s0 =	stileid.u32;
	[bflag:$0x2] =	sbarrier.arrive $0xFFFF  }
0xc1: {  	p0 =	sne.s32 s0, $0x0;
	s0 =	rddreg [dreg:$0x2]  }
0xc2: {  	s0 =	sadd.s32 @!p0 $0x100000, s0  }
0xc3: {  	[sflag:s0] =	ssyncadd.tile.s32 @!p0 $0x1;
	_ =	shalt  }
.Lfunc_end2:
_tile_overlayer_lowered:
.L_overlay_start_2:
0xc4: {  	(tag) =	ssettag $0x2  }
0xc5: {  	s0 =	rddreg [dreg:$0x0];
	s2 =	stileid.u32  }
0xc6: {  	s1 =	rddreg [dreg:$0x1];
	p0 =	sne.s32 s2, $0x0  }
0xc7: {  	s3 =	rddreg [dreg:$0x2];
	[bflag:$0x3] =	sbarrier.arrive $0xFFFF;
	s2 =	simm.s32 @!p0 $0x1C0B  }
0xc8: {  	[timem:s3], [sflag:s2] =	dma.local @!p0 [hbm:s0], s1  }
0xc9: {  	s0 =	simm.s32 @!p0 $0xB  }
0xca: {  	_ =	swait.ge @!p0 [sflag:s0], s1  }
0xcb: {  	s1 =	ssub.s32 @!p0 $0x0, s1;
	[sflag:s0] =	ssyncset.done @!p0 $0x0  }
0xcc: {  	[sflag:s0] =	ssyncadd.s32 @!p0 s1  }
0xcd: {  	[bflag:$0x3] =	sbarrier.arrive $0xFFFF  }
0xce: {  	_ =	shalt  }

// kernel: kernel.15.cloned.1.call-start
scs
__scs_entry_jumppad:
0x0: {  	(pc) =	sbr.rel $0x88, $3  }
0x1: {  	(tag) =	ssettag $0x0;
	lr =	simm.s32 $0x1  }
0x2: {  	[smem:$0x3F9B] =	sst lr;
	_ =	strace $0xD0000000  }
0x3: {  	_ = 	snop  }
0x4: {  	_ = 	snop  }
0x5: {  	_ = 	snop  }
0x6: {  	_ = 	snop  }
0x7: {  	_ = 	snop  }
__scs_overlays_trampoline_lowered:
0x8: {  	[smem:$0x3FAA] =	sst s0  }
0x9: {  	[smem:$0x3FAB] =	sst s1  }
0xa: {  	[smem:$0x3FAC] =	sst s2  }
0xb: {  	[smem:$0x3FAD] =	sst s3  }
0xc: {  	[smem:$0x3FAE] =	sst s4  }
0xd: {  	[smem:$0x3FAF] =	sst s5  }
0xe: {  	[smem:$0x3FB0] =	sst s6  }
0xf: {  	[smem:$0x3FB1] =	sst s7  }
0x10: {  	[smem:$0x3FB2] =	sst s8  }
0x11: {  	[smem:$0x3FB3] =	sst s9;
	s0 =	simm.s32 @!p0 $0x0  }
0x12: {  	s1 =	sld [smem:$0x3F99];
	s0 =	simm.s32 @p0 $0x1  }
0x13: {  	[smem:$0x3FB4] =	sst s0;
	s0 =	simm.s32 @!p1 $0x0  }
0x14: {  	s2 =	sld [smem:$0x3F98];
	s0 =	simm.s32 @p1 $0x1  }
0x15: {  	[smem:$0x3FB5] =	sst s0;
	s0 =	simm.s32 @!p2 $0x0  }
0x16: {  	s3 =	sld [smem:$0x3FDB];
	s0 =	simm.s32 @p2 $0x1  }
0x17: {  	s4 =	simm.s32 $0x1BF5;
	[smem:$0x3FB7] =	sst s0  }
0x18: {  	s0 =	sld [smem:$0x3F9A];
	_ =	swait.ge [sflag:s4], $0x0  }
0x19: {  	s7 =	sld [smem:$0x3F9B]  }
0x1a: {  	s8 =	sadd.s32 $0xFFFFE003, lr  }
0x1b: {  	s9 =	sadd.s32 $0xFFFFFEF7, lr;
	s5 =	simm.s32 $0xFFFFFFFF;
	p2 =	slt.u32 s8, $0xFFFFF086  }
0x1c: {  	p1 =	slt.u32 s9, $0xF7A;
	s5 =	simm.s32 @!p2 $0x0  }
0x1d: {  	s5 =	simm.s32 @p1 $0x1;
	p0 =	seq.s32 s7, s2  }
0x1e: {  	s7 =	smul.u32 @!p0 $0xF7A, s2;
	p2 =	seq.s32 @!p0 s5, $0x0  }
0x1f: {  	s9 =	smul.u32 $0xF7A, s1;
	s8 =	simm.s32 @!p0 $0x1BF5;
	p2 =	por !p2, p0  }
0x20: {  	[sflag:s8] =	ssyncset.s32 @!p0 $0xFFFFF086;
	s6 =	sadd.s32 @!p0 s3, s7;
	s7 =	simm.s32 @!p0 $0x108  }
0x21: {  	s3 =	sadd.s32 s3, s9;
	s6 =	sadd.s32 @!p0 $0x88, s6;
	s7 =	simm.s32 @p2 $0x1082  }
0x22: {  	[simem:s7], [sflag:s8] =	dma.local @!p0 [hbm:s6], $0xF7A  }
0x23: {  	s9 =	sor.u32 $0xD0000000, s2;
	s6 =	simm.s32 $0x108;
	_ =	swait.ge @!p0 [sflag:s8], $0x0  }
0x24: {  	s3 =	sadd.s32 $0x88, s3;
	s6 =	simm.s32 @!p1 $0x1082;
	[sflag:s4] =	ssyncset.s32 $0xFFFFF086  }
0x25: {  	[simem:s6], [sflag:s4] =	dma.local [hbm:s3], $0xF7A  }
0x26: {  	[smem:$0x3F9B] =	sst s1;
	(tag) =	ssettag s2;
	_ =	strace s9  }
0x27: {  	s1 =	sld [smem:$0x3FAB]  }
0x28: {  	s2 =	sld [smem:$0x3FAC]  }
0x29: {  	s4 =	sld [smem:$0x3FAE]  }
0x2a: {  	p0 =	seq.s32 s5, $0x0;
	s5 =	sld [smem:$0x3FAF]  }
0x2b: {  	s6 =	sld [smem:$0x3FB0]  }
0x2c: {  	s7 =	sld [smem:$0x3FB1]  }
0x2d: {  	s3 =	simm.s32 $0x108;
	s8 =	sld [smem:$0x3FB2]  }
0x2e: {  	s3 =	simm.s32 @!p0 $0x1082;
	s9 =	sld [smem:$0x3FB3]  }
0x2f: {  	lr =	sadd.s32 s0, s3;
	s0 =	sld [smem:$0x3FAA]  }
0x30: {  	s3 =	sld [smem:$0x3FAD]  }
0x31: {  	[smem:$0x3FB6] =	sst s10  }
0x32: {  	s10 =	sld [smem:$0x3FB4];
	_ =	sdelay $0x3  }
0x33: {  	p0 =	seq.s32 s10, $0x1;
	s10 =	sld [smem:$0x3FB6];
	_ =	sdelay $0x3  }
0x34: {  	[smem:$0x3FB6] =	sst s10  }
0x35: {  	s10 =	sld [smem:$0x3FB5];
	_ =	sdelay $0x3  }
0x36: {  	p1 =	seq.s32 s10, $0x1;
	s10 =	sld [smem:$0x3FB6];
	_ =	sdelay $0x3  }
0x37: {  	[smem:$0x3FB6] =	sst s10  }
0x38: {  	s10 =	sld [smem:$0x3FB7]  }
0x39: {  	_ = 	snop;
	(pc) =	sbr.ind lr, $3  }
0x3a: {  	_ = 	snop  }
0x3b: {  	_ = 	snop  }
0x3c: {  	p2 =	seq.s32 s10, $0x1;
	s10 =	sld [smem:$0x3FB6]  }
0x3d: {  	_ =	shalt  }
0x3e: {  	_ =	shalt  }
0x3f: {  	_ =	shalt  }
0x40: {  	_ =	shalt  }
0x41: {  	_ =	shalt  }
0x42: {  	_ =	shalt  }
0x43: {  	_ =	shalt  }
0x44: {  	_ =	shalt  }
0x45: {  	_ =	shalt  }
0x46: {  	_ =	shalt  }
0x47: {  	_ =	shalt  }
0x48: {  	_ =	shalt  }
0x49: {  	_ =	shalt  }
0x4a: {  	_ =	shalt  }
0x4b: {  	_ =	shalt  }
0x4c: {  	_ =	shalt  }
0x4d: {  	_ =	shalt  }
0x4e: {  	_ =	shalt  }
0x4f: {  	_ =	shalt  }
0x50: {  	_ =	shalt  }
0x51: {  	_ =	shalt  }
0x52: {  	_ =	shalt  }
0x53: {  	_ =	shalt  }
0x54: {  	_ =	shalt  }
0x55: {  	_ =	shalt  }
0x56: {  	_ =	shalt  }
0x57: {  	_ =	shalt  }
0x58: {  	_ =	shalt  }
0x59: {  	_ =	shalt  }
0x5a: {  	_ =	shalt  }
0x5b: {  	_ =	shalt  }
0x5c: {  	_ =	shalt  }
0x5d: {  	_ =	shalt  }
0x5e: {  	_ =	shalt  }
0x5f: {  	_ =	shalt  }
0x60: {  	_ =	shalt  }
0x61: {  	_ =	shalt  }
0x62: {  	_ =	shalt  }
0x63: {  	_ =	shalt  }
0x64: {  	_ =	shalt  }
0x65: {  	_ =	shalt  }
0x66: {  	_ =	shalt  }
0x67: {  	_ =	shalt  }
0x68: {  	_ =	shalt  }
0x69: {  	_ =	shalt  }
0x6a: {  	_ =	shalt  }
0x6b: {  	_ =	shalt  }
0x6c: {  	_ =	shalt  }
0x6d: {  	_ =	shalt  }
0x6e: {  	_ =	shalt  }
0x6f: {  	_ =	shalt  }
0x70: {  	_ =	shalt  }
0x71: {  	_ =	shalt  }
0x72: {  	_ =	shalt  }
0x73: {  	_ =	shalt  }
0x74: {  	_ =	shalt  }
0x75: {  	_ =	shalt  }
0x76: {  	_ =	shalt  }
0x77: {  	_ =	shalt  }
0x78: {  	_ =	shalt  }
0x79: {  	_ =	shalt  }
0x7a: {  	_ =	shalt  }
0x7b: {  	_ =	shalt  }
0x7c: {  	_ =	shalt  }
0x7d: {  	_ =	shalt  }
0x7e: {  	_ =	shalt  }
0x7f: {  	_ =	shalt  }
0x80: {  	_ =	shalt  }
0x81: {  	_ =	shalt  }
0x82: {  	_ =	shalt  }
0x83: {  	_ =	shalt  }
0x84: {  	_ =	shalt  }
0x85: {  	_ =	shalt  }
0x86: {  	_ =	shalt  }
0x87: {  	_ =	shalt  }
.Lfunc_end0:
.L_simem_size_0:
called_computation.2_lowered:
.L_overlay_start_0:
0x88: {  	s2 =	sld [smem:$0x3FD9]  }
0x89: {  	s3 =	sld [smem:$0x3FFE];
	_ =	sdelay $0x1  }
0x8a: {  	s1 =	srdreg.scid  }
0x8b: {  	s0 =	sand.u32 $0x1, s1  }
0x8c: {  	s17 =	sshll.u32 s0, $0xA;
	s2 =	sadd.s32 s3, s2  }
0x8d: {  	s2 =	sadd.s32 s2, s17  }
0x8e: {  	[smem:$0x3FC2] =	sst s2  }
0x8f: {  	_ = 	snop  }
0x90: {  	s2 =	sld [smem:$0x3FD0];
	(tm) =	ssettm $0x1  }
0x91: {  	s18 =	sld [smem:$0x3FFB];
	_ =	sdelay $0x3  }
0x92: {  	_ =	strace s18  }
0x93: {  	s3 =	sld [smem:$0x3FFC];
	_ =	sdelay $0x3  }
0x94: {  	_ =	strace s3  }
0x95: {  	s3 =	sld [smem:$0x3FFD];
	_ =	sdelay $0x3  }
0x96: {  	_ =	strace s3  }
0x97: {  	_ =	strace $0x8FFFFFFF  }
0x98: {  	s19 =	sld [smem:$0x3FDB];
	_ =	sdelay $0x1  }
0x99: {  	s4 =	simm.s32 $_scs_section_size  }
0x9a: {  	s5 =	simm.s32 $_size__tile_overlayer_lowered;
	s6 =	simm.s32 $_tile_overlayer_lowered  }
0x9b: {  	s22 =	simm.s32 $0x1BFF;
	s21 =	sshll.u32 s6, $0x1;
	s3 =	sadd.s32 s4, s19  }
0x9c: {  	s7 =	simm.s32 $0x0;
	s20 =	sshll.u32 s5, $0x1;
	s5 =	sadd.s32 s21, s3  }
0x9d: {  	[timem:s7], [sflag:s22] =	dma.local [hbm:s5], s20  }
0x9e: {  	_ =	swait.ge [sflag:s22], s20  }
0x9f: {  	s4 =	ssub.s32 $0x0, s20;
	[sflag:s22] =	ssyncset.done $0x0  }
0xa0: {  	[sflag:s22] =	ssyncadd.s32 s4;
	_ =	sdelay $0x1  }
0xa1: {  	s23 =	simm.s32 $0x1B8B  }
0xa2: {  	_ =	swait.ge [sflag:s23], $0x1  }
0xa3: {  	[sflag:s23] =	ssyncset.done $0x0  }
0xa4: {  	s25 =	simm.s32 $0x1B8E;
	s24 =	sld [smem:$0x3FFE];
	[sflag:s23] =	ssyncadd.s32 $0xFFFFFFFF  }
0xa5: {  	s26 =	simm.s32 $execute0_lowered;
	[smem:$0x3FD2] =	sst s25  }
0xa6: {  	s5 =	sshll.u32 s26, $0x1;
	_ =	strace $0x8000004C;
	[dreg:$0x1] =	wrdreg $0xFFFFFFFF  }
0xa7: {  	s28 =	simm.s32 $_size_execute0_lowered;
	s3 =	sadd.s32 s3, s5;
	[dreg:$0x0] =	wrdreg $0x0  }
0xa8: {  	s5 =	sshll.u32 s28, $0x1;
	[dreg:$0x2] =	wrdreg s3  }
0xa9: {  	[dreg:$0x3] =	wrdreg s5  }
0xaa: {  	[dreg:$0x4] =	wrdreg $0xC0  }
0xab: {  	_ =	task [dreg:s7], $0x5FFFF  }
0xac: {  	[dreg:$0x1] =	wrdreg $0xFFFFFFFF  }
0xad: {  	[dreg:$0x0] =	wrdreg $0x60  }
0xae: {  	[dreg:$0x2] =	wrdreg s2  }
0xaf: {  	[dreg:$0x3] =	wrdreg s24  }
0xb0: {  	[dreg:$0x4] =	wrdreg $0xD2200  }
0xb1: {  	[dreg:$0x5] =	wrdreg $0x9  }
0xb2: {  	_ =	task.clear_ibuf [dreg:s7], $0x6FFFF;
	_ =	strace $0x9000004C  }
0xb3: {  	s29 =	simm.s32 $0x9;
	_ =	strace $0x8000004E  }
0xb4: {  	_ =	swait.ge [sflag:s29], $0x1  }
0xb5: {  	[sflag:s29] =	ssyncadd.s32 $0xFFFFFFFF  }
0xb6: {  	_ =	strace $0x9000004E  }
0xb7: {  	_ =	sfence  }
0xb8: {  	s30 =	sld [smem:$0x0];
	_ =	sdelay $0x2  }
0xb9: {  	s31 =	sshll.u32 s1, $0xD;
	s1 =	sshrl.u32 s1, $0x2  }
0xba: {  	s3 =	sand.u32 $0x4000, s31;
	s1 =	sadd.s32 s1, s30  }
0xbb: {  	s0 =	sor.u32 s3, s0;
	s1 =	sshll.u32 s1, $0x11  }
0xbc: {  	s0 =	sor.u32 s1, s0  }
0xbd: {  	s0 =	sadd.s32 $0x8F2B, s0  }
0xbe: {  	[sflag:s0] =	ssyncadd.remote.s32 $0x1  }
0xbf: {  	_ =	sfence.sel $0xFFFF  }
0xc0: {  	[dreg:$0x0] =	wrdreg $0xFFFFFFFF;
	(pc) =	sbr.abs _section_cstart, $3  }
0xc1: {  	[dreg:$0x1] =	wrdreg $0xFFFFFFFF  }
0xc2: {  	_ =	task.clear_ibuf [dreg:s7], $0x2FFFF;
	_ =	strace $0x9FFFFFFF  }
0xc3: {  	(tm) =	ssettm $0x7FFFFFFF  }
tec
execute0_lowered:
.L_overlay_start_1:
0x0: {  	(tag) =	ssettag $0x1  }
0x1: {  	s1 =	rddreg [dreg:$0x0]  }
0x2: {  	s0 =	rddreg [dreg:$0x1];
	s2 =	srdreg.scid  }
0x3: {  	s7 =	stileid.u32;
	s3 =	rddreg [dreg:$0x2];
	s5 =	simm.s32 $0x0  }
0x4: {  	s13 =	simm.s32 $0xB;
	s15 =	simm.s32 $0xB220;
	s16 =	simm.s32 $0x50  }
0x5: {  	s17 =	simm.s32 $0x4E20;
	s18 =	simm.s32 $0x6220;
	s20 =	simm.s32 $0x7620  }
0x6: {  	s28 =	simm.s32 $0x2;
	s29 =	simm.s32 $0x3;
	s30 =	simm.s32 $0x4  }
0x7: {  	s31 =	simm.s32 $0x5;
	s14 =	simm.s32 $0x7;
	s19 =	simm.s32 $0x9  }
0x8: {  	s2 =	sand.u32 $0x1, s2;
	s4 =	sshll.u32 s7, $0x1;
	s6 =	smul.u32 $0x28000, s7  }
0x9: {  	[smem:$0x7FF] =	sst s5;
	s12 =	smul.u32 $0xA000, s7;
	s4 =	sor.u32 s2, s4  }
0xa: {  	_ =	strace $0x8000004D;
	s21 =	smul.u32 $0x14000, s2;
	s2 =	ssub.s32 $0x2, s2  }
0xb: {  	s4 =	smul.u32 $0x4E2, s4;
	s22 =	sshrl.u32 s2, $0x1;
	s24 =	sshrl.u32 s6, $0x2  }
0xc: {  	s7 =	sadd.s32 s12, s3;
	s26 =	sshrl.u32 s12, $0x3;
	s2 =	ssub.s32 s2, s22  }
0xd: {  	s25 =	sadd.s32 s24, s3;
	s22 =	simm.s32 $0x8A20;
	s4 =	sadd.s32 s4, s0  }
0xe: {  	s0 =	sadd.s32 s21, s0;
	s8 =	sadd.s32 $0x2000, s25;
	s9 =	sadd.s32 $0x4000, s25  }
0xf: {  	s10 =	sadd.s32 $0x6000, s25;
	s11 =	sadd.s32 $0x8000, s25;
	s12 =	smax.u32 s2, $0x1  }
0x10: {  	s25 =	simm.s32 $0x9E20;
	s2 =	simm.s32 $0x6;
	s23 =	sadd.s32 $0x1600, s4  }
0x11: {  	s4 =	sadd.s32 $0xB400, s4;
	s0 =	sadd.s32 $0x15200, s0;
	[dreg:$0x4] =	wrdreg s23  }
0x12: {  	s21 =	simm.s32 $0xA;
	[dreg:$0x5] =	wrdreg s4;
	s24 =	sadd.s32 s26, s0  }
0x13: {  	v0 =	vimm.f32 $0.0e+00;
	s26 =	simm.s32 $0x1;
	s0 =	simm.s32 $0x8;
	s23 =	simm.s32 $0x0  }
.LBB2_1:
0x14: {  	s4 =	simm.s32 $0x0;
	s5 =	rddreg [dreg:$0x4]  }
0x15: {  	[tilespmem:s4], [sflag:$0xB] =	stream.linear.gather [hbm4b:s5+s4], $0x2710, $0x38;
	[tilespmem:$0x17220] =	vst v63  }
0x16: {  	_ =	swait.ge [sflag:s13], $0x2710  }
0x17: {  	[sflag:s13] =	ssyncset.done $0x0  }
0x18: {  	s6 =	simm.s32 $0x2710;
	s5 =	rddreg [dreg:$0x5];
	[sflag:s13] =	ssyncadd.s32 $0xFFFFD8F0  }
0x19: {  	[tilespmem:s6], [sflag:$0xB] =	stream.linear.gather [hbm4b:s5+s4], $0x2710, $0x38;
	[tilespmem:$0x17220] =	vst v63  }
0x1a: {  	_ =	swait.ge [sflag:s13], $0x2710  }
0x1b: {  	[sflag:s13] =	ssyncset.done $0x0  }
0x1c: {  	s5 =	simm.s32 $0x100;
	s4 =	simm.s32 $0x0;
	[sflag:s13] =	ssyncadd.s32 $0xFFFFD8F0  }
.LBB2_2:
0x1d: {  	p0 =	sne.s32 s5, $0x7F00;
	[tilespmem:s4+$0xB250] =	vst v0;
	s6 =	smov.u32 s5;
	s5 =	sadd.s32 $0x100, s5  }
.Ltmp0:
0x1e: {  	[tilespmem:s4+$0xB240] =	vst v0;
	(pc) =	sbr.rel @p0 .LBB2_2-.Ltmp0, $3  }
0x1f: {  	[tilespmem:s4+$0xB220] =	vst v0  }
0x20: {  	[tilespmem:s4+$0xB230] =	vst v0;
	_ =	sdelay $0x1  }
0x21: {  	s4 =	sshra.s32 s6, $0x2  }
0x22: {  	[tilespmem:s4+$0xB250] =	vst v0  }
0x23: {  	[tilespmem:s4+$0xB240] =	vst v0  }
0x24: {  	[tilespmem:s4+$0xB220] =	vst v0  }
0x25: {  	[tilespmem:s4+$0xB230] =	vst v0  }
0x26: {  	[spmem:s7] =	stream.linear.scatter [tilespmem:s15], [sflag:$0xB], $0x2000, $0x38;
	[tilespmem:$0x17220] =	vst v63  }
0x27: {  	_ =	swait.ge [sflag:s13], $0x2000  }
0x28: {  	[sflag:s13] =	ssyncset.done $0x0  }
0x29: {  	[sflag:s13] =	ssyncadd.s32 $0xFFFFE000  }
0x2a: {  	[spmem:s8] =	stream.linear.scatter [tilespmem:s15], [sflag:$0xB], $0x2000, $0x38;
	[tilespmem:$0x17220] =	vst v63  }
0x2b: {  	_ =	swait.ge [sflag:s13], $0x2000  }
0x2c: {  	[sflag:s13] =	ssyncset.done $0x0  }
0x2d: {  	[sflag:s13] =	ssyncadd.s32 $0xFFFFE000  }
0x2e: {  	[spmem:s9] =	stream.linear.scatter [tilespmem:s15], [sflag:$0xB], $0x2000, $0x38;
	[tilespmem:$0x17220] =	vst v63  }
0x2f: {  	_ =	swait.ge [sflag:s13], $0x2000  }
0x30: {  	[sflag:s13] =	ssyncset.done $0x0  }
0x31: {  	[sflag:s13] =	ssyncadd.s32 $0xFFFFE000  }
0x32: {  	[spmem:s10] =	stream.linear.scatter [tilespmem:s15], [sflag:$0xB], $0x2000, $0x38;
	[tilespmem:$0x17220] =	vst v63  }
0x33: {  	_ =	swait.ge [sflag:s13], $0x2000  }
0x34: {  	[sflag:s13] =	ssyncset.done $0x0  }
0x35: {  	[sflag:s13] =	ssyncadd.s32 $0xFFFFE000  }
0x36: {  	[spmem:s11] =	stream.linear.scatter [tilespmem:s15], [sflag:$0xB], $0x2000, $0x38;
	[tilespmem:$0x17220] =	vst v63  }
0x37: {  	_ =	swait.ge [sflag:s13], $0x2000  }
0x38: {  	[sflag:s13] =	ssyncset.done $0x0  }
0x39: {  	[sflag:s13] =	ssyncadd.s32 $0xFFFFE000  }
0x3a: {  	s6 =	simm.s32 $0x0;
	[bflag:$0x0] =	sbarrier.arrive $0xFFFF  }
0x3b: {  	[tilespmem:s17], [sflag:$0x1] =	stream.indirect.gather [hbm4b:s1+s16], $0x40, s6, s16, $0xb8;
	[tilespmem:$0x17220] =	vst v63  }
0x3c: {  	_ = 	snop  }
0x3d: {  	[tilespmem:s18], [sflag:$0x2] =	stream.indirect.gather [hbm4b:s1+s16], $0x40, s16, s16, $0xb8;
	[tilespmem:$0x17220] =	vst v63  }
0x3e: {  	s5 =	simm.s32 $0xA0  }
0x3f: {  	[tilespmem:s20], [sflag:$0x3] =	stream.indirect.gather [hbm4b:s1+s16], $0x40, s5, s16, $0xb8;
	[tilespmem:$0x17220] =	vst v63  }
0x40: {  	s6 =	simm.s32 $0xF0  }
0x41: {  	[tilespmem:s22], [sflag:$0x4] =	stream.indirect.gather [hbm4b:s1+s16], $0x40, s6, s16, $0xb8;
	[tilespmem:$0x17220] =	vst v63  }
0x42: {  	s5 =	simm.s32 $0x140  }
0x43: {  	[tilespmem:s25], [sflag:$0x5] =	stream.indirect.gather [hbm4b:s1+s16], $0x40, s5, s16, $0xb8;
	[tilespmem:$0x17220] =	vst v63  }
0x44: {  	_ =	swait.ge [sflag:s26], $0x1400  }
0x45: {  	[sflag:s26] =	ssyncset.done $0x0  }
0x46: {  	s6 =	simm.s32 $0x2710;
	[sflag:s26] =	ssyncadd.s32 $0xFFFFEC00  }
0x47: {  	[spmem:s3] =	stream.indirect.scatter.add.f32 [tilespmem:s17], [sflag:$0x6], $0x40, s6, s16, $0xb8;
	[tilespmem:$0x17220] =	vst v63  }
0x48: {  	_ =	swait.ge [sflag:s28], $0x1400  }
0x49: {  	[sflag:s28] =	ssyncset.done $0x0  }
0x4a: {  	s5 =	simm.s32 $0x2760;
	[sflag:s28] =	ssyncadd.s32 $0xFFFFEC00  }
0x4b: {  	[spmem:s3] =	stream.indirect.scatter.add.f32 [tilespmem:s18], [sflag:$0x7], $0x40, s5, s16, $0xb8;
	[tilespmem:$0x17220] =	vst v63  }
0x4c: {  	_ =	swait.ge [sflag:s29], $0x1400  }
0x4d: {  	[sflag:s29] =	ssyncset.done $0x0  }
0x4e: {  	s6 =	simm.s32 $0x27B0;
	[sflag:s29] =	ssyncadd.s32 $0xFFFFEC00  }
0x4f: {  	[spmem:s3] =	stream.indirect.scatter.add.f32 [tilespmem:s20], [sflag:$0x8], $0x40, s6, s16, $0xb8;
	[tilespmem:$0x17220] =	vst v63  }
0x50: {  	_ =	swait.ge [sflag:s30], $0x1400  }
0x51: {  	[sflag:s30] =	ssyncset.done $0x0  }
0x52: {  	s5 =	simm.s32 $0x2800;
	[sflag:s30] =	ssyncadd.s32 $0xFFFFEC00  }
0x53: {  	[spmem:s3] =	stream.indirect.scatter.add.f32 [tilespmem:s22], [sflag:$0x9], $0x40, s5, s16, $0xb8;
	[tilespmem:$0x17220] =	vst v63  }
0x54: {  	_ =	swait.ge [sflag:s31], $0x1400  }
0x55: {  	[sflag:s31] =	ssyncset.done $0x0  }
0x56: {  	s6 =	simm.s32 $0x2850;
	[sflag:s31] =	ssyncadd.s32 $0xFFFFEC00  }
0x57: {  	[spmem:s3] =	stream.indirect.scatter.add.f32 [tilespmem:s25], [sflag:$0xA], $0x40, s6, s16, $0xb8;
	[tilespmem:$0x17220] =	vst v63  }
0x58: {  	_ =	swait.ge [sflag:s2], $0x1400  }
0x59: {  	[sflag:s2] =	ssyncset.done $0x0  }
0x5a: {  	s5 =	simm.s32 $0x190;
	[sflag:s2] =	ssyncadd.s32 $0xFFFFEC00  }
0x5b: {  	[tilespmem:s17], [sflag:$0x1] =	stream.indirect.gather [hbm4b:s1+s16], $0x40, s5, s16, $0xb8;
	[tilespmem:$0x17220] =	vst v63  }
0x5c: {  	_ =	swait.ge [sflag:s14], $0x1400  }
0x5d: {  	[sflag:s14] =	ssyncset.done $0x0  }
0x5e: {  	s6 =	simm.s32 $0x1E0;
	[sflag:s14] =	ssyncadd.s32 $0xFFFFEC00  }
0x5f: {  	[tilespmem:s18], [sflag:$0x2] =	stream.indirect.gather [hbm4b:s1+s16], $0x40, s6, s16, $0xb8;
	[tilespmem:$0x17220] =	vst v63  }
0x60: {  	_ =	swait.ge [sflag:s0], $0x1400  }
0x61: {  	[sflag:s0] =	ssyncset.done $0x0  }
0x62: {  	s5 =	simm.s32 $0x230;
	[sflag:s0] =	ssyncadd.s32 $0xFFFFEC00  }
0x63: {  	[tilespmem:s20], [sflag:$0x3] =	stream.indirect.gather [hbm4b:s1+s16], $0x40, s5, s16, $0xb8;
	[tilespmem:$0x17220] =	vst v63  }
0x64: {  	_ =	swait.ge [sflag:s19], $0x1400  }
0x65: {  	[sflag:s19] =	ssyncset.done $0x0  }
0x66: {  	s6 =	simm.s32 $0x280;
	[sflag:s19] =	ssyncadd.s32 $0xFFFFEC00  }
0x67: {  	[tilespmem:s22], [sflag:$0x4] =	stream.indirect.gather [hbm4b:s1+s16], $0x40, s6, s16, $0xb8;
	[tilespmem:$0x17220] =	vst v63  }
0x68: {  	_ =	swait.ge [sflag:s21], $0x1400  }
0x69: {  	[sflag:s21] =	ssyncset.done $0x0  }
0x6a: {  	s4 =	simm.s32 $0x640;
	s5 =	simm.s32 $0x2D0;
	[sflag:s21] =	ssyncadd.s32 $0xFFFFEC00  }
.LBB2_4:
0x6b: {  	[tilespmem:s25], [sflag:$0x5] =	stream.indirect.gather [hbm4b:s1+s16], $0x40, s5, s16, $0xb8;
	[tilespmem:$0x17220] =	vst v63  }
0x6c: {  	s5 =	smov.u32 s4  }
0x6d: {  	p0 =	sne.s32 s4, $0x8FC0;
	s4 =	sadd.s32 $0x640, s4;
	_ =	swait.ge [sflag:s26], $0x1400  }
0x6e: {  	s5 =	sshra.s32 s5, $0x2;
	[sflag:s26] =	ssyncset.done $0x0  }
0x6f: {  	s6 =	sadd.s32 $0x2710, s5;
	[sflag:s26] =	ssyncadd.s32 $0xFFFFEC00  }
0x70: {  	[spmem:s3] =	stream.indirect.scatter.add.f32 [tilespmem:s17], [sflag:$0x6], $0x40, s6, s16, $0xb8;
	[tilespmem:$0x17220] =	vst v63  }
0x71: {  	_ =	swait.ge [sflag:s28], $0x1400  }
0x72: {  	[sflag:s28] =	ssyncset.done $0x0  }
0x73: {  	s6 =	sadd.s32 $0x2760, s5;
	[sflag:s28] =	ssyncadd.s32 $0xFFFFEC00  }
0x74: {  	[spmem:s3] =	stream.indirect.scatter.add.f32 [tilespmem:s18], [sflag:$0x7], $0x40, s6, s16, $0xb8;
	[tilespmem:$0x17220] =	vst v63  }
0x75: {  	_ =	swait.ge [sflag:s29], $0x1400  }
0x76: {  	[sflag:s29] =	ssyncset.done $0x0  }
0x77: {  	s6 =	sadd.s32 $0x27B0, s5;
	[sflag:s29] =	ssyncadd.s32 $0xFFFFEC00  }
0x78: {  	[spmem:s3] =	stream.indirect.scatter.add.f32 [tilespmem:s20], [sflag:$0x8], $0x40, s6, s16, $0xb8;
	[tilespmem:$0x17220] =	vst v63  }
0x79: {  	_ =	swait.ge [sflag:s30], $0x1400  }
0x7a: {  	[sflag:s30] =	ssyncset.done $0x0  }
0x7b: {  	s6 =	sadd.s32 $0x2800, s5;
	[sflag:s30] =	ssyncadd.s32 $0xFFFFEC00  }
0x7c: {  	[spmem:s3] =	stream.indirect.scatter.add.f32 [tilespmem:s22], [sflag:$0x9], $0x40, s6, s16, $0xb8;
	[tilespmem:$0x17220] =	vst v63  }
0x7d: {  	_ =	swait.ge [sflag:s31], $0x1400  }
0x7e: {  	[sflag:s31] =	ssyncset.done $0x0  }
0x7f: {  	s6 =	sadd.s32 $0x2850, s5;
	[sflag:s31] =	ssyncadd.s32 $0xFFFFEC00  }
0x80: {  	[spmem:s3] =	stream.indirect.scatter.add.f32 [tilespmem:s25], [sflag:$0xA], $0x40, s6, s16, $0xb8;
	[tilespmem:$0x17220] =	vst v63  }
0x81: {  	_ =	swait.ge [sflag:s2], $0x1400  }
0x82: {  	[sflag:s2] =	ssyncset.done $0x0  }
0x83: {  	s6 =	sadd.s32 $0x190, s5;
	[sflag:s2] =	ssyncadd.s32 $0xFFFFEC00  }
0x84: {  	[tilespmem:s17], [sflag:$0x1] =	stream.indirect.gather [hbm4b:s1+s16], $0x40, s6, s16, $0xb8;
	[tilespmem:$0x17220] =	vst v63  }
0x85: {  	_ =	swait.ge [sflag:s14], $0x1400  }
0x86: {  	[sflag:s14] =	ssyncset.done $0x0  }
0x87: {  	s6 =	sadd.s32 $0x1E0, s5;
	[sflag:s14] =	ssyncadd.s32 $0xFFFFEC00  }
0x88: {  	[tilespmem:s18], [sflag:$0x2] =	stream.indirect.gather [hbm4b:s1+s16], $0x40, s6, s16, $0xb8;
	[tilespmem:$0x17220] =	vst v63  }
0x89: {  	_ =	swait.ge [sflag:s0], $0x1400  }
0x8a: {  	[sflag:s0] =	ssyncset.done $0x0  }
0x8b: {  	s6 =	sadd.s32 $0x230, s5;
	[sflag:s0] =	ssyncadd.s32 $0xFFFFEC00  }
0x8c: {  	[tilespmem:s20], [sflag:$0x3] =	stream.indirect.gather [hbm4b:s1+s16], $0x40, s6, s16, $0xb8;
	[tilespmem:$0x17220] =	vst v63  }
0x8d: {  	_ =	swait.ge [sflag:s19], $0x1400  }
0x8e: {  	[sflag:s19] =	ssyncset.done $0x0  }
.Ltmp1:
0x8f: {  	s6 =	sadd.s32 $0x280, s5;
	[sflag:s19] =	ssyncadd.s32 $0xFFFFEC00;
	(pc) =	sbr.rel @p0 .LBB2_4-.Ltmp1, $4  }
0x90: {  	[tilespmem:s22], [sflag:$0x4] =	stream.indirect.gather [hbm4b:s1+s16], $0x40, s6, s16, $0xb8;
	[tilespmem:$0x17220] =	vst v63  }
0x91: {  	_ =	swait.ge [sflag:s21], $0x1400  }
0x92: {  	[sflag:s21] =	ssyncset.done $0x0  }
0x93: {  	s5 =	sadd.s32 $0x2D0, s5;
	[sflag:s21] =	ssyncadd.s32 $0xFFFFEC00  }
0x94: {  	[tilespmem:s25], [sflag:$0x5] =	stream.indirect.gather [hbm4b:s1+s16], $0x40, s5, s16, $0xb8;
	[tilespmem:$0x17220] =	vst v63  }
0x95: {  	_ =	swait.ge [sflag:s26], $0x1400  }
0x96: {  	[sflag:s26] =	ssyncset.done $0x0  }
0x97: {  	s4 =	simm.s32 $0x4C90;
	[sflag:s26] =	ssyncadd.s32 $0xFFFFEC00  }
0x98: {  	[spmem:s3] =	stream.indirect.scatter.add.f32 [tilespmem:s17], [sflag:$0x6], $0x40, s4, s16, $0xb8;
	[tilespmem:$0x17220] =	vst v63  }
0x99: {  	_ =	swait.ge [sflag:s28], $0x1400  }
0x9a: {  	[sflag:s28] =	ssyncset.done $0x0  }
0x9b: {  	s5 =	simm.s32 $0x4CE0;
	[sflag:s28] =	ssyncadd.s32 $0xFFFFEC00  }
0x9c: {  	[spmem:s3] =	stream.indirect.scatter.add.f32 [tilespmem:s18], [sflag:$0x7], $0x40, s5, s16, $0xb8;
	[tilespmem:$0x17220] =	vst v63  }
0x9d: {  	_ =	swait.ge [sflag:s29], $0x1400  }
0x9e: {  	[sflag:s29] =	ssyncset.done $0x0  }
0x9f: {  	s6 =	simm.s32 $0x4D30;
	[sflag:s29] =	ssyncadd.s32 $0xFFFFEC00  }
0xa0: {  	[spmem:s3] =	stream.indirect.scatter.add.f32 [tilespmem:s20], [sflag:$0x8], $0x40, s6, s16, $0xb8;
	[tilespmem:$0x17220] =	vst v63  }
0xa1: {  	_ =	swait.ge [sflag:s30], $0x1400  }
0xa2: {  	[sflag:s30] =	ssyncset.done $0x0  }
0xa3: {  	s5 =	simm.s32 $0x4D80;
	[sflag:s30] =	ssyncadd.s32 $0xFFFFEC00  }
0xa4: {  	[spmem:s3] =	stream.indirect.scatter.add.f32 [tilespmem:s22], [sflag:$0x9], $0x40, s5, s16, $0xb8;
	[tilespmem:$0x17220] =	vst v63  }
0xa5: {  	_ =	swait.ge [sflag:s31], $0x1400  }
0xa6: {  	[sflag:s31] =	ssyncset.done $0x0  }
0xa7: {  	s6 =	simm.s32 $0x4DD0;
	[sflag:s31] =	ssyncadd.s32 $0xFFFFEC00  }
0xa8: {  	[spmem:s3] =	stream.indirect.scatter.add.f32 [tilespmem:s25], [sflag:$0xA], $0x40, s6, s16, $0xb8;
	[tilespmem:$0x17220] =	vst v63  }
0xa9: {  	_ =	swait.ge [sflag:s2], $0x1400  }
0xaa: {  	[sflag:s2] =	ssyncset.done $0x0  }
0xab: {  	[sflag:s2] =	ssyncadd.s32 $0xFFFFEC00  }
0xac: {  	_ =	swait.ge [sflag:s14], $0x1400  }
0xad: {  	[sflag:s14] =	ssyncset.done $0x0  }
0xae: {  	[sflag:s14] =	ssyncadd.s32 $0xFFFFEC00  }
0xaf: {  	_ =	swait.ge [sflag:s0], $0x1400  }
0xb0: {  	[sflag:s0] =	ssyncset.done $0x0  }
0xb1: {  	[sflag:s0] =	ssyncadd.s32 $0xFFFFEC00  }
0xb2: {  	_ =	swait.ge [sflag:s19], $0x1400  }
0xb3: {  	[sflag:s19] =	ssyncset.done $0x0  }
0xb4: {  	[sflag:s19] =	ssyncadd.s32 $0xFFFFEC00  }
0xb5: {  	s5 =	stileid.u32;
	_ =	swait.ge [sflag:s21], $0x1400  }
0xb6: {  	s23 =	sadd.s32 $0x1, s23;
	s4 =	sshll.u32 s5, $0x6;
	[sflag:s21] =	ssyncset.done $0x0  }
0xb7: {  	p0 =	sne.s32 s23, s12;
	s4 =	sor.u32 $0x1C0B, s4;
	[sflag:s21] =	ssyncadd.s32 $0xFFFFEC00  }
.Ltmp2:
0xb8: {  	s6 =	sshrl.u32 s7, $0x3;
	[bflag:$0x0] =	sbarrier.arrive $0xFFFF;
	(pc) =	sbr.rel @p0 .LBB2_1-.Ltmp2, $4  }
0xb9: {  	[hbm:s24], [sflag:s4] =	dma.local [spmem:s6], $0x1400  }
0xba: {  	_ =	swait.ge [sflag:s13], $0x1400  }
0xbb: {  	[sflag:s13] =	ssyncset.done $0x0  }
0xbc: {  	[sflag:s13] =	ssyncadd.s32 $0xFFFFEC00  }
0xbd: {  	_ =	sfence.sel $0x180000  }
0xbe: {  	[bflag:$0x0] =	sbarrier.arrive $0xFFFF  }
0xbf: {  	_ =	strace $0x9000004D  }
0xc0: {  	s0 =	stileid.u32;
	[bflag:$0x2] =	sbarrier.arrive $0xFFFF  }
0xc1: {  	p0 =	sne.s32 s0, $0x0;
	s0 =	rddreg [dreg:$0x3]  }
0xc2: {  	s0 =	sadd.s32 @!p0 $0x100000, s0  }
0xc3: {  	[sflag:s0] =	ssyncadd.tile.s32 @!p0 $0x1;
	_ =	shalt  }
.Lfunc_end2:
_tile_overlayer_lowered:
.L_overlay_start_2:
0xc4: {  	(tag) =	ssettag $0x2  }
0xc5: {  	s0 =	rddreg [dreg:$0x0];
	s2 =	stileid.u32  }
0xc6: {  	s1 =	rddreg [dreg:$0x1];
	p0 =	sne.s32 s2, $0x0  }
0xc7: {  	s3 =	rddreg [dreg:$0x2];
	[bflag:$0x3] =	sbarrier.arrive $0xFFFF;
	s2 =	simm.s32 @!p0 $0x1C0B  }
0xc8: {  	[timem:s3], [sflag:s2] =	dma.local @!p0 [hbm:s0], s1  }
0xc9: {  	s0 =	simm.s32 @!p0 $0xB  }
0xca: {  	_ =	swait.ge @!p0 [sflag:s0], s1  }
0xcb: {  	s1 =	ssub.s32 @!p0 $0x0, s1;
	[sflag:s0] =	ssyncset.done @!p0 $0x0  }
0xcc: {  	[sflag:s0] =	ssyncadd.s32 @!p0 s1  }
0xcd: {  	[bflag:$0x3] =	sbarrier.arrive $0xFFFF  }
0xce: {  	_ =	shalt  }

// kernel: kernel.9.cloned.1.call-start
scs
__scs_entry_jumppad:
0x0: {  	(pc) =	sbr.rel $0x88, $3  }
0x1: {  	(tag) =	ssettag $0x0;
	lr =	simm.s32 $0x1  }
0x2: {  	[smem:$0x3F9B] =	sst lr;
	_ =	strace $0xD0000000  }
0x3: {  	_ = 	snop  }
0x4: {  	_ = 	snop  }
0x5: {  	_ = 	snop  }
0x6: {  	_ = 	snop  }
0x7: {  	_ = 	snop  }
__scs_overlays_trampoline_lowered:
0x8: {  	[smem:$0x3FAA] =	sst s0  }
0x9: {  	[smem:$0x3FAB] =	sst s1  }
0xa: {  	[smem:$0x3FAC] =	sst s2  }
0xb: {  	[smem:$0x3FAD] =	sst s3  }
0xc: {  	[smem:$0x3FAE] =	sst s4  }
0xd: {  	[smem:$0x3FAF] =	sst s5  }
0xe: {  	[smem:$0x3FB0] =	sst s6  }
0xf: {  	[smem:$0x3FB1] =	sst s7  }
0x10: {  	[smem:$0x3FB2] =	sst s8  }
0x11: {  	[smem:$0x3FB3] =	sst s9;
	s0 =	simm.s32 @!p0 $0x0  }
0x12: {  	s1 =	sld [smem:$0x3F99];
	s0 =	simm.s32 @p0 $0x1  }
0x13: {  	[smem:$0x3FB4] =	sst s0;
	s0 =	simm.s32 @!p1 $0x0  }
0x14: {  	s2 =	sld [smem:$0x3F98];
	s0 =	simm.s32 @p1 $0x1  }
0x15: {  	[smem:$0x3FB5] =	sst s0;
	s0 =	simm.s32 @!p2 $0x0  }
0x16: {  	s3 =	sld [smem:$0x3FDB];
	s0 =	simm.s32 @p2 $0x1  }
0x17: {  	s4 =	simm.s32 $0x1BF5;
	[smem:$0x3FB7] =	sst s0  }
0x18: {  	s0 =	sld [smem:$0x3F9A];
	_ =	swait.ge [sflag:s4], $0x0  }
0x19: {  	s7 =	sld [smem:$0x3F9B]  }
0x1a: {  	s8 =	sadd.s32 $0xFFFFE003, lr  }
0x1b: {  	s9 =	sadd.s32 $0xFFFFFEF7, lr;
	s5 =	simm.s32 $0xFFFFFFFF;
	p2 =	slt.u32 s8, $0xFFFFF086  }
0x1c: {  	p1 =	slt.u32 s9, $0xF7A;
	s5 =	simm.s32 @!p2 $0x0  }
0x1d: {  	s5 =	simm.s32 @p1 $0x1;
	p0 =	seq.s32 s7, s2  }
0x1e: {  	s7 =	smul.u32 @!p0 $0xF7A, s2;
	p2 =	seq.s32 @!p0 s5, $0x0  }
0x1f: {  	s9 =	smul.u32 $0xF7A, s1;
	s8 =	simm.s32 @!p0 $0x1BF5;
	p2 =	por !p2, p0  }
0x20: {  	[sflag:s8] =	ssyncset.s32 @!p0 $0xFFFFF086;
	s6 =	sadd.s32 @!p0 s3, s7;
	s7 =	simm.s32 @!p0 $0x108  }
0x21: {  	s3 =	sadd.s32 s3, s9;
	s6 =	sadd.s32 @!p0 $0x88, s6;
	s7 =	simm.s32 @p2 $0x1082  }
0x22: {  	[simem:s7], [sflag:s8] =	dma.local @!p0 [hbm:s6], $0xF7A  }
0x23: {  	s9 =	sor.u32 $0xD0000000, s2;
	s6 =	simm.s32 $0x108;
	_ =	swait.ge @!p0 [sflag:s8], $0x0  }
0x24: {  	s3 =	sadd.s32 $0x88, s3;
	s6 =	simm.s32 @!p1 $0x1082;
	[sflag:s4] =	ssyncset.s32 $0xFFFFF086  }
0x25: {  	[simem:s6], [sflag:s4] =	dma.local [hbm:s3], $0xF7A  }
0x26: {  	[smem:$0x3F9B] =	sst s1;
	(tag) =	ssettag s2;
	_ =	strace s9  }
0x27: {  	s1 =	sld [smem:$0x3FAB]  }
0x28: {  	s2 =	sld [smem:$0x3FAC]  }
0x29: {  	s4 =	sld [smem:$0x3FAE]  }
0x2a: {  	p0 =	seq.s32 s5, $0x0;
	s5 =	sld [smem:$0x3FAF]  }
0x2b: {  	s6 =	sld [smem:$0x3FB0]  }
0x2c: {  	s7 =	sld [smem:$0x3FB1]  }
0x2d: {  	s3 =	simm.s32 $0x108;
	s8 =	sld [smem:$0x3FB2]  }
0x2e: {  	s3 =	simm.s32 @!p0 $0x1082;
	s9 =	sld [smem:$0x3FB3]  }
0x2f: {  	lr =	sadd.s32 s0, s3;
	s0 =	sld [smem:$0x3FAA]  }
0x30: {  	s3 =	sld [smem:$0x3FAD]  }
0x31: {  	[smem:$0x3FB6] =	sst s10  }
0x32: {  	s10 =	sld [smem:$0x3FB4];
	_ =	sdelay $0x3  }
0x33: {  	p0 =	seq.s32 s10, $0x1;
	s10 =	sld [smem:$0x3FB6];
	_ =	sdelay $0x3  }
0x34: {  	[smem:$0x3FB6] =	sst s10  }
0x35: {  	s10 =	sld [smem:$0x3FB5];
	_ =	sdelay $0x3  }
0x36: {  	p1 =	seq.s32 s10, $0x1;
	s10 =	sld [smem:$0x3FB6];
	_ =	sdelay $0x3  }
0x37: {  	[smem:$0x3FB6] =	sst s10  }
0x38: {  	s10 =	sld [smem:$0x3FB7]  }
0x39: {  	_ = 	snop;
	(pc) =	sbr.ind lr, $3  }
0x3a: {  	_ = 	snop  }
0x3b: {  	_ = 	snop  }
0x3c: {  	p2 =	seq.s32 s10, $0x1;
	s10 =	sld [smem:$0x3FB6]  }
0x3d: {  	_ =	shalt  }
0x3e: {  	_ =	shalt  }
0x3f: {  	_ =	shalt  }
0x40: {  	_ =	shalt  }
0x41: {  	_ =	shalt  }
0x42: {  	_ =	shalt  }
0x43: {  	_ =	shalt  }
0x44: {  	_ =	shalt  }
0x45: {  	_ =	shalt  }
0x46: {  	_ =	shalt  }
0x47: {  	_ =	shalt  }
0x48: {  	_ =	shalt  }
0x49: {  	_ =	shalt  }
0x4a: {  	_ =	shalt  }
0x4b: {  	_ =	shalt  }
0x4c: {  	_ =	shalt  }
0x4d: {  	_ =	shalt  }
0x4e: {  	_ =	shalt  }
0x4f: {  	_ =	shalt  }
0x50: {  	_ =	shalt  }
0x51: {  	_ =	shalt  }
0x52: {  	_ =	shalt  }
0x53: {  	_ =	shalt  }
0x54: {  	_ =	shalt  }
0x55: {  	_ =	shalt  }
0x56: {  	_ =	shalt  }
0x57: {  	_ =	shalt  }
0x58: {  	_ =	shalt  }
0x59: {  	_ =	shalt  }
0x5a: {  	_ =	shalt  }
0x5b: {  	_ =	shalt  }
0x5c: {  	_ =	shalt  }
0x5d: {  	_ =	shalt  }
0x5e: {  	_ =	shalt  }
0x5f: {  	_ =	shalt  }
0x60: {  	_ =	shalt  }
0x61: {  	_ =	shalt  }
0x62: {  	_ =	shalt  }
0x63: {  	_ =	shalt  }
0x64: {  	_ =	shalt  }
0x65: {  	_ =	shalt  }
0x66: {  	_ =	shalt  }
0x67: {  	_ =	shalt  }
0x68: {  	_ =	shalt  }
0x69: {  	_ =	shalt  }
0x6a: {  	_ =	shalt  }
0x6b: {  	_ =	shalt  }
0x6c: {  	_ =	shalt  }
0x6d: {  	_ =	shalt  }
0x6e: {  	_ =	shalt  }
0x6f: {  	_ =	shalt  }
0x70: {  	_ =	shalt  }
0x71: {  	_ =	shalt  }
0x72: {  	_ =	shalt  }
0x73: {  	_ =	shalt  }
0x74: {  	_ =	shalt  }
0x75: {  	_ =	shalt  }
0x76: {  	_ =	shalt  }
0x77: {  	_ =	shalt  }
0x78: {  	_ =	shalt  }
0x79: {  	_ =	shalt  }
0x7a: {  	_ =	shalt  }
0x7b: {  	_ =	shalt  }
0x7c: {  	_ =	shalt  }
0x7d: {  	_ =	shalt  }
0x7e: {  	_ =	shalt  }
0x7f: {  	_ =	shalt  }
0x80: {  	_ =	shalt  }
0x81: {  	_ =	shalt  }
0x82: {  	_ =	shalt  }
0x83: {  	_ =	shalt  }
0x84: {  	_ =	shalt  }
0x85: {  	_ =	shalt  }
0x86: {  	_ =	shalt  }
0x87: {  	_ =	shalt  }
.Lfunc_end0:
.L_simem_size_0:
called_computation_lowered:
.L_overlay_start_0:
0x88: {  	s2 =	sld [smem:$0x3FD9]  }
0x89: {  	s3 =	sld [smem:$0x3FFE];
	_ =	sdelay $0x1  }
0x8a: {  	s1 =	srdreg.scid  }
0x8b: {  	s0 =	sand.u32 $0x1, s1  }
0x8c: {  	s17 =	sshll.u32 s0, $0xA;
	s2 =	sadd.s32 s3, s2  }
0x8d: {  	s2 =	sadd.s32 s2, s17  }
0x8e: {  	[smem:$0x3FC2] =	sst s2  }
0x8f: {  	_ = 	snop  }
0x90: {  	s2 =	sld [smem:$0x3FD0];
	(tm) =	ssettm $0x1  }
0x91: {  	s18 =	sld [smem:$0x3FFB];
	_ =	sdelay $0x3  }
0x92: {  	_ =	strace s18  }
0x93: {  	s3 =	sld [smem:$0x3FFC];
	_ =	sdelay $0x3  }
0x94: {  	_ =	strace s3  }
0x95: {  	s3 =	sld [smem:$0x3FFD];
	_ =	sdelay $0x3  }
0x96: {  	_ =	strace s3  }
0x97: {  	_ =	strace $0x8FFFFFFF  }
0x98: {  	s19 =	sld [smem:$0x3FDB];
	_ =	sdelay $0x1  }
0x99: {  	s4 =	simm.s32 $_scs_section_size  }
0x9a: {  	s5 =	simm.s32 $_size__tile_overlayer_lowered;
	s6 =	simm.s32 $_tile_overlayer_lowered  }
0x9b: {  	s22 =	simm.s32 $0x1BFF;
	s21 =	sshll.u32 s6, $0x1;
	s3 =	sadd.s32 s4, s19  }
0x9c: {  	s7 =	simm.s32 $0x0;
	s20 =	sshll.u32 s5, $0x1;
	s5 =	sadd.s32 s21, s3  }
0x9d: {  	[timem:s7], [sflag:s22] =	dma.local [hbm:s5], s20  }
0x9e: {  	_ =	swait.ge [sflag:s22], s20  }
0x9f: {  	s4 =	ssub.s32 $0x0, s20;
	[sflag:s22] =	ssyncset.done $0x0  }
0xa0: {  	[sflag:s22] =	ssyncadd.s32 s4;
	_ =	sdelay $0x1  }
0xa1: {  	s23 =	simm.s32 $0x1B8B  }
0xa2: {  	_ =	swait.ge [sflag:s23], $0x1  }
0xa3: {  	[sflag:s23] =	ssyncset.done $0x0  }
0xa4: {  	s25 =	simm.s32 $0x1B8E;
	s24 =	sld [smem:$0x3FFE];
	[sflag:s23] =	ssyncadd.s32 $0xFFFFFFFF  }
0xa5: {  	s26 =	simm.s32 $execute0_lowered;
	[smem:$0x3FD2] =	sst s25  }
0xa6: {  	s5 =	sshll.u32 s26, $0x1;
	_ =	strace $0x80000046;
	[dreg:$0x1] =	wrdreg $0xFFFFFFFF  }
0xa7: {  	s28 =	simm.s32 $_size_execute0_lowered;
	s3 =	sadd.s32 s3, s5;
	[dreg:$0x0] =	wrdreg $0x0  }
0xa8: {  	s5 =	sshll.u32 s28, $0x1;
	[dreg:$0x2] =	wrdreg s3  }
0xa9: {  	[dreg:$0x3] =	wrdreg s5  }
0xaa: {  	[dreg:$0x4] =	wrdreg $0xC0  }
0xab: {  	_ =	task [dreg:s7], $0x5FFFF  }
0xac: {  	[dreg:$0x1] =	wrdreg $0xFFFFFFFF  }
0xad: {  	[dreg:$0x0] =	wrdreg $0x60  }
0xae: {  	[dreg:$0x2] =	wrdreg s24  }
0xaf: {  	[dreg:$0x3] =	wrdreg s2  }
0xb0: {  	[dreg:$0x4] =	wrdreg $0x9  }
0xb1: {  	_ =	task.clear_ibuf [dreg:s7], $0x5FFFF;
	_ =	strace $0x90000046  }
0xb2: {  	s29 =	simm.s32 $0x9;
	_ =	strace $0x80000048  }
0xb3: {  	_ =	swait.ge [sflag:s29], $0x1  }
0xb4: {  	[sflag:s29] =	ssyncadd.s32 $0xFFFFFFFF  }
0xb5: {  	_ =	strace $0x90000048  }
0xb6: {  	_ =	sfence  }
0xb7: {  	s30 =	sld [smem:$0x0];
	_ =	sdelay $0x2  }
0xb8: {  	s31 =	sshll.u32 s1, $0xD;
	s1 =	sshrl.u32 s1, $0x2  }
0xb9: {  	s3 =	sand.u32 $0x4000, s31;
	s1 =	sadd.s32 s1, s30  }
0xba: {  	s0 =	sor.u32 s3, s0;
	s1 =	sshll.u32 s1, $0x11  }
0xbb: {  	s0 =	sor.u32 s1, s0  }
0xbc: {  	s0 =	sadd.s32 $0x8F2B, s0  }
0xbd: {  	[sflag:s0] =	ssyncadd.remote.s32 $0x1  }
0xbe: {  	_ =	sfence.sel $0xFFFF  }
0xbf: {  	[dreg:$0x0] =	wrdreg $0xFFFFFFFF;
	(pc) =	sbr.abs _section_cstart, $3  }
0xc0: {  	[dreg:$0x1] =	wrdreg $0xFFFFFFFF  }
0xc1: {  	_ =	task.clear_ibuf [dreg:s7], $0x2FFFF;
	_ =	strace $0x9FFFFFFF  }
0xc2: {  	(tm) =	ssettm $0x7FFFFFFF  }
0xc3: {  	_ =	shalt  }
tec
execute0_lowered:
.L_overlay_start_1:
0x0: {  	(tag) =	ssettag $0x1  }
0x1: {  	s3 =	rddreg [dreg:$0x0];
	s1 =	srdreg.scid  }
0x2: {  	s0 =	stileid.u32;
	s4 =	rddreg [dreg:$0x1]  }
0x3: {  	s8 =	simm.s32 $0x0;
	s5 =	sand.u32 $0x1, s1;
	s2 =	sshll.u32 s0, $0x1  }
0x4: {  	s6 =	sor.u32 s5, s2;
	s2 =	simm.s32 $0x0;
	s5 =	ssub.s32 $0x2, s5  }
0x5: {  	s6 =	smul.u32 $0x4E2, s6;
	[smem:$0x7FF] =	sst s2;
	s7 =	sshrl.u32 s5, $0x1  }
0x6: {  	s1 =	rddreg [dreg:$0x2];
	_ =	strace $0x80000047;
	s5 =	ssub.s32 s5, s7  }
0x7: {  	s7 =	simm.s32 $0x2710;
	s3 =	sadd.s32 s6, s3;
	s4 =	sadd.s32 s4, s6  }
0x8: {  	v0 =	vimm.f32 $0.0e+00;
	v1 =	vimm.f32 $1.000000000e+00;
	s5 =	smax.u32 s5, $0x1;
	s6 =	simm.s32 $0x1;
	s3 =	sadd.s32 $0xB400, s3  }
.LBB2_1:
0x9: {  	[tilespmem:s2], [sflag:$0x1] =	stream.linear.gather [hbm4b:s3+s2], $0x2710, $0x38;
	[tilespmem:$0x4E20] =	vst v63  }
0xa: {  	_ =	swait.ge [sflag:s6], $0x2710  }
0xb: {  	[sflag:s6] =	ssyncset.done $0x0  }
0xc: {  	s9 =	simm.s32 $0x0;
	[sflag:s6] =	ssyncadd.s32 $0xFFFFD8F0  }
.LBB2_2:
0xd: {  	p0 =	sne.s32 s9, $0x9C00  }
.Ltmp0:
0xe: {  	_ = 	snop;
	(pc) =	sbr.rel @p0 .LBB2_2-.Ltmp0, $3  }
0xf: {  	_ =	sdelay $0x1  }
0x10: {  	s10 =	sshra.s32 s9, $0x2  }
0x11: {  	s9 =	sadd.s32 $0x40, s9;
	[tilespmem:s10+$0x2710] =	vst v0  }
0x12: {  	s9 =	simm.s32 $0x0  }
.LBB2_4:
0x13: {  	s10 =	sshra.s32 s9, $0x2  }
0x14: {  	v2 =	vld [tilespmem:s10+$0x0];
	_ =	sdelay $0x7  }
0x15: {  	[tilespmem:v2+s7+$0x0] =	vst.idx.add.f32.msk $0xffff, v1  }
0x16: {  	v2 =	vld [tilespmem:s10+$0x10];
	_ =	sdelay $0x7  }
0x17: {  	[tilespmem:v2+s7+$0x0] =	vst.idx.add.f32.msk $0xffff, v1  }
0x18: {  	v2 =	vld [tilespmem:s10+$0x20];
	_ =	sdelay $0x7  }
0x19: {  	[tilespmem:v2+s7+$0x0] =	vst.idx.add.f32.msk $0xffff, v1  }
0x1a: {  	v2 =	vld [tilespmem:s10+$0x30];
	_ =	sdelay $0x7  }
0x1b: {  	[tilespmem:v2+s7+$0x0] =	vst.idx.add.f32.msk $0xffff, v1  }
0x1c: {  	v2 =	vld [tilespmem:s10+$0x40];
	_ =	sdelay $0x2  }
0x1d: {  	p0 =	sne.s32 s9, $0x9B00  }
.Ltmp1:
0x1e: {  	_ = 	snop;
	(pc) =	sbr.rel @p0 .LBB2_4-.Ltmp1, $2  }
0x1f: {  	_ =	sdelay $0x2  }
0x20: {  	s9 =	sadd.s32 $0x140, s9;
	[tilespmem:v2+s7+$0x0] =	vst.idx.add.f32.msk $0xffff, v1  }
0x21: {  	s8 =	sadd.s32 $0x1, s8  }
0x22: {  	p0 =	sne.s32 s8, s5  }
.Ltmp2:
0x23: {  	_ = 	snop;
	(pc) =	sbr.rel @p0 .LBB2_1-.Ltmp2, $4  }
0x24: {  	[hbm4b:s4+s2] =	stream.linear.scatter [tilespmem:s7], [sflag:$0x1], $0x2710, $0x38;
	[tilespmem:$0x4E20] =	vst v63  }
0x25: {  	_ =	swait.ge [sflag:s6], $0x2710  }
0x26: {  	[sflag:s6] =	ssyncset.done $0x0  }
0x27: {  	[sflag:s6] =	ssyncadd.s32 $0xFFFFD8F0  }
0x28: {  	_ =	sfence.sel $0x180000  }
0x29: {  	[bflag:$0x0] =	sbarrier.arrive $0xFFFF  }
0x2a: {  	p0 =	sne.s32 s0, $0x0;
	_ =	strace $0x90000047  }
0x2b: {  	s0 =	sadd.s32 @!p0 $0x100000, s1;
	[bflag:$0x2] =	sbarrier.arrive $0xFFFF  }
0x2c: {  	[sflag:s0] =	ssyncadd.tile.s32 @!p0 $0x1;
	_ =	shalt  }
.Lfunc_end2:
_tile_overlayer_lowered:
.L_overlay_start_2:
0x2d: {  	(tag) =	ssettag $0x2  }
0x2e: {  	s0 =	rddreg [dreg:$0x0];
	s2 =	stileid.u32  }
0x2f: {  	s1 =	rddreg [dreg:$0x1];
	p0 =	sne.s32 s2, $0x0  }
0x30: {  	s3 =	rddreg [dreg:$0x2];
	[bflag:$0x3] =	sbarrier.arrive $0xFFFF;
	s2 =	simm.s32 @!p0 $0x1C01  }
0x31: {  	[timem:s3], [sflag:s2] =	dma.local @!p0 [hbm:s0], s1  }
0x32: {  	s0 =	simm.s32 @!p0 $0x1  }
0x33: {  	_ =	swait.ge @!p0 [sflag:s0], s1  }
0x34: {  	s1 =	ssub.s32 @!p0 $0x0, s1;
	[sflag:s0] =	ssyncset.done @!p0 $0x0  }
0x35: {  	[sflag:s0] =	ssyncadd.s32 @!p0 s1  }
0x36: {  	[bflag:$0x3] =	sbarrier.arrive $0xFFFF  }
0x37: {  	_ =	shalt  }

</sc_bundles>
